<compile_context>
chip_gen: v7x
topology: tpu7x:2x2x1
jax: 0.10.2.dev20260603
libtpu: 0.0.44.dev20260713+nightly
codegen_flags: <defaults>
</compile_context>

<pallas_src>
import dataclasses
import functools

import jax
import jax.numpy as jnp
from jax import lax
from jax.experimental import pallas as pl
from jax.experimental.pallas import tpu as pltpu
from jax.experimental.pallas import tpu_sc as plsc

_N = 10000
_E = 320000
_H = 128
_WT = 256
_NW = 32
_C = 80
_ROWS = _E // _C
_RPW = _ROWS // _NW

@functools.lru_cache(maxsize=None)
def _get_mesh():
    return plsc.VectorSubcoreMesh(core_axis_name="c", subcore_axis_name="s")


def _get_cp():
    cp = pltpu.CompilerParams()
    if "needs_layout_passes" in pltpu.CompilerParams.__dataclass_fields__:
        cp = dataclasses.replace(cp, needs_layout_passes=False)
    return cp


def _silu(x):
    return x * jax.nn.sigmoid(x)


def _splat(v):
    return jnp.full((16,), v, jnp.int32)



@functools.lru_cache(maxsize=None)
def _make_gather2(wq):
    @functools.partial(
        pl.kernel, mesh=_get_mesh(),
        out_type=[jax.ShapeDtypeStruct((_E, _WT), jnp.float32),
                  jax.ShapeDtypeStruct((_E, wq), jnp.float32)],
        scratch_types=[
            pltpu.VMEM((_C,), jnp.int32),
            pltpu.VMEM((_C,), jnp.int32),
            pltpu.VMEM((_C, _WT), jnp.float32),
            pltpu.VMEM((_C, wq), jnp.float32),
            pltpu.SemaphoreType.DMA,
            pltpu.SemaphoreType.DMA,
        ],
    )
    def gather2(ptab_hbm, qtab_hbm, src_hbm, dst_hbm, ps_out, qs_out,
                idxs_v, idxd_v, bufp_v, bufq_v, sem_p, sem_q):
        wid = lax.axis_index("s") * 2 + lax.axis_index("c")
        base = wid * _RPW

        @pl.loop(0, _RPW)
        def _(j):
            row = base + j
            pltpu.sync_copy(src_hbm.at[row], idxs_v)
            pltpu.sync_copy(dst_hbm.at[row], idxd_v)
            cp = pltpu.async_copy(ptab_hbm.at[idxs_v], bufp_v, sem_p)
            cq = pltpu.async_copy(qtab_hbm.at[idxd_v], bufq_v, sem_q)
            cp.wait()
            cq.wait()
            pltpu.sync_copy(bufp_v, ps_out.at[pl.ds(row * _C, _C)])
            pltpu.sync_copy(bufq_v, qs_out.at[pl.ds(row * _C, _C)])

    return gather2


def _gather2_wide(*args):
    return _make_gather2(_WT)(*args)


def _gather2(*args):
    return _make_gather2(_H)(*args)



@functools.lru_cache(maxsize=None)
def _make_scatter(with_m):
    out_type = [jax.ShapeDtypeStruct((2, _N, 16), jnp.float32)]
    scratch = [
        pltpu.VMEM((_C,), jnp.int32),
        pltpu.VMEM((_C, 16), jnp.float32),
        pltpu.VMEM_SHARED((_N, 16), jnp.float32),
        pltpu.SemaphoreType.DMA,
    ]
    if with_m:
        out_type.append(jax.ShapeDtypeStruct((2, _N, _H), jnp.float32))
        scratch = scratch + [pltpu.VMEM((_C, _H), jnp.float32),
                             pltpu.VMEM_SHARED((_N, _H), jnp.float32)]

    @functools.partial(pl.kernel, mesh=_get_mesh(), out_type=out_type,
                       scratch_types=scratch, compiler_params=_get_cp())
    def scatter(*refs):
        if with_m:
            (vals_hbm, dst_hbm, z16_hbm, pay_hbm, zn_hbm,
             accw_out, accm_out,
             dstbuf_v, vals_v, accw_sh, sem,
             paybuf_v, accm_sh) = refs
        else:
            (vals_hbm, dst_hbm, z16_hbm,
             accw_out,
             dstbuf_v, vals_v, accw_sh, sem) = refs
        cid = lax.axis_index("c")
        sid = lax.axis_index("s")
        wid = sid * 2 + cid
        base = wid * _RPW

        @pl.when(sid == 0)
        def _():
            pltpu.sync_copy(z16_hbm, accw_sh)
            if with_m:
                pltpu.sync_copy(zn_hbm, accm_sh)
        plsc.subcore_barrier()

        @pl.loop(0, _RPW)
        def _(j):
            row = base + j
            if with_m:
                pltpu.sync_copy(pay_hbm.at[pl.ds(row * _C, _C)], paybuf_v)
            pltpu.sync_copy(dst_hbm.at[row], dstbuf_v)
            pltpu.sync_copy(vals_hbm.at[pl.ds(row * _C, _C)], vals_v)
            pltpu.sync_copy(vals_v, accw_sh.at[dstbuf_v], add=True)
            if with_m:
                pltpu.sync_copy(paybuf_v, accm_sh.at[dstbuf_v], add=True)

        plsc.subcore_barrier()

        @pl.when(sid == 0)
        def _():
            pltpu.sync_copy(accw_sh, accw_out.at[cid])
            if with_m:
                pltpu.sync_copy(accm_sh, accm_out.at[cid])

    return scatter


def _scatter_mw(*args):
    return _make_scatter(True)(*args)


def _scatter_w(*args):
    return _make_scatter(False)(*args)



_BE = 2000


def _edge_body(layer0, with_m, ps_ref, qs_ref, a_ref, we1a_ref, we2_ref,
               be2_ref, wx1_ref, bx1_ref, wx2_ref, bx2_ref, *out_refs):
    p = ps_ref[:, :_H]
    xs = ps_ref[:, _H:_H + 3]
    q = qs_ref[:, :_H]
    if layer0:
        xd = qs_ref[:, _H:_H + 3]
        a = jnp.sum((xs - xd) ** 2, axis=-1, keepdims=True)
    else:
        a = a_ref[...]
    m1 = _silu(p + q + a * we1a_ref[...])
    m = _silu(jnp.dot(m1, we2_ref[...],
                      preferred_element_type=jnp.float32) + be2_ref[...])
    t = _silu(jnp.dot(m, wx1_ref[...],
                      preferred_element_type=jnp.float32) + bx1_ref[...])
    w = jnp.dot(t, wx2_ref[...],
                preferred_element_type=jnp.float32) + bx2_ref[...]
    k = 0
    if with_m:
        out_refs[0][...] = m
        k = 1
    pad = jnp.zeros((w.shape[0], 12), jnp.float32)
    out_refs[k][...] = jnp.concatenate([w, w * xs, pad], axis=-1)
    if layer0:
        out_refs[k + 1][...] = a


def _edge_mlp(ps, qs, a, we1a, we2, be2, wx1, bx1, wx2, bx2,
              layer0, with_m):
    grid = (_E // _BE,)
    full = lambda i: (0, 0)
    wq = qs.shape[1]
    in_specs = [
        pl.BlockSpec((_BE, _WT), lambda i: (i, 0)),
        pl.BlockSpec((_BE, wq), lambda i: (i, 0)),
        pl.BlockSpec((_BE, 1), lambda i: (i, 0)),
        pl.BlockSpec((1, _H), full),
        pl.BlockSpec((_H, _H), full),
        pl.BlockSpec((1, _H), full),
        pl.BlockSpec((_H, _H), full),
        pl.BlockSpec((1, _H), full),
        pl.BlockSpec((_H, 1), full),
        pl.BlockSpec((1, 1), full),
    ]
    out_specs = []
    out_shape = []
    if with_m:
        out_specs.append(pl.BlockSpec((_BE, _H), lambda i: (i, 0)))
        out_shape.append(jax.ShapeDtypeStruct((_E, _H), jnp.float32))
    out_specs += [pl.BlockSpec((_BE, 16), lambda i: (i, 0))]
    out_shape += [jax.ShapeDtypeStruct((_E, 16), jnp.float32)]
    if layer0:
        out_specs.append(pl.BlockSpec((_BE, 1), lambda i: (i, 0)))
        out_shape.append(jax.ShapeDtypeStruct((_E, 1), jnp.float32))
    if a is None:
        a = jnp.zeros((_E, 1), jnp.float32)
    return pl.pallas_call(
        functools.partial(_edge_body, layer0, with_m),
        grid=grid, in_specs=in_specs, out_specs=out_specs,
        out_shape=out_shape,
    )(ps, qs, a, we1a.reshape(1, _H), we2, be2.reshape(1, _H),
      wx1, bx1.reshape(1, _H), wx2, bx2.reshape(1, 1))



def kernel(atom_nums, coords, masses, masses_normalized, cond_labels,
           cond_mask, moments, temb, edge_index, embed, W_h, b_h, gamma,
           beta, We1, be1, We2, be2, Wx1, bx1, Wx2, bx2, Wh1, bh1, Wh2, bh2):
    n = coords.shape[0]
    src2d = edge_index[0].reshape(_ROWS, _C)
    dst2d = edge_index[1].reshape(_ROWS, _C)
    aemb = jnp.take(embed, atom_nums, axis=0)
    f = jnp.concatenate([aemb, temb, masses / 12.0, masses_normalized,
                         cond_labels, cond_mask, moments], axis=-1)
    h = f @ W_h + b_h
    x = coords
    num_layers = gamma.shape[0]
    c = 1.0 / float(edge_index.shape[1] // n)
    z16 = jnp.zeros((n, 16), jnp.float32)
    zn = jnp.zeros((n, _H), jnp.float32)
    padt = jnp.zeros((n, _WT - _H - 3), jnp.float32)
    a = None
    for i in range(num_layers):
        mu = h.mean(axis=-1, keepdims=True)
        var = h.var(axis=-1, keepdims=True)
        hn = (h - mu) / jnp.sqrt(var + 1e-5) * gamma[i] + beta[i]
        p = hn @ We1[i][:_H]
        q = hn @ We1[i][_H:2 * _H] + be1[i]
        ptab = jnp.concatenate([p, x, padt], axis=-1)
        if i == 0:
            qtab = jnp.concatenate([q, x, padt], axis=-1)
            ps, qs = _gather2_wide(ptab, qtab, src2d, dst2d)
        else:
            ps, qs = _gather2(ptab, q, src2d, dst2d)
        last = i + 1 == num_layers
        out = list(_edge_mlp(ps, qs, a, We1[i][2 * _H], We2[i], be2[i],
                             Wx1[i], bx1[i], Wx2[i], bx2[i],
                             layer0=(i == 0), with_m=not last))
        m = out.pop(0) if not last else None
        vals16 = out.pop(0)
        if i == 0:
            a = out.pop(0)
        if last:
            accw = _scatter_w(vals16, dst2d, z16)[0]
        else:
            accw, accm = _scatter_mw(vals16, dst2d, z16, m, zn)
        if not last:
            agg = accm[0] + accm[1]
            h = hn + _silu(jnp.concatenate([hn, agg], axis=-1) @ Wh1[i]
                           + bh1[i]) @ Wh2[i] + bh2[i]
        aw = accw[0] + accw[1]
        sw = aw[:, :1]
        swx = aw[:, 1:4]
        x = x + c * (x * sw - swx)
        x = x - x.mean(axis=0, keepdims=True)
    return x

# --- scband reference (transcript-rebuilt; emitter-appended) ---
"""Pipeline reference for scband-equivariant-dynamics-61701500174837 (READ-ONLY COPY).

The authoritative reference and input builder live on the scoring server;
editing this copy changes nothing except your own understanding.
"""

import jax, jax.numpy as jnp
import numpy as np

N = 10000
E = 320000
A = 128
T = 128
H = 128
L = 4
NF = A + T + 1 + 1 + 3 + 3 + 3


def _silu(x):
    return x * jax.nn.sigmoid(x)


def setup_inputs(seed: int = 0):
    key = jax.random.key(seed)
    ks = jax.random.split(key, 24)
    atom_nums = jax.random.randint(ks[0], (N,), 0, 82, dtype=jnp.int32)
    coords = jax.random.normal(ks[1], (N, 3), dtype=jnp.float32)
    coords = coords - coords.mean(axis=0, keepdims=True)
    masses = jax.random.uniform(ks[2], (N, 1), dtype=jnp.float32) * 11.0 + 1.0
    masses_normalized = masses / masses.sum()
    cond_labels = jax.random.normal(ks[3], (N, 3), dtype=jnp.float32)
    cond_mask = jnp.ones((N, 3), dtype=jnp.float32)
    moments = jax.random.normal(ks[4], (N, 3), dtype=jnp.float32)
    temb = jax.random.normal(ks[5], (N, T), dtype=jnp.float32)
    edge_index = jax.random.randint(ks[6], (2, E), 0, N, dtype=jnp.int32)
    s = 0.02
    embed = jax.random.normal(ks[7], (82, A), dtype=jnp.float32) * s
    W_h = jax.random.normal(ks[8], (NF, H), dtype=jnp.float32) * s
    b_h = jnp.zeros((H,), dtype=jnp.float32)
    gamma = jnp.ones((L, H), dtype=jnp.float32)
    beta = jnp.zeros((L, H), dtype=jnp.float32)
    We1 = jax.random.normal(ks[9], (L, 2 * H + 1, H), dtype=jnp.float32) * s
    be1 = jnp.zeros((L, H), dtype=jnp.float32)
    We2 = jax.random.normal(ks[10], (L, H, H), dtype=jnp.float32) * s
    be2 = jnp.zeros((L, H), dtype=jnp.float32)
    Wx1 = jax.random.normal(ks[11], (L, H, H), dtype=jnp.float32) * s
    bx1 = jnp.zeros((L, H), dtype=jnp.float32)
    Wx2 = jax.random.normal(ks[12], (L, H, 1), dtype=jnp.float32) * 0.001
    bx2 = jnp.zeros((L, 1), dtype=jnp.float32)
    Wh1 = jax.random.normal(ks[13], (L, 2 * H, H), dtype=jnp.float32) * s
    bh1 = jnp.zeros((L, H), dtype=jnp.float32)
    Wh2 = jax.random.normal(ks[14], (L, H, H), dtype=jnp.float32) * s
    bh2 = jnp.zeros((L, H), dtype=jnp.float32)
    return {"atom_nums": atom_nums, "coords": coords, "masses": masses,
            "masses_normalized": masses_normalized, "cond_labels": cond_labels,
            "cond_mask": cond_mask, "moments": moments, "temb": temb,
            "edge_index": edge_index, "embed": embed, "W_h": W_h, "b_h": b_h,
            "gamma": gamma, "beta": beta, "We1": We1, "be1": be1, "We2": We2,
            "be2": be2, "Wx1": Wx1, "bx1": bx1, "Wx2": Wx2, "bx2": bx2,
            "Wh1": Wh1, "bh1": bh1, "Wh2": Wh2, "bh2": bh2}


def reference(atom_nums, coords, masses, masses_normalized, cond_labels, cond_mask,
              moments, temb, edge_index, embed, W_h, b_h, gamma, beta,
              We1, be1, We2, be2, Wx1, bx1, Wx2, bx2, Wh1, bh1, Wh2, bh2):
    n = coords.shape[0]
    src = edge_index[0]
    dst = edge_index[1]
    aemb = jnp.take(embed, atom_nums, axis=0)
    f = jnp.concatenate([aemb, temb, masses / 12.0, masses_normalized,
                         cond_labels, cond_mask, moments], axis=-1)
    h = f @ W_h + b_h
    # distance edge features computed under no_grad in the original -> stop_gradient
    a = jax.lax.stop_gradient(
        jnp.sum((coords[src] - coords[dst]) ** 2, axis=-1, keepdims=True))
    x = coords
    num_layers = gamma.shape[0]
    c = 1.0 / float(edge_index.shape[1] // n)
    for i in range(num_layers):
        mu = h.mean(axis=-1, keepdims=True)
        var = h.var(axis=-1, keepdims=True)
        hn = (h - mu) / jnp.sqrt(var + 1e-5) * gamma[i] + beta[i]
        e_in = jnp.concatenate([hn[src], hn[dst], a], axis=-1)
        m = _silu(e_in @ We1[i] + be1[i])
        m = _silu(m @ We2[i] + be2[i])
        w = _silu(m @ Wx1[i] + bx1[i]) @ Wx2[i] + bx2[i]
        delta = (x[dst] - x[src]) * w
        x = x + c * jax.ops.segment_sum(delta, dst, num_segments=n)
        if i + 1 < num_layers:
            agg = jax.ops.segment_sum(m, dst, num_segments=n)
            h = hn + _silu(jnp.concatenate([hn, agg], axis=-1) @ Wh1[i] + bh1[i]) @ Wh2[i] + bh2[i]
        # zero_com_after_blocks (single batched graph -> global mean)
        x = x - x.mean(axis=0, keepdims=True)
    return x

if __name__ == "__main__":
    import jax
    _d = setup_inputs()
    print(jax.jit(kernel)(*tuple(_d.values())))

</pallas_src>

<mosaic_0001>
#map = affine_map<(d0, d1) -> (0, 0)>
module attributes {stable_mosaic.version = 14 : i64} {
  func.func @gather2(%arg0: i32, %arg1: i32, %arg2: memref<10000x256xf32, #tpu.memory_space<hbm>>, %arg3: memref<10000x128xf32, #tpu.memory_space<hbm>>, %arg4: memref<4000x80xi32, #tpu.memory_space<hbm>>, %arg5: memref<4000x80xi32, #tpu.memory_space<hbm>>, %arg6: memref<320000x256xf32, #tpu.memory_space<hbm>>, %arg7: memref<320000x128xf32, #tpu.memory_space<hbm>>, %arg8: memref<80xi32, #tpu.memory_space<vmem>>, %arg9: memref<80xi32, #tpu.memory_space<vmem>>, %arg10: memref<80x256xf32, #tpu.memory_space<vmem>>, %arg11: memref<80x128xf32, #tpu.memory_space<vmem>>, %arg12: memref<!tpu.dma_semaphore, #tpu.memory_space<semaphore_mem>>, %arg13: memref<!tpu.dma_semaphore, #tpu.memory_space<semaphore_mem>>) attributes {dimension_semantics = [#tpu.dimension_semantics<core_parallel>, #tpu.dimension_semantics<subcore_parallel>], iteration_bounds = array<i64: 2, 16>, scalar_prefetch = 0 : i64, scratch_operands = 6 : i64, tpu.core_type = #tpu.core_type<sc_vector_subcore>, window_params = [{transform_indices = #map}, {transform_indices = #map}, {transform_indices = #map}, {transform_indices = #map}, {transform_indices = #map}, {transform_indices = #map}]} {
    %mul3A = arith.constant 2 : i32
    %mul3A_0 = arith.muli %arg1, %mul3A : i32
    %add3A = arith.addi %mul3A_0, %arg0 : i32
    %mul3A_1 = arith.constant 125 : i32
    %mul3A_2 = arith.muli %add3A, %mul3A_1 : i32
    %scan3A = arith.constant 0 : i32
    %scan3A_3 = arith.constant 125 : i32
    %scan3A_4 = arith.addi %scan3A, %scan3A_3 : i32
    %scan3A_5 = arith.constant 1 : i32
    scf.for %scan3A_7 = %scan3A to %scan3A_4 step %scan3A_5  : i32 {
      %mul3A_8 = arith.constant 1 : i32
      %mul3A_9 = arith.muli %scan3A_7, %mul3A_8 : i32
      %add3A_10 = arith.constant 0 : i32
      %add3A_11 = arith.addi %add3A_10, %mul3A_9 : i32
      %add3A_12 = arith.addi %mul3A_2, %add3A_11 : i32
      "tpu.region"() ({
        %run_scoped3A = tpu.sem_alloc : memref<!tpu.dma_semaphore, #tpu.memory_space<semaphore_mem>>
        %dma_start3A_27 = arith.constant 0 : i32
        %dma_start3A_28 = tpu.memref_slice %arg4[%add3A_12, %dma_start3A_27] : memref<4000x80xi32, #tpu.memory_space<hbm>> -> memref<1x80xi32, #tpu.memory_space<hbm>>
        %dma_start3A_29 = tpu.memref_squeeze %dma_start3A_28 : memref<1x80xi32, #tpu.memory_space<hbm>> -> memref<80xi32, #tpu.memory_space<hbm>>
        %dma_start3A_30 = arith.constant 0 : i32
        %dma_start3A_31 = tpu.memref_slice %arg4[%add3A_12, %dma_start3A_30] : memref<4000x80xi32, #tpu.memory_space<hbm>> -> memref<1x80xi32, #tpu.memory_space<hbm>>
        %dma_start3A_32 = tpu.memref_squeeze %dma_start3A_31 : memref<1x80xi32, #tpu.memory_space<hbm>> -> memref<80xi32, #tpu.memory_space<hbm>>
        tpu.enqueue_dma source(%dma_start3A_32 : memref<80xi32, #tpu.memory_space<hbm>>) target(%arg8 : memref<80xi32, #tpu.memory_space<vmem>>) target_semaphore(%run_scoped3A : memref<!tpu.dma_semaphore, #tpu.memory_space<semaphore_mem>>)
        %dma_wait3A_33 = arith.constant 0 : i32
        %dma_wait3A_34 = tpu.memref_slice %arg4[%add3A_12, %dma_wait3A_33] : memref<4000x80xi32, #tpu.memory_space<hbm>> -> memref<1x80xi32, #tpu.memory_space<hbm>>
        %dma_wait3A_35 = tpu.memref_squeeze %dma_wait3A_34 : memref<1x80xi32, #tpu.memory_space<hbm>> -> memref<80xi32, #tpu.memory_space<hbm>>
        %dma_wait3A_36 = arith.constant 0 : i32
        %dma_wait3A_37 = tpu.memref_slice %arg4[%add3A_12, %dma_wait3A_36] : memref<4000x80xi32, #tpu.memory_space<hbm>> -> memref<1x80xi32, #tpu.memory_space<hbm>>
        %dma_wait3A_38 = tpu.memref_squeeze %dma_wait3A_37 : memref<1x80xi32, #tpu.memory_space<hbm>> -> memref<80xi32, #tpu.memory_space<hbm>>
        tpu.wait_dma2 semaphore(%run_scoped3A : memref<!tpu.dma_semaphore, #tpu.memory_space<semaphore_mem>>) src(%dma_wait3A_38 : memref<80xi32, #tpu.memory_space<hbm>>) dst(%arg8 : memref<80xi32, #tpu.memory_space<vmem>>)
        tpu.yield
      }) : () -> ()
      "tpu.region"() ({
        %run_scoped3A = tpu.sem_alloc : memref<!tpu.dma_semaphore, #tpu.memory_space<semaphore_mem>>
        %dma_start3A_27 = arith.constant 0 : i32
        %dma_start3A_28 = tpu.memref_slice %arg5[%add3A_12, %dma_start3A_27] : memref<4000x80xi32, #tpu.memory_space<hbm>> -> memref<1x80xi32, #tpu.memory_space<hbm>>
        %dma_start3A_29 = tpu.memref_squeeze %dma_start3A_28 : memref<1x80xi32, #tpu.memory_space<hbm>> -> memref<80xi32, #tpu.memory_space<hbm>>
        %dma_start3A_30 = arith.constant 0 : i32
        %dma_start3A_31 = tpu.memref_slice %arg5[%add3A_12, %dma_start3A_30] : memref<4000x80xi32, #tpu.memory_space<hbm>> -> memref<1x80xi32, #tpu.memory_space<hbm>>
        %dma_start3A_32 = tpu.memref_squeeze %dma_start3A_31 : memref<1x80xi32, #tpu.memory_space<hbm>> -> memref<80xi32, #tpu.memory_space<hbm>>
        tpu.enqueue_dma source(%dma_start3A_32 : memref<80xi32, #tpu.memory_space<hbm>>) target(%arg9 : memref<80xi32, #tpu.memory_space<vmem>>) target_semaphore(%run_scoped3A : memref<!tpu.dma_semaphore, #tpu.memory_space<semaphore_mem>>)
        %dma_wait3A_33 = arith.constant 0 : i32
        %dma_wait3A_34 = tpu.memref_slice %arg5[%add3A_12, %dma_wait3A_33] : memref<4000x80xi32, #tpu.memory_space<hbm>> -> memref<1x80xi32, #tpu.memory_space<hbm>>
        %dma_wait3A_35 = tpu.memref_squeeze %dma_wait3A_34 : memref<1x80xi32, #tpu.memory_space<hbm>> -> memref<80xi32, #tpu.memory_space<hbm>>
        %dma_wait3A_36 = arith.constant 0 : i32
        %dma_wait3A_37 = tpu.memref_slice %arg5[%add3A_12, %dma_wait3A_36] : memref<4000x80xi32, #tpu.memory_space<hbm>> -> memref<1x80xi32, #tpu.memory_space<hbm>>
        %dma_wait3A_38 = tpu.memref_squeeze %dma_wait3A_37 : memref<1x80xi32, #tpu.memory_space<hbm>> -> memref<80xi32, #tpu.memory_space<hbm>>
        tpu.wait_dma2 semaphore(%run_scoped3A : memref<!tpu.dma_semaphore, #tpu.memory_space<semaphore_mem>>) src(%dma_wait3A_38 : memref<80xi32, #tpu.memory_space<hbm>>) dst(%arg9 : memref<80xi32, #tpu.memory_space<vmem>>)
        tpu.yield
      }) : () -> ()
      %dma_start3A = arith.constant 0 : i32
      %dma_start3A_13 = arith.constant 0 : i32
      %dma_start3A_14 = tpu.memref_slice %arg2[%dma_start3A, %dma_start3A_13] : memref<10000x256xf32, #tpu.memory_space<hbm>> -> memref<10000x256xf32, #tpu.memory_space<hbm>>
      tpu.enqueue_indirect_dma source(%dma_start3A_14 : memref<10000x256xf32, #tpu.memory_space<hbm>>) target(%arg10 : memref<80x256xf32, #tpu.memory_space<vmem>>) offsets(%arg8 : memref<80xi32, #tpu.memory_space<vmem>>) semaphore(%arg12 : memref<!tpu.dma_semaphore, #tpu.memory_space<semaphore_mem>>)
      %dma_start3A_15 = arith.constant 0 : i32
      %dma_start3A_16 = arith.constant 0 : i32
      %dma_start3A_17 = tpu.memref_slice %arg3[%dma_start3A_15, %dma_start3A_16] : memref<10000x128xf32, #tpu.memory_space<hbm>> -> memref<10000x128xf32, #tpu.memory_space<hbm>>
      tpu.enqueue_indirect_dma source(%dma_start3A_17 : memref<10000x128xf32, #tpu.memory_space<hbm>>) target(%arg11 : memref<80x128xf32, #tpu.memory_space<vmem>>) offsets(%arg9 : memref<80xi32, #tpu.memory_space<vmem>>) semaphore(%arg13 : memref<!tpu.dma_semaphore, #tpu.memory_space<semaphore_mem>>)
      %dma_wait3A = arith.constant 0 : i32
      %dma_wait3A_18 = arith.constant 0 : i32
      %dma_wait3A_19 = tpu.memref_slice %arg2[%dma_wait3A, %dma_wait3A_18] : memref<10000x256xf32, #tpu.memory_space<hbm>> -> memref<10000x256xf32, #tpu.memory_space<hbm>>
      tpu.wait_indirect_dma semaphore(%arg12 : memref<!tpu.dma_semaphore, #tpu.memory_space<semaphore_mem>>) src(%dma_wait3A_19 : memref<10000x256xf32, #tpu.memory_space<hbm>>) dst(%arg10 : memref<80x256xf32, #tpu.memory_space<vmem>>)
      %dma_wait3A_20 = arith.constant 0 : i32
      %dma_wait3A_21 = arith.constant 0 : i32
      %dma_wait3A_22 = tpu.memref_slice %arg3[%dma_wait3A_20, %dma_wait3A_21] : memref<10000x128xf32, #tpu.memory_space<hbm>> -> memref<10000x128xf32, #tpu.memory_space<hbm>>
      tpu.wait_indirect_dma semaphore(%arg13 : memref<!tpu.dma_semaphore, #tpu.memory_space<semaphore_mem>>) src(%dma_wait3A_22 : memref<10000x128xf32, #tpu.memory_space<hbm>>) dst(%arg11 : memref<80x128xf32, #tpu.memory_space<vmem>>)
      %mul3A_23 = arith.constant 80 : i32
      %mul3A_24 = arith.muli %add3A_12, %mul3A_23 : i32
      "tpu.region"() ({
        %run_scoped3A = tpu.sem_alloc : memref<!tpu.dma_semaphore, #tpu.memory_space<semaphore_mem>>
        %dma_start3A_27 = arith.constant 0 : i32
        %dma_start3A_28 = tpu.memref_slice %arg6[%mul3A_24, %dma_start3A_27] : memref<320000x256xf32, #tpu.memory_space<hbm>> -> memref<80x256xf32, #tpu.memory_space<hbm>>
        %dma_start3A_29 = arith.constant 0 : i32
        %dma_start3A_30 = tpu.memref_slice %arg6[%mul3A_24, %dma_start3A_29] : memref<320000x256xf32, #tpu.memory_space<hbm>> -> memref<80x256xf32, #tpu.memory_space<hbm>>
        tpu.enqueue_dma source(%arg10 : memref<80x256xf32, #tpu.memory_space<vmem>>) target(%dma_start3A_30 : memref<80x256xf32, #tpu.memory_space<hbm>>) target_semaphore(%run_scoped3A : memref<!tpu.dma_semaphore, #tpu.memory_space<semaphore_mem>>)
        %dma_wait3A_31 = arith.constant 0 : i32
        %dma_wait3A_32 = tpu.memref_slice %arg6[%mul3A_24, %dma_wait3A_31] : memref<320000x256xf32, #tpu.memory_space<hbm>> -> memref<80x256xf32, #tpu.memory_space<hbm>>
        %dma_wait3A_33 = arith.constant 0 : i32
        %dma_wait3A_34 = tpu.memref_slice %arg6[%mul3A_24, %dma_wait3A_33] : memref<320000x256xf32, #tpu.memory_space<hbm>> -> memref<80x256xf32, #tpu.memory_space<hbm>>
        tpu.wait_dma2 semaphore(%run_scoped3A : memref<!tpu.dma_semaphore, #tpu.memory_space<semaphore_mem>>) src(%arg10 : memref<80x256xf32, #tpu.memory_space<vmem>>) dst(%dma_wait3A_34 : memref<80x256xf32, #tpu.memory_space<hbm>>)
        tpu.yield
      }) : () -> ()
      %mul3A_25 = arith.constant 80 : i32
      %mul3A_26 = arith.muli %add3A_12, %mul3A_25 : i32
      "tpu.region"() ({
        %run_scoped3A = tpu.sem_alloc : memref<!tpu.dma_semaphore, #tpu.memory_space<semaphore_mem>>
        %dma_start3A_27 = arith.constant 0 : i32
        %dma_start3A_28 = tpu.memref_slice %arg7[%mul3A_26, %dma_start3A_27] : memref<320000x128xf32, #tpu.memory_space<hbm>> -> memref<80x128xf32, #tpu.memory_space<hbm>>
        %dma_start3A_29 = arith.constant 0 : i32
        %dma_start3A_30 = tpu.memref_slice %arg7[%mul3A_26, %dma_start3A_29] : memref<320000x128xf32, #tpu.memory_space<hbm>> -> memref<80x128xf32, #tpu.memory_space<hbm>>
        tpu.enqueue_dma source(%arg11 : memref<80x128xf32, #tpu.memory_space<vmem>>) target(%dma_start3A_30 : memref<80x128xf32, #tpu.memory_space<hbm>>) target_semaphore(%run_scoped3A : memref<!tpu.dma_semaphore, #tpu.memory_space<semaphore_mem>>)
        %dma_wait3A_31 = arith.constant 0 : i32
        %dma_wait3A_32 = tpu.memref_slice %arg7[%mul3A_26, %dma_wait3A_31] : memref<320000x128xf32, #tpu.memory_space<hbm>> -> memref<80x128xf32, #tpu.memory_space<hbm>>
        %dma_wait3A_33 = arith.constant 0 : i32
        %dma_wait3A_34 = tpu.memref_slice %arg7[%mul3A_26, %dma_wait3A_33] : memref<320000x128xf32, #tpu.memory_space<hbm>> -> memref<80x128xf32, #tpu.memory_space<hbm>>
        tpu.wait_dma2 semaphore(%run_scoped3A : memref<!tpu.dma_semaphore, #tpu.memory_space<semaphore_mem>>) src(%arg11 : memref<80x128xf32, #tpu.memory_space<vmem>>) dst(%dma_wait3A_34 : memref<80x128xf32, #tpu.memory_space<hbm>>)
        tpu.yield
      }) : () -> ()
    }
    %scan3A_6 = arith.constant 125 : i32
    return
  }
}

#map = affine_map<(d0, d1) -> (0, 0)>
module attributes {stable_mosaic.version = 14 : i64} {
  func.func @gather2(%arg0: i32, %arg1: i32, %arg2: memref<10000x256xf32, #tpu.memory_space<hbm>>, %arg3: memref<10000x256xf32, #tpu.memory_space<hbm>>, %arg4: memref<4000x80xi32, #tpu.memory_space<hbm>>, %arg5: memref<4000x80xi32, #tpu.memory_space<hbm>>, %arg6: memref<320000x256xf32, #tpu.memory_space<hbm>>, %arg7: memref<320000x256xf32, #tpu.memory_space<hbm>>, %arg8: memref<80xi32, #tpu.memory_space<vmem>>, %arg9: memref<80xi32, #tpu.memory_space<vmem>>, %arg10: memref<80x256xf32, #tpu.memory_space<vmem>>, %arg11: memref<80x256xf32, #tpu.memory_space<vmem>>, %arg12: memref<!tpu.dma_semaphore, #tpu.memory_space<semaphore_mem>>, %arg13: memref<!tpu.dma_semaphore, #tpu.memory_space<semaphore_mem>>) attributes {dimension_semantics = [#tpu.dimension_semantics<core_parallel>, #tpu.dimension_semantics<subcore_parallel>], iteration_bounds = array<i64: 2, 16>, scalar_prefetch = 0 : i64, scratch_operands = 6 : i64, tpu.core_type = #tpu.core_type<sc_vector_subcore>, window_params = [{transform_indices = #map}, {transform_indices = #map}, {transform_indices = #map}, {transform_indices = #map}, {transform_indices = #map}, {transform_indices = #map}]} {
    %mul3A = arith.constant 2 : i32
    %mul3A_0 = arith.muli %arg1, %mul3A : i32
    %add3A = arith.addi %mul3A_0, %arg0 : i32
    %mul3A_1 = arith.constant 125 : i32
    %mul3A_2 = arith.muli %add3A, %mul3A_1 : i32
    %scan3A = arith.constant 0 : i32
    %scan3A_3 = arith.constant 125 : i32
    %scan3A_4 = arith.addi %scan3A, %scan3A_3 : i32
    %scan3A_5 = arith.constant 1 : i32
    scf.for %scan3A_7 = %scan3A to %scan3A_4 step %scan3A_5  : i32 {
      %mul3A_8 = arith.constant 1 : i32
      %mul3A_9 = arith.muli %scan3A_7, %mul3A_8 : i32
      %add3A_10 = arith.constant 0 : i32
      %add3A_11 = arith.addi %add3A_10, %mul3A_9 : i32
      %add3A_12 = arith.addi %mul3A_2, %add3A_11 : i32
      "tpu.region"() ({
        %run_scoped3A = tpu.sem_alloc : memref<!tpu.dma_semaphore, #tpu.memory_space<semaphore_mem>>
        %dma_start3A_27 = arith.constant 0 : i32
        %dma_start3A_28 = tpu.memref_slice %arg4[%add3A_12, %dma_start3A_27] : memref<4000x80xi32, #tpu.memory_space<hbm>> -> memref<1x80xi32, #tpu.memory_space<hbm>>
        %dma_start3A_29 = tpu.memref_squeeze %dma_start3A_28 : memref<1x80xi32, #tpu.memory_space<hbm>> -> memref<80xi32, #tpu.memory_space<hbm>>
        %dma_start3A_30 = arith.constant 0 : i32
        %dma_start3A_31 = tpu.memref_slice %arg4[%add3A_12, %dma_start3A_30] : memref<4000x80xi32, #tpu.memory_space<hbm>> -> memref<1x80xi32, #tpu.memory_space<hbm>>
        %dma_start3A_32 = tpu.memref_squeeze %dma_start3A_31 : memref<1x80xi32, #tpu.memory_space<hbm>> -> memref<80xi32, #tpu.memory_space<hbm>>
        tpu.enqueue_dma source(%dma_start3A_32 : memref<80xi32, #tpu.memory_space<hbm>>) target(%arg8 : memref<80xi32, #tpu.memory_space<vmem>>) target_semaphore(%run_scoped3A : memref<!tpu.dma_semaphore, #tpu.memory_space<semaphore_mem>>)
        %dma_wait3A_33 = arith.constant 0 : i32
        %dma_wait3A_34 = tpu.memref_slice %arg4[%add3A_12, %dma_wait3A_33] : memref<4000x80xi32, #tpu.memory_space<hbm>> -> memref<1x80xi32, #tpu.memory_space<hbm>>
        %dma_wait3A_35 = tpu.memref_squeeze %dma_wait3A_34 : memref<1x80xi32, #tpu.memory_space<hbm>> -> memref<80xi32, #tpu.memory_space<hbm>>
        %dma_wait3A_36 = arith.constant 0 : i32
        %dma_wait3A_37 = tpu.memref_slice %arg4[%add3A_12, %dma_wait3A_36] : memref<4000x80xi32, #tpu.memory_space<hbm>> -> memref<1x80xi32, #tpu.memory_space<hbm>>
        %dma_wait3A_38 = tpu.memref_squeeze %dma_wait3A_37 : memref<1x80xi32, #tpu.memory_space<hbm>> -> memref<80xi32, #tpu.memory_space<hbm>>
        tpu.wait_dma2 semaphore(%run_scoped3A : memref<!tpu.dma_semaphore, #tpu.memory_space<semaphore_mem>>) src(%dma_wait3A_38 : memref<80xi32, #tpu.memory_space<hbm>>) dst(%arg8 : memref<80xi32, #tpu.memory_space<vmem>>)
        tpu.yield
      }) : () -> ()
      "tpu.region"() ({
        %run_scoped3A = tpu.sem_alloc : memref<!tpu.dma_semaphore, #tpu.memory_space<semaphore_mem>>
        %dma_start3A_27 = arith.constant 0 : i32
        %dma_start3A_28 = tpu.memref_slice %arg5[%add3A_12, %dma_start3A_27] : memref<4000x80xi32, #tpu.memory_space<hbm>> -> memref<1x80xi32, #tpu.memory_space<hbm>>
        %dma_start3A_29 = tpu.memref_squeeze %dma_start3A_28 : memref<1x80xi32, #tpu.memory_space<hbm>> -> memref<80xi32, #tpu.memory_space<hbm>>
        %dma_start3A_30 = arith.constant 0 : i32
        %dma_start3A_31 = tpu.memref_slice %arg5[%add3A_12, %dma_start3A_30] : memref<4000x80xi32, #tpu.memory_space<hbm>> -> memref<1x80xi32, #tpu.memory_space<hbm>>
        %dma_start3A_32 = tpu.memref_squeeze %dma_start3A_31 : memref<1x80xi32, #tpu.memory_space<hbm>> -> memref<80xi32, #tpu.memory_space<hbm>>
        tpu.enqueue_dma source(%dma_start3A_32 : memref<80xi32, #tpu.memory_space<hbm>>) target(%arg9 : memref<80xi32, #tpu.memory_space<vmem>>) target_semaphore(%run_scoped3A : memref<!tpu.dma_semaphore, #tpu.memory_space<semaphore_mem>>)
        %dma_wait3A_33 = arith.constant 0 : i32
        %dma_wait3A_34 = tpu.memref_slice %arg5[%add3A_12, %dma_wait3A_33] : memref<4000x80xi32, #tpu.memory_space<hbm>> -> memref<1x80xi32, #tpu.memory_space<hbm>>
        %dma_wait3A_35 = tpu.memref_squeeze %dma_wait3A_34 : memref<1x80xi32, #tpu.memory_space<hbm>> -> memref<80xi32, #tpu.memory_space<hbm>>
        %dma_wait3A_36 = arith.constant 0 : i32
        %dma_wait3A_37 = tpu.memref_slice %arg5[%add3A_12, %dma_wait3A_36] : memref<4000x80xi32, #tpu.memory_space<hbm>> -> memref<1x80xi32, #tpu.memory_space<hbm>>
        %dma_wait3A_38 = tpu.memref_squeeze %dma_wait3A_37 : memref<1x80xi32, #tpu.memory_space<hbm>> -> memref<80xi32, #tpu.memory_space<hbm>>
        tpu.wait_dma2 semaphore(%run_scoped3A : memref<!tpu.dma_semaphore, #tpu.memory_space<semaphore_mem>>) src(%dma_wait3A_38 : memref<80xi32, #tpu.memory_space<hbm>>) dst(%arg9 : memref<80xi32, #tpu.memory_space<vmem>>)
        tpu.yield
      }) : () -> ()
      %dma_start3A = arith.constant 0 : i32
      %dma_start3A_13 = arith.constant 0 : i32
      %dma_start3A_14 = tpu.memref_slice %arg2[%dma_start3A, %dma_start3A_13] : memref<10000x256xf32, #tpu.memory_space<hbm>> -> memref<10000x256xf32, #tpu.memory_space<hbm>>
      tpu.enqueue_indirect_dma source(%dma_start3A_14 : memref<10000x256xf32, #tpu.memory_space<hbm>>) target(%arg10 : memref<80x256xf32, #tpu.memory_space<vmem>>) offsets(%arg8 : memref<80xi32, #tpu.memory_space<vmem>>) semaphore(%arg12 : memref<!tpu.dma_semaphore, #tpu.memory_space<semaphore_mem>>)
      %dma_start3A_15 = arith.constant 0 : i32
      %dma_start3A_16 = arith.constant 0 : i32
      %dma_start3A_17 = tpu.memref_slice %arg3[%dma_start3A_15, %dma_start3A_16] : memref<10000x256xf32, #tpu.memory_space<hbm>> -> memref<10000x256xf32, #tpu.memory_space<hbm>>
      tpu.enqueue_indirect_dma source(%dma_start3A_17 : memref<10000x256xf32, #tpu.memory_space<hbm>>) target(%arg11 : memref<80x256xf32, #tpu.memory_space<vmem>>) offsets(%arg9 : memref<80xi32, #tpu.memory_space<vmem>>) semaphore(%arg13 : memref<!tpu.dma_semaphore, #tpu.memory_space<semaphore_mem>>)
      %dma_wait3A = arith.constant 0 : i32
      %dma_wait3A_18 = arith.constant 0 : i32
      %dma_wait3A_19 = tpu.memref_slice %arg2[%dma_wait3A, %dma_wait3A_18] : memref<10000x256xf32, #tpu.memory_space<hbm>> -> memref<10000x256xf32, #tpu.memory_space<hbm>>
      tpu.wait_indirect_dma semaphore(%arg12 : memref<!tpu.dma_semaphore, #tpu.memory_space<semaphore_mem>>) src(%dma_wait3A_19 : memref<10000x256xf32, #tpu.memory_space<hbm>>) dst(%arg10 : memref<80x256xf32, #tpu.memory_space<vmem>>)
      %dma_wait3A_20 = arith.constant 0 : i32
      %dma_wait3A_21 = arith.constant 0 : i32
      %dma_wait3A_22 = tpu.memref_slice %arg3[%dma_wait3A_20, %dma_wait3A_21] : memref<10000x256xf32, #tpu.memory_space<hbm>> -> memref<10000x256xf32, #tpu.memory_space<hbm>>
      tpu.wait_indirect_dma semaphore(%arg13 : memref<!tpu.dma_semaphore, #tpu.memory_space<semaphore_mem>>) src(%dma_wait3A_22 : memref<10000x256xf32, #tpu.memory_space<hbm>>) dst(%arg11 : memref<80x256xf32, #tpu.memory_space<vmem>>)
      %mul3A_23 = arith.constant 80 : i32
      %mul3A_24 = arith.muli %add3A_12, %mul3A_23 : i32
      "tpu.region"() ({
        %run_scoped3A = tpu.sem_alloc : memref<!tpu.dma_semaphore, #tpu.memory_space<semaphore_mem>>
        %dma_start3A_27 = arith.constant 0 : i32
        %dma_start3A_28 = tpu.memref_slice %arg6[%mul3A_24, %dma_start3A_27] : memref<320000x256xf32, #tpu.memory_space<hbm>> -> memref<80x256xf32, #tpu.memory_space<hbm>>
        %dma_start3A_29 = arith.constant 0 : i32
        %dma_start3A_30 = tpu.memref_slice %arg6[%mul3A_24, %dma_start3A_29] : memref<320000x256xf32, #tpu.memory_space<hbm>> -> memref<80x256xf32, #tpu.memory_space<hbm>>
        tpu.enqueue_dma source(%arg10 : memref<80x256xf32, #tpu.memory_space<vmem>>) target(%dma_start3A_30 : memref<80x256xf32, #tpu.memory_space<hbm>>) target_semaphore(%run_scoped3A : memref<!tpu.dma_semaphore, #tpu.memory_space<semaphore_mem>>)
        %dma_wait3A_31 = arith.constant 0 : i32
        %dma_wait3A_32 = tpu.memref_slice %arg6[%mul3A_24, %dma_wait3A_31] : memref<320000x256xf32, #tpu.memory_space<hbm>> -> memref<80x256xf32, #tpu.memory_space<hbm>>
        %dma_wait3A_33 = arith.constant 0 : i32
        %dma_wait3A_34 = tpu.memref_slice %arg6[%mul3A_24, %dma_wait3A_33] : memref<320000x256xf32, #tpu.memory_space<hbm>> -> memref<80x256xf32, #tpu.memory_space<hbm>>
        tpu.wait_dma2 semaphore(%run_scoped3A : memref<!tpu.dma_semaphore, #tpu.memory_space<semaphore_mem>>) src(%arg10 : memref<80x256xf32, #tpu.memory_space<vmem>>) dst(%dma_wait3A_34 : memref<80x256xf32, #tpu.memory_space<hbm>>)
        tpu.yield
      }) : () -> ()
      %mul3A_25 = arith.constant 80 : i32
      %mul3A_26 = arith.muli %add3A_12, %mul3A_25 : i32
      "tpu.region"() ({
        %run_scoped3A = tpu.sem_alloc : memref<!tpu.dma_semaphore, #tpu.memory_space<semaphore_mem>>
        %dma_start3A_27 = arith.constant 0 : i32
        %dma_start3A_28 = tpu.memref_slice %arg7[%mul3A_26, %dma_start3A_27] : memref<320000x256xf32, #tpu.memory_space<hbm>> -> memref<80x256xf32, #tpu.memory_space<hbm>>
        %dma_start3A_29 = arith.constant 0 : i32
        %dma_start3A_30 = tpu.memref_slice %arg7[%mul3A_26, %dma_start3A_29] : memref<320000x256xf32, #tpu.memory_space<hbm>> -> memref<80x256xf32, #tpu.memory_space<hbm>>
        tpu.enqueue_dma source(%arg11 : memref<80x256xf32, #tpu.memory_space<vmem>>) target(%dma_start3A_30 : memref<80x256xf32, #tpu.memory_space<hbm>>) target_semaphore(%run_scoped3A : memref<!tpu.dma_semaphore, #tpu.memory_space<semaphore_mem>>)
        %dma_wait3A_31 = arith.constant 0 : i32
        %dma_wait3A_32 = tpu.memref_slice %arg7[%mul3A_26, %dma_wait3A_31] : memref<320000x256xf32, #tpu.memory_space<hbm>> -> memref<80x256xf32, #tpu.memory_space<hbm>>
        %dma_wait3A_33 = arith.constant 0 : i32
        %dma_wait3A_34 = tpu.memref_slice %arg7[%mul3A_26, %dma_wait3A_33] : memref<320000x256xf32, #tpu.memory_space<hbm>> -> memref<80x256xf32, #tpu.memory_space<hbm>>
        tpu.wait_dma2 semaphore(%run_scoped3A : memref<!tpu.dma_semaphore, #tpu.memory_space<semaphore_mem>>) src(%arg11 : memref<80x256xf32, #tpu.memory_space<vmem>>) dst(%dma_wait3A_34 : memref<80x256xf32, #tpu.memory_space<hbm>>)
        tpu.yield
      }) : () -> ()
    }
    %scan3A_6 = arith.constant 125 : i32
    return
  }
}

#map = affine_map<(d0, d1) -> (0, 0)>
#map1 = affine_map<(d0, d1) -> (0, 0, 0)>
module attributes {stable_mosaic.version = 14 : i64} {
  func.func @scatter(%arg0: i32, %arg1: i32, %arg2: memref<320000x16xf32, #tpu.memory_space<hbm>>, %arg3: memref<4000x80xi32, #tpu.memory_space<hbm>>, %arg4: memref<10000x16xf32, #tpu.memory_space<hbm>>, %arg5: memref<320000x128xf32, #tpu.memory_space<hbm>>, %arg6: memref<10000x128xf32, #tpu.memory_space<hbm>>, %arg7: memref<2x10000x16xf32, #tpu.memory_space<hbm>>, %arg8: memref<2x10000x128xf32, #tpu.memory_space<hbm>>, %arg9: memref<80xi32, #tpu.memory_space<vmem>>, %arg10: memref<80x16xf32, #tpu.memory_space<vmem>>, %arg11: memref<10000x16xf32, #tpu.memory_space<vmem_shared>>, %arg12: memref<!tpu.dma_semaphore, #tpu.memory_space<semaphore_mem>>, %arg13: memref<80x128xf32, #tpu.memory_space<vmem>>, %arg14: memref<10000x128xf32, #tpu.memory_space<vmem_shared>>) attributes {dimension_semantics = [#tpu.dimension_semantics<core_parallel>, #tpu.dimension_semantics<subcore_parallel>], iteration_bounds = array<i64: 2, 16>, scalar_prefetch = 0 : i64, scratch_operands = 6 : i64, tpu.core_type = #tpu.core_type<sc_vector_subcore>, window_params = [{transform_indices = #map}, {transform_indices = #map}, {transform_indices = #map}, {transform_indices = #map}, {transform_indices = #map}, {transform_indices = #map1}, {transform_indices = #map1}]} {
    %mul3A = arith.constant 2 : i32
    %mul3A_0 = arith.muli %arg1, %mul3A : i32
    %add3A = arith.addi %mul3A_0, %arg0 : i32
    %mul3A_1 = arith.constant 125 : i32
    %mul3A_2 = arith.muli %add3A, %mul3A_1 : i32
    %eq3A = arith.constant 0 : i32
    %eq3A_3 = arith.cmpi eq, %arg1, %eq3A : i32
    %convert_element_type3A = arith.extui %eq3A_3 : i1 to i32
    %cond3A = arith.constant 0 : i32
    %cond3A_4 = arith.cmpi ne, %convert_element_type3A, %cond3A : i32
    scf.if %cond3A_4 {
      "tpu.region"() ({
        %run_scoped3A = tpu.sem_alloc : memref<!tpu.dma_semaphore, #tpu.memory_space<semaphore_mem>>
        tpu.enqueue_dma source(%arg4 : memref<10000x16xf32, #tpu.memory_space<hbm>>) target(%arg11 : memref<10000x16xf32, #tpu.memory_space<vmem_shared>>) target_semaphore(%run_scoped3A : memref<!tpu.dma_semaphore, #tpu.memory_space<semaphore_mem>>)
        tpu.wait_dma2 semaphore(%run_scoped3A : memref<!tpu.dma_semaphore, #tpu.memory_space<semaphore_mem>>) src(%arg4 : memref<10000x16xf32, #tpu.memory_space<hbm>>) dst(%arg11 : memref<10000x16xf32, #tpu.memory_space<vmem_shared>>)
        tpu.yield
      }) : () -> ()
      "tpu.region"() ({
        %run_scoped3A = tpu.sem_alloc : memref<!tpu.dma_semaphore, #tpu.memory_space<semaphore_mem>>
        tpu.enqueue_dma source(%arg6 : memref<10000x128xf32, #tpu.memory_space<hbm>>) target(%arg14 : memref<10000x128xf32, #tpu.memory_space<vmem_shared>>) target_semaphore(%run_scoped3A : memref<!tpu.dma_semaphore, #tpu.memory_space<semaphore_mem>>)
        tpu.wait_dma2 semaphore(%run_scoped3A : memref<!tpu.dma_semaphore, #tpu.memory_space<semaphore_mem>>) src(%arg6 : memref<10000x128xf32, #tpu.memory_space<hbm>>) dst(%arg14 : memref<10000x128xf32, #tpu.memory_space<vmem_shared>>)
        tpu.yield
      }) : () -> ()
    } else {
    }
    %barrier3A = arith.constant 0 : index
    tpu.barrier barrier_id(%barrier3A)
    %scan3A = arith.constant 0 : i32
    %scan3A_5 = arith.constant 125 : i32
    %scan3A_6 = arith.addi %scan3A, %scan3A_5 : i32
    %scan3A_7 = arith.constant 1 : i32
    scf.for %scan3A_15 = %scan3A to %scan3A_6 step %scan3A_7  : i32 {
      %mul3A_16 = arith.constant 1 : i32
      %mul3A_17 = arith.muli %scan3A_15, %mul3A_16 : i32
      %add3A_18 = arith.constant 0 : i32
      %add3A_19 = arith.addi %add3A_18, %mul3A_17 : i32
      %add3A_20 = arith.addi %mul3A_2, %add3A_19 : i32
      %mul3A_21 = arith.constant 80 : i32
      %mul3A_22 = arith.muli %add3A_20, %mul3A_21 : i32
      "tpu.region"() ({
        %run_scoped3A = tpu.sem_alloc : memref<!tpu.dma_semaphore, #tpu.memory_space<semaphore_mem>>
        %dma_start3A = arith.constant 0 : i32
        %dma_start3A_25 = tpu.memref_slice %arg5[%mul3A_22, %dma_start3A] : memref<320000x128xf32, #tpu.memory_space<hbm>> -> memref<80x128xf32, #tpu.memory_space<hbm>>
        %dma_start3A_26 = arith.constant 0 : i32
        %dma_start3A_27 = tpu.memref_slice %arg5[%mul3A_22, %dma_start3A_26] : memref<320000x128xf32, #tpu.memory_space<hbm>> -> memref<80x128xf32, #tpu.memory_space<hbm>>
        tpu.enqueue_dma source(%dma_start3A_27 : memref<80x128xf32, #tpu.memory_space<hbm>>) target(%arg13 : memref<80x128xf32, #tpu.memory_space<vmem>>) target_semaphore(%run_scoped3A : memref<!tpu.dma_semaphore, #tpu.memory_space<semaphore_mem>>)
        %dma_wait3A = arith.constant 0 : i32
        %dma_wait3A_28 = tpu.memref_slice %arg5[%mul3A_22, %dma_wait3A] : memref<320000x128xf32, #tpu.memory_space<hbm>> -> memref<80x128xf32, #tpu.memory_space<hbm>>
        %dma_wait3A_29 = arith.constant 0 : i32
        %dma_wait3A_30 = tpu.memref_slice %arg5[%mul3A_22, %dma_wait3A_29] : memref<320000x128xf32, #tpu.memory_space<hbm>> -> memref<80x128xf32, #tpu.memory_space<hbm>>
        tpu.wait_dma2 semaphore(%run_scoped3A : memref<!tpu.dma_semaphore, #tpu.memory_space<semaphore_mem>>) src(%dma_wait3A_30 : memref<80x128xf32, #tpu.memory_space<hbm>>) dst(%arg13 : memref<80x128xf32, #tpu.memory_space<vmem>>)
        tpu.yield
      }) : () -> ()
      "tpu.region"() ({
        %run_scoped3A = tpu.sem_alloc : memref<!tpu.dma_semaphore, #tpu.memory_space<semaphore_mem>>
        %dma_start3A = arith.constant 0 : i32
        %dma_start3A_25 = tpu.memref_slice %arg3[%add3A_20, %dma_start3A] : memref<4000x80xi32, #tpu.memory_space<hbm>> -> memref<1x80xi32, #tpu.memory_space<hbm>>
        %dma_start3A_26 = tpu.memref_squeeze %dma_start3A_25 : memref<1x80xi32, #tpu.memory_space<hbm>> -> memref<80xi32, #tpu.memory_space<hbm>>
        %dma_start3A_27 = arith.constant 0 : i32
        %dma_start3A_28 = tpu.memref_slice %arg3[%add3A_20, %dma_start3A_27] : memref<4000x80xi32, #tpu.memory_space<hbm>> -> memref<1x80xi32, #tpu.memory_space<hbm>>
        %dma_start3A_29 = tpu.memref_squeeze %dma_start3A_28 : memref<1x80xi32, #tpu.memory_space<hbm>> -> memref<80xi32, #tpu.memory_space<hbm>>
        tpu.enqueue_dma source(%dma_start3A_29 : memref<80xi32, #tpu.memory_space<hbm>>) target(%arg9 : memref<80xi32, #tpu.memory_space<vmem>>) target_semaphore(%run_scoped3A : memref<!tpu.dma_semaphore, #tpu.memory_space<semaphore_mem>>)
        %dma_wait3A = arith.constant 0 : i32
        %dma_wait3A_30 = tpu.memref_slice %arg3[%add3A_20, %dma_wait3A] : memref<4000x80xi32, #tpu.memory_space<hbm>> -> memref<1x80xi32, #tpu.memory_space<hbm>>
        %dma_wait3A_31 = tpu.memref_squeeze %dma_wait3A_30 : memref<1x80xi32, #tpu.memory_space<hbm>> -> memref<80xi32, #tpu.memory_space<hbm>>
        %dma_wait3A_32 = arith.constant 0 : i32
        %dma_wait3A_33 = tpu.memref_slice %arg3[%add3A_20, %dma_wait3A_32] : memref<4000x80xi32, #tpu.memory_space<hbm>> -> memref<1x80xi32, #tpu.memory_space<hbm>>
        %dma_wait3A_34 = tpu.memref_squeeze %dma_wait3A_33 : memref<1x80xi32, #tpu.memory_space<hbm>> -> memref<80xi32, #tpu.memory_space<hbm>>
        tpu.wait_dma2 semaphore(%run_scoped3A : memref<!tpu.dma_semaphore, #tpu.memory_space<semaphore_mem>>) src(%dma_wait3A_34 : memref<80xi32, #tpu.memory_space<hbm>>) dst(%arg9 : memref<80xi32, #tpu.memory_space<vmem>>)
        tpu.yield
      }) : () -> ()
      %mul3A_23 = arith.constant 80 : i32
      %mul3A_24 = arith.muli %add3A_20, %mul3A_23 : i32
      "tpu.region"() ({
        %run_scoped3A = tpu.sem_alloc : memref<!tpu.dma_semaphore, #tpu.memory_space<semaphore_mem>>
        %dma_start3A = arith.constant 0 : i32
        %dma_start3A_25 = tpu.memref_slice %arg2[%mul3A_24, %dma_start3A] : memref<320000x16xf32, #tpu.memory_space<hbm>> -> memref<80x16xf32, #tpu.memory_space<hbm>>
        %dma_start3A_26 = arith.constant 0 : i32
        %dma_start3A_27 = tpu.memref_slice %arg2[%mul3A_24, %dma_start3A_26] : memref<320000x16xf32, #tpu.memory_space<hbm>> -> memref<80x16xf32, #tpu.memory_space<hbm>>
        tpu.enqueue_dma source(%dma_start3A_27 : memref<80x16xf32, #tpu.memory_space<hbm>>) target(%arg10 : memref<80x16xf32, #tpu.memory_space<vmem>>) target_semaphore(%run_scoped3A : memref<!tpu.dma_semaphore, #tpu.memory_space<semaphore_mem>>)
        %dma_wait3A = arith.constant 0 : i32
        %dma_wait3A_28 = tpu.memref_slice %arg2[%mul3A_24, %dma_wait3A] : memref<320000x16xf32, #tpu.memory_space<hbm>> -> memref<80x16xf32, #tpu.memory_space<hbm>>
        %dma_wait3A_29 = arith.constant 0 : i32
        %dma_wait3A_30 = tpu.memref_slice %arg2[%mul3A_24, %dma_wait3A_29] : memref<320000x16xf32, #tpu.memory_space<hbm>> -> memref<80x16xf32, #tpu.memory_space<hbm>>
        tpu.wait_dma2 semaphore(%run_scoped3A : memref<!tpu.dma_semaphore, #tpu.memory_space<semaphore_mem>>) src(%dma_wait3A_30 : memref<80x16xf32, #tpu.memory_space<hbm>>) dst(%arg10 : memref<80x16xf32, #tpu.memory_space<vmem>>)
        tpu.yield
      }) : () -> ()
      "tpu.region"() ({
        %run_scoped3A = tpu.sem_alloc : memref<!tpu.dma_semaphore, #tpu.memory_space<semaphore_mem>>
        %dma_start3A = arith.constant 0 : i32
        %dma_start3A_25 = arith.constant 0 : i32
        %dma_start3A_26 = tpu.memref_slice %arg11[%dma_start3A, %dma_start3A_25] : memref<10000x16xf32, #tpu.memory_space<vmem_shared>> -> memref<10000x16xf32, #tpu.memory_space<vmem_shared>>
        tpu.enqueue_indirect_dma source(%arg10 : memref<80x16xf32, #tpu.memory_space<vmem>>) target(%dma_start3A_26 : memref<10000x16xf32, #tpu.memory_space<vmem_shared>>) offsets(%arg9 : memref<80xi32, #tpu.memory_space<vmem>>) semaphore(%run_scoped3A : memref<!tpu.dma_semaphore, #tpu.memory_space<semaphore_mem>>) {add = true}
        %dma_wait3A = arith.constant 0 : i32
        %dma_wait3A_27 = arith.constant 0 : i32
        %dma_wait3A_28 = tpu.memref_slice %arg11[%dma_wait3A, %dma_wait3A_27] : memref<10000x16xf32, #tpu.memory_space<vmem_shared>> -> memref<10000x16xf32, #tpu.memory_space<vmem_shared>>
        tpu.wait_indirect_dma semaphore(%run_scoped3A : memref<!tpu.dma_semaphore, #tpu.memory_space<semaphore_mem>>) src(%arg10 : memref<80x16xf32, #tpu.memory_space<vmem>>) dst(%dma_wait3A_28 : memref<10000x16xf32, #tpu.memory_space<vmem_shared>>)
        tpu.yield
      }) : () -> ()
      "tpu.region"() ({
        %run_scoped3A = tpu.sem_alloc : memref<!tpu.dma_semaphore, #tpu.memory_space<semaphore_mem>>
        %dma_start3A = arith.constant 0 : i32
        %dma_start3A_25 = arith.constant 0 : i32
        %dma_start3A_26 = tpu.memref_slice %arg14[%dma_start3A, %dma_start3A_25] : memref<10000x128xf32, #tpu.memory_space<vmem_shared>> -> memref<10000x128xf32, #tpu.memory_space<vmem_shared>>
        tpu.enqueue_indirect_dma source(%arg13 : memref<80x128xf32, #tpu.memory_space<vmem>>) target(%dma_start3A_26 : memref<10000x128xf32, #tpu.memory_space<vmem_shared>>) offsets(%arg9 : memref<80xi32, #tpu.memory_space<vmem>>) semaphore(%run_scoped3A : memref<!tpu.dma_semaphore, #tpu.memory_space<semaphore_mem>>) {add = true}
        %dma_wait3A = arith.constant 0 : i32
        %dma_wait3A_27 = arith.constant 0 : i32
        %dma_wait3A_28 = tpu.memref_slice %arg14[%dma_wait3A, %dma_wait3A_27] : memref<10000x128xf32, #tpu.memory_space<vmem_shared>> -> memref<10000x128xf32, #tpu.memory_space<vmem_shared>>
        tpu.wait_indirect_dma semaphore(%run_scoped3A : memref<!tpu.dma_semaphore, #tpu.memory_space<semaphore_mem>>) src(%arg13 : memref<80x128xf32, #tpu.memory_space<vmem>>) dst(%dma_wait3A_28 : memref<10000x128xf32, #tpu.memory_space<vmem_shared>>)
        tpu.yield
      }) : () -> ()
    }
    %scan3A_8 = arith.constant 125 : i32
    %barrier3A_9 = arith.constant 0 : index
    tpu.barrier barrier_id(%barrier3A_9)
    %eq3A_10 = arith.constant 0 : i32
    %eq3A_11 = arith.cmpi eq, %arg1, %eq3A_10 : i32
    %convert_element_type3A_12 = arith.extui %eq3A_11 : i1 to i32
    %cond3A_13 = arith.constant 0 : i32
    %cond3A_14 = arith.cmpi ne, %convert_element_type3A_12, %cond3A_13 : i32
    scf.if %cond3A_14 {
      "tpu.region"() ({
        %run_scoped3A = tpu.sem_alloc : memref<!tpu.dma_semaphore, #tpu.memory_space<semaphore_mem>>
        %dma_start3A = arith.constant 0 : i32
        %dma_start3A_15 = arith.constant 0 : i32
        %dma_start3A_16 = tpu.memref_slice %arg7[%arg0, %dma_start3A, %dma_start3A_15] : memref<2x10000x16xf32, #tpu.memory_space<hbm>> -> memref<1x10000x16xf32, #tpu.memory_space<hbm>>
        %dma_start3A_17 = tpu.memref_squeeze %dma_start3A_16 : memref<1x10000x16xf32, #tpu.memory_space<hbm>> -> memref<10000x16xf32, #tpu.memory_space<hbm>>
        tpu.enqueue_dma source(%arg11 : memref<10000x16xf32, #tpu.memory_space<vmem_shared>>) target(%dma_start3A_17 : memref<10000x16xf32, #tpu.memory_space<hbm>>) target_semaphore(%run_scoped3A : memref<!tpu.dma_semaphore, #tpu.memory_space<semaphore_mem>>)
        %dma_wait3A = arith.constant 0 : i32
        %dma_wait3A_18 = arith.constant 0 : i32
        %dma_wait3A_19 = tpu.memref_slice %arg7[%arg0, %dma_wait3A, %dma_wait3A_18] : memref<2x10000x16xf32, #tpu.memory_space<hbm>> -> memref<1x10000x16xf32, #tpu.memory_space<hbm>>
        %dma_wait3A_20 = tpu.memref_squeeze %dma_wait3A_19 : memref<1x10000x16xf32, #tpu.memory_space<hbm>> -> memref<10000x16xf32, #tpu.memory_space<hbm>>
        tpu.wait_dma2 semaphore(%run_scoped3A : memref<!tpu.dma_semaphore, #tpu.memory_space<semaphore_mem>>) src(%arg11 : memref<10000x16xf32, #tpu.memory_space<vmem_shared>>) dst(%dma_wait3A_20 : memref<10000x16xf32, #tpu.memory_space<hbm>>)
        tpu.yield
      }) : () -> ()
      "tpu.region"() ({
        %run_scoped3A = tpu.sem_alloc : memref<!tpu.dma_semaphore, #tpu.memory_space<semaphore_mem>>
        %dma_start3A = arith.constant 0 : i32
        %dma_start3A_15 = arith.constant 0 : i32
        %dma_start3A_16 = tpu.memref_slice %arg8[%arg0, %dma_start3A, %dma_start3A_15] : memref<2x10000x128xf32, #tpu.memory_space<hbm>> -> memref<1x10000x128xf32, #tpu.memory_space<hbm>>
        %dma_start3A_17 = tpu.memref_squeeze %dma_start3A_16 : memref<1x10000x128xf32, #tpu.memory_space<hbm>> -> memref<10000x128xf32, #tpu.memory_space<hbm>>
        tpu.enqueue_dma source(%arg14 : memref<10000x128xf32, #tpu.memory_space<vmem_shared>>) target(%dma_start3A_17 : memref<10000x128xf32, #tpu.memory_space<hbm>>) target_semaphore(%run_scoped3A : memref<!tpu.dma_semaphore, #tpu.memory_space<semaphore_mem>>)
        %dma_wait3A = arith.constant 0 : i32
        %dma_wait3A_18 = arith.constant 0 : i32
        %dma_wait3A_19 = tpu.memref_slice %arg8[%arg0, %dma_wait3A, %dma_wait3A_18] : memref<2x10000x128xf32, #tpu.memory_space<hbm>> -> memref<1x10000x128xf32, #tpu.memory_space<hbm>>
        %dma_wait3A_20 = tpu.memref_squeeze %dma_wait3A_19 : memref<1x10000x128xf32, #tpu.memory_space<hbm>> -> memref<10000x128xf32, #tpu.memory_space<hbm>>
        tpu.wait_dma2 semaphore(%run_scoped3A : memref<!tpu.dma_semaphore, #tpu.memory_space<semaphore_mem>>) src(%arg14 : memref<10000x128xf32, #tpu.memory_space<vmem_shared>>) dst(%dma_wait3A_20 : memref<10000x128xf32, #tpu.memory_space<hbm>>)
        tpu.yield
      }) : () -> ()
    } else {
    }
    return
  }
}

#map = affine_map<(d0, d1) -> (0, 0)>
#map1 = affine_map<(d0, d1) -> (0, 0, 0)>
module attributes {stable_mosaic.version = 14 : i64} {
  func.func @scatter(%arg0: i32, %arg1: i32, %arg2: memref<320000x16xf32, #tpu.memory_space<hbm>>, %arg3: memref<4000x80xi32, #tpu.memory_space<hbm>>, %arg4: memref<10000x16xf32, #tpu.memory_space<hbm>>, %arg5: memref<320000x128xf32, #tpu.memory_space<hbm>>, %arg6: memref<10000x128xf32, #tpu.memory_space<hbm>>, %arg7: memref<2x10000x16xf32, #tpu.memory_space<hbm>>, %arg8: memref<2x10000x128xf32, #tpu.memory_space<hbm>>, %arg9: memref<80xi32, #tpu.memory_space<vmem>>, %arg10: memref<80x16xf32, #tpu.memory_space<vmem>>, %arg11: memref<10000x16xf32, #tpu.memory_space<vmem_shared>>, %arg12: memref<!tpu.dma_semaphore, #tpu.memory_space<semaphore_mem>>, %arg13: memref<80x128xf32, #tpu.memory_space<vmem>>, %arg14: memref<10000x128xf32, #tpu.memory_space<vmem_shared>>) attributes {dimension_semantics = [#tpu.dimension_semantics<core_parallel>, #tpu.dimension_semantics<subcore_parallel>], iteration_bounds = array<i64: 2, 16>, scalar_prefetch = 0 : i64, scratch_operands = 6 : i64, tpu.core_type = #tpu.core_type<sc_vector_subcore>, window_params = [{transform_indices = #map}, {transform_indices = #map}, {transform_indices = #map}, {transform_indices = #map}, {transform_indices = #map}, {transform_indices = #map1}, {transform_indices = #map1}]} {
    %mul3A = arith.constant 2 : i32
    %mul3A_0 = arith.muli %arg1, %mul3A : i32
    %add3A = arith.addi %mul3A_0, %arg0 : i32
    %mul3A_1 = arith.constant 125 : i32
    %mul3A_2 = arith.muli %add3A, %mul3A_1 : i32
    %eq3A = arith.constant 0 : i32
    %eq3A_3 = arith.cmpi eq, %arg1, %eq3A : i32
    %convert_element_type3A = arith.extui %eq3A_3 : i1 to i32
    %cond3A = arith.constant 0 : i32
    %cond3A_4 = arith.cmpi ne, %convert_element_type3A, %cond3A : i32
    scf.if %cond3A_4 {
      "tpu.region"() ({
        %run_scoped3A = tpu.sem_alloc : memref<!tpu.dma_semaphore, #tpu.memory_space<semaphore_mem>>
        tpu.enqueue_dma source(%arg4 : memref<10000x16xf32, #tpu.memory_space<hbm>>) target(%arg11 : memref<10000x16xf32, #tpu.memory_space<vmem_shared>>) target_semaphore(%run_scoped3A : memref<!tpu.dma_semaphore, #tpu.memory_space<semaphore_mem>>)
        tpu.wait_dma2 semaphore(%run_scoped3A : memref<!tpu.dma_semaphore, #tpu.memory_space<semaphore_mem>>) src(%arg4 : memref<10000x16xf32, #tpu.memory_space<hbm>>) dst(%arg11 : memref<10000x16xf32, #tpu.memory_space<vmem_shared>>)
        tpu.yield
      }) : () -> ()
      "tpu.region"() ({
        %run_scoped3A = tpu.sem_alloc : memref<!tpu.dma_semaphore, #tpu.memory_space<semaphore_mem>>
        tpu.enqueue_dma source(%arg6 : memref<10000x128xf32, #tpu.memory_space<hbm>>) target(%arg14 : memref<10000x128xf32, #tpu.memory_space<vmem_shared>>) target_semaphore(%run_scoped3A : memref<!tpu.dma_semaphore, #tpu.memory_space<semaphore_mem>>)
        tpu.wait_dma2 semaphore(%run_scoped3A : memref<!tpu.dma_semaphore, #tpu.memory_space<semaphore_mem>>) src(%arg6 : memref<10000x128xf32, #tpu.memory_space<hbm>>) dst(%arg14 : memref<10000x128xf32, #tpu.memory_space<vmem_shared>>)
        tpu.yield
      }) : () -> ()
    } else {
    }
    %barrier3A = arith.constant 0 : index
    tpu.barrier barrier_id(%barrier3A)
    %scan3A = arith.constant 0 : i32
    %scan3A_5 = arith.constant 125 : i32
    %scan3A_6 = arith.addi %scan3A, %scan3A_5 : i32
    %scan3A_7 = arith.constant 1 : i32
    scf.for %scan3A_15 = %scan3A to %scan3A_6 step %scan3A_7  : i32 {
      %mul3A_16 = arith.constant 1 : i32
      %mul3A_17 = arith.muli %scan3A_15, %mul3A_16 : i32
      %add3A_18 = arith.constant 0 : i32
      %add3A_19 = arith.addi %add3A_18, %mul3A_17 : i32
      %add3A_20 = arith.addi %mul3A_2, %add3A_19 : i32
      %mul3A_21 = arith.constant 80 : i32
      %mul3A_22 = arith.muli %add3A_20, %mul3A_21 : i32
      "tpu.region"() ({
        %run_scoped3A = tpu.sem_alloc : memref<!tpu.dma_semaphore, #tpu.memory_space<semaphore_mem>>
        %dma_start3A = arith.constant 0 : i32
        %dma_start3A_25 = tpu.memref_slice %arg5[%mul3A_22, %dma_start3A] : memref<320000x128xf32, #tpu.memory_space<hbm>> -> memref<80x128xf32, #tpu.memory_space<hbm>>
        %dma_start3A_26 = arith.constant 0 : i32
        %dma_start3A_27 = tpu.memref_slice %arg5[%mul3A_22, %dma_start3A_26] : memref<320000x128xf32, #tpu.memory_space<hbm>> -> memref<80x128xf32, #tpu.memory_space<hbm>>
        tpu.enqueue_dma source(%dma_start3A_27 : memref<80x128xf32, #tpu.memory_space<hbm>>) target(%arg13 : memref<80x128xf32, #tpu.memory_space<vmem>>) target_semaphore(%run_scoped3A : memref<!tpu.dma_semaphore, #tpu.memory_space<semaphore_mem>>)
        %dma_wait3A = arith.constant 0 : i32
        %dma_wait3A_28 = tpu.memref_slice %arg5[%mul3A_22, %dma_wait3A] : memref<320000x128xf32, #tpu.memory_space<hbm>> -> memref<80x128xf32, #tpu.memory_space<hbm>>
        %dma_wait3A_29 = arith.constant 0 : i32
        %dma_wait3A_30 = tpu.memref_slice %arg5[%mul3A_22, %dma_wait3A_29] : memref<320000x128xf32, #tpu.memory_space<hbm>> -> memref<80x128xf32, #tpu.memory_space<hbm>>
        tpu.wait_dma2 semaphore(%run_scoped3A : memref<!tpu.dma_semaphore, #tpu.memory_space<semaphore_mem>>) src(%dma_wait3A_30 : memref<80x128xf32, #tpu.memory_space<hbm>>) dst(%arg13 : memref<80x128xf32, #tpu.memory_space<vmem>>)
        tpu.yield
      }) : () -> ()
      "tpu.region"() ({
        %run_scoped3A = tpu.sem_alloc : memref<!tpu.dma_semaphore, #tpu.memory_space<semaphore_mem>>
        %dma_start3A = arith.constant 0 : i32
        %dma_start3A_25 = tpu.memref_slice %arg3[%add3A_20, %dma_start3A] : memref<4000x80xi32, #tpu.memory_space<hbm>> -> memref<1x80xi32, #tpu.memory_space<hbm>>
        %dma_start3A_26 = tpu.memref_squeeze %dma_start3A_25 : memref<1x80xi32, #tpu.memory_space<hbm>> -> memref<80xi32, #tpu.memory_space<hbm>>
        %dma_start3A_27 = arith.constant 0 : i32
        %dma_start3A_28 = tpu.memref_slice %arg3[%add3A_20, %dma_start3A_27] : memref<4000x80xi32, #tpu.memory_space<hbm>> -> memref<1x80xi32, #tpu.memory_space<hbm>>
        %dma_start3A_29 = tpu.memref_squeeze %dma_start3A_28 : memref<1x80xi32, #tpu.memory_space<hbm>> -> memref<80xi32, #tpu.memory_space<hbm>>
        tpu.enqueue_dma source(%dma_start3A_29 : memref<80xi32, #tpu.memory_space<hbm>>) target(%arg9 : memref<80xi32, #tpu.memory_space<vmem>>) target_semaphore(%run_scoped3A : memref<!tpu.dma_semaphore, #tpu.memory_space<semaphore_mem>>)
        %dma_wait3A = arith.constant 0 : i32
        %dma_wait3A_30 = tpu.memref_slice %arg3[%add3A_20, %dma_wait3A] : memref<4000x80xi32, #tpu.memory_space<hbm>> -> memref<1x80xi32, #tpu.memory_space<hbm>>
        %dma_wait3A_31 = tpu.memref_squeeze %dma_wait3A_30 : memref<1x80xi32, #tpu.memory_space<hbm>> -> memref<80xi32, #tpu.memory_space<hbm>>
        %dma_wait3A_32 = arith.constant 0 : i32
        %dma_wait3A_33 = tpu.memref_slice %arg3[%add3A_20, %dma_wait3A_32] : memref<4000x80xi32, #tpu.memory_space<hbm>> -> memref<1x80xi32, #tpu.memory_space<hbm>>
        %dma_wait3A_34 = tpu.memref_squeeze %dma_wait3A_33 : memref<1x80xi32, #tpu.memory_space<hbm>> -> memref<80xi32, #tpu.memory_space<hbm>>
        tpu.wait_dma2 semaphore(%run_scoped3A : memref<!tpu.dma_semaphore, #tpu.memory_space<semaphore_mem>>) src(%dma_wait3A_34 : memref<80xi32, #tpu.memory_space<hbm>>) dst(%arg9 : memref<80xi32, #tpu.memory_space<vmem>>)
        tpu.yield
      }) : () -> ()
      %mul3A_23 = arith.constant 80 : i32
      %mul3A_24 = arith.muli %add3A_20, %mul3A_23 : i32
      "tpu.region"() ({
        %run_scoped3A = tpu.sem_alloc : memref<!tpu.dma_semaphore, #tpu.memory_space<semaphore_mem>>
        %dma_start3A = arith.constant 0 : i32
        %dma_start3A_25 = tpu.memref_slice %arg2[%mul3A_24, %dma_start3A] : memref<320000x16xf32, #tpu.memory_space<hbm>> -> memref<80x16xf32, #tpu.memory_space<hbm>>
        %dma_start3A_26 = arith.constant 0 : i32
        %dma_start3A_27 = tpu.memref_slice %arg2[%mul3A_24, %dma_start3A_26] : memref<320000x16xf32, #tpu.memory_space<hbm>> -> memref<80x16xf32, #tpu.memory_space<hbm>>
        tpu.enqueue_dma source(%dma_start3A_27 : memref<80x16xf32, #tpu.memory_space<hbm>>) target(%arg10 : memref<80x16xf32, #tpu.memory_space<vmem>>) target_semaphore(%run_scoped3A : memref<!tpu.dma_semaphore, #tpu.memory_space<semaphore_mem>>)
        %dma_wait3A = arith.constant 0 : i32
        %dma_wait3A_28 = tpu.memref_slice %arg2[%mul3A_24, %dma_wait3A] : memref<320000x16xf32, #tpu.memory_space<hbm>> -> memref<80x16xf32, #tpu.memory_space<hbm>>
        %dma_wait3A_29 = arith.constant 0 : i32
        %dma_wait3A_30 = tpu.memref_slice %arg2[%mul3A_24, %dma_wait3A_29] : memref<320000x16xf32, #tpu.memory_space<hbm>> -> memref<80x16xf32, #tpu.memory_space<hbm>>
        tpu.wait_dma2 semaphore(%run_scoped3A : memref<!tpu.dma_semaphore, #tpu.memory_space<semaphore_mem>>) src(%dma_wait3A_30 : memref<80x16xf32, #tpu.memory_space<hbm>>) dst(%arg10 : memref<80x16xf32, #tpu.memory_space<vmem>>)
        tpu.yield
      }) : () -> ()
      "tpu.region"() ({
        %run_scoped3A = tpu.sem_alloc : memref<!tpu.dma_semaphore, #tpu.memory_space<semaphore_mem>>
        %dma_start3A = arith.constant 0 : i32
        %dma_start3A_25 = arith.constant 0 : i32
        %dma_start3A_26 = tpu.memref_slice %arg11[%dma_start3A, %dma_start3A_25] : memref<10000x16xf32, #tpu.memory_space<vmem_shared>> -> memref<10000x16xf32, #tpu.memory_space<vmem_shared>>
        tpu.enqueue_indirect_dma source(%arg10 : memref<80x16xf32, #tpu.memory_space<vmem>>) target(%dma_start3A_26 : memref<10000x16xf32, #tpu.memory_space<vmem_shared>>) offsets(%arg9 : memref<80xi32, #tpu.memory_space<vmem>>) semaphore(%run_scoped3A : memref<!tpu.dma_semaphore, #tpu.memory_space<semaphore_mem>>) {add = true}
        %dma_wait3A = arith.constant 0 : i32
        %dma_wait3A_27 = arith.constant 0 : i32
        %dma_wait3A_28 = tpu.memref_slice %arg11[%dma_wait3A, %dma_wait3A_27] : memref<10000x16xf32, #tpu.memory_space<vmem_shared>> -> memref<10000x16xf32, #tpu.memory_space<vmem_shared>>
        tpu.wait_indirect_dma semaphore(%run_scoped3A : memref<!tpu.dma_semaphore, #tpu.memory_space<semaphore_mem>>) src(%arg10 : memref<80x16xf32, #tpu.memory_space<vmem>>) dst(%dma_wait3A_28 : memref<10000x16xf32, #tpu.memory_space<vmem_shared>>)
        tpu.yield
      }) : () -> ()
      "tpu.region"() ({
        %run_scoped3A = tpu.sem_alloc : memref<!tpu.dma_semaphore, #tpu.memory_space<semaphore_mem>>
        %dma_start3A = arith.constant 0 : i32
        %dma_start3A_25 = arith.constant 0 : i32
        %dma_start3A_26 = tpu.memref_slice %arg14[%dma_start3A, %dma_start3A_25] : memref<10000x128xf32, #tpu.memory_space<vmem_shared>> -> memref<10000x128xf32, #tpu.memory_space<vmem_shared>>
        tpu.enqueue_indirect_dma source(%arg13 : memref<80x128xf32, #tpu.memory_space<vmem>>) target(%dma_start3A_26 : memref<10000x128xf32, #tpu.memory_space<vmem_shared>>) offsets(%arg9 : memref<80xi32, #tpu.memory_space<vmem>>) semaphore(%run_scoped3A : memref<!tpu.dma_semaphore, #tpu.memory_space<semaphore_mem>>) {add = true}
        %dma_wait3A = arith.constant 0 : i32
        %dma_wait3A_27 = arith.constant 0 : i32
        %dma_wait3A_28 = tpu.memref_slice %arg14[%dma_wait3A, %dma_wait3A_27] : memref<10000x128xf32, #tpu.memory_space<vmem_shared>> -> memref<10000x128xf32, #tpu.memory_space<vmem_shared>>
        tpu.wait_indirect_dma semaphore(%run_scoped3A : memref<!tpu.dma_semaphore, #tpu.memory_space<semaphore_mem>>) src(%arg13 : memref<80x128xf32, #tpu.memory_space<vmem>>) dst(%dma_wait3A_28 : memref<10000x128xf32, #tpu.memory_space<vmem_shared>>)
        tpu.yield
      }) : () -> ()
    }
    %scan3A_8 = arith.constant 125 : i32
    %barrier3A_9 = arith.constant 0 : index
    tpu.barrier barrier_id(%barrier3A_9)
    %eq3A_10 = arith.constant 0 : i32
    %eq3A_11 = arith.cmpi eq, %arg1, %eq3A_10 : i32
    %convert_element_type3A_12 = arith.extui %eq3A_11 : i1 to i32
    %cond3A_13 = arith.constant 0 : i32
    %cond3A_14 = arith.cmpi ne, %convert_element_type3A_12, %cond3A_13 : i32
    scf.if %cond3A_14 {
      "tpu.region"() ({
        %run_scoped3A = tpu.sem_alloc : memref<!tpu.dma_semaphore, #tpu.memory_space<semaphore_mem>>
        %dma_start3A = arith.constant 0 : i32
        %dma_start3A_15 = arith.constant 0 : i32
        %dma_start3A_16 = tpu.memref_slice %arg7[%arg0, %dma_start3A, %dma_start3A_15] : memref<2x10000x16xf32, #tpu.memory_space<hbm>> -> memref<1x10000x16xf32, #tpu.memory_space<hbm>>
        %dma_start3A_17 = tpu.memref_squeeze %dma_start3A_16 : memref<1x10000x16xf32, #tpu.memory_space<hbm>> -> memref<10000x16xf32, #tpu.memory_space<hbm>>
        tpu.enqueue_dma source(%arg11 : memref<10000x16xf32, #tpu.memory_space<vmem_shared>>) target(%dma_start3A_17 : memref<10000x16xf32, #tpu.memory_space<hbm>>) target_semaphore(%run_scoped3A : memref<!tpu.dma_semaphore, #tpu.memory_space<semaphore_mem>>)
        %dma_wait3A = arith.constant 0 : i32
        %dma_wait3A_18 = arith.constant 0 : i32
        %dma_wait3A_19 = tpu.memref_slice %arg7[%arg0, %dma_wait3A, %dma_wait3A_18] : memref<2x10000x16xf32, #tpu.memory_space<hbm>> -> memref<1x10000x16xf32, #tpu.memory_space<hbm>>
        %dma_wait3A_20 = tpu.memref_squeeze %dma_wait3A_19 : memref<1x10000x16xf32, #tpu.memory_space<hbm>> -> memref<10000x16xf32, #tpu.memory_space<hbm>>
        tpu.wait_dma2 semaphore(%run_scoped3A : memref<!tpu.dma_semaphore, #tpu.memory_space<semaphore_mem>>) src(%arg11 : memref<10000x16xf32, #tpu.memory_space<vmem_shared>>) dst(%dma_wait3A_20 : memref<10000x16xf32, #tpu.memory_space<hbm>>)
        tpu.yield
      }) : () -> ()
      "tpu.region"() ({
        %run_scoped3A = tpu.sem_alloc : memref<!tpu.dma_semaphore, #tpu.memory_space<semaphore_mem>>
        %dma_start3A = arith.constant 0 : i32
        %dma_start3A_15 = arith.constant 0 : i32
        %dma_start3A_16 = tpu.memref_slice %arg8[%arg0, %dma_start3A, %dma_start3A_15] : memref<2x10000x128xf32, #tpu.memory_space<hbm>> -> memref<1x10000x128xf32, #tpu.memory_space<hbm>>
        %dma_start3A_17 = tpu.memref_squeeze %dma_start3A_16 : memref<1x10000x128xf32, #tpu.memory_space<hbm>> -> memref<10000x128xf32, #tpu.memory_space<hbm>>
        tpu.enqueue_dma source(%arg14 : memref<10000x128xf32, #tpu.memory_space<vmem_shared>>) target(%dma_start3A_17 : memref<10000x128xf32, #tpu.memory_space<hbm>>) target_semaphore(%run_scoped3A : memref<!tpu.dma_semaphore, #tpu.memory_space<semaphore_mem>>)
        %dma_wait3A = arith.constant 0 : i32
        %dma_wait3A_18 = arith.constant 0 : i32
        %dma_wait3A_19 = tpu.memref_slice %arg8[%arg0, %dma_wait3A, %dma_wait3A_18] : memref<2x10000x128xf32, #tpu.memory_space<hbm>> -> memref<1x10000x128xf32, #tpu.memory_space<hbm>>
        %dma_wait3A_20 = tpu.memref_squeeze %dma_wait3A_19 : memref<1x10000x128xf32, #tpu.memory_space<hbm>> -> memref<10000x128xf32, #tpu.memory_space<hbm>>
        tpu.wait_dma2 semaphore(%run_scoped3A : memref<!tpu.dma_semaphore, #tpu.memory_space<semaphore_mem>>) src(%arg14 : memref<10000x128xf32, #tpu.memory_space<vmem_shared>>) dst(%dma_wait3A_20 : memref<10000x128xf32, #tpu.memory_space<hbm>>)
        tpu.yield
      }) : () -> ()
    } else {
    }
    return
  }
}

#map = affine_map<(d0, d1) -> (0, 0)>
module attributes {stable_mosaic.version = 14 : i64} {
  func.func @gather2(%arg0: i32, %arg1: i32, %arg2: memref<10000x256xf32, #tpu.memory_space<hbm>>, %arg3: memref<10000x128xf32, #tpu.memory_space<hbm>>, %arg4: memref<4000x80xi32, #tpu.memory_space<hbm>>, %arg5: memref<4000x80xi32, #tpu.memory_space<hbm>>, %arg6: memref<320000x256xf32, #tpu.memory_space<hbm>>, %arg7: memref<320000x128xf32, #tpu.memory_space<hbm>>, %arg8: memref<80xi32, #tpu.memory_space<vmem>>, %arg9: memref<80xi32, #tpu.memory_space<vmem>>, %arg10: memref<80x256xf32, #tpu.memory_space<vmem>>, %arg11: memref<80x128xf32, #tpu.memory_space<vmem>>, %arg12: memref<!tpu.dma_semaphore, #tpu.memory_space<semaphore_mem>>, %arg13: memref<!tpu.dma_semaphore, #tpu.memory_space<semaphore_mem>>) attributes {dimension_semantics = [#tpu.dimension_semantics<core_parallel>, #tpu.dimension_semantics<subcore_parallel>], iteration_bounds = array<i64: 2, 16>, scalar_prefetch = 0 : i64, scratch_operands = 6 : i64, tpu.core_type = #tpu.core_type<sc_vector_subcore>, window_params = [{transform_indices = #map}, {transform_indices = #map}, {transform_indices = #map}, {transform_indices = #map}, {transform_indices = #map}, {transform_indices = #map}]} {
    %mul3A = arith.constant 2 : i32
    %mul3A_0 = arith.muli %arg1, %mul3A : i32
    %add3A = arith.addi %mul3A_0, %arg0 : i32
    %mul3A_1 = arith.constant 125 : i32
    %mul3A_2 = arith.muli %add3A, %mul3A_1 : i32
    %scan3A = arith.constant 0 : i32
    %scan3A_3 = arith.constant 125 : i32
    %scan3A_4 = arith.addi %scan3A, %scan3A_3 : i32
    %scan3A_5 = arith.constant 1 : i32
    scf.for %scan3A_7 = %scan3A to %scan3A_4 step %scan3A_5  : i32 {
      %mul3A_8 = arith.constant 1 : i32
      %mul3A_9 = arith.muli %scan3A_7, %mul3A_8 : i32
      %add3A_10 = arith.constant 0 : i32
      %add3A_11 = arith.addi %add3A_10, %mul3A_9 : i32
      %add3A_12 = arith.addi %mul3A_2, %add3A_11 : i32
      "tpu.region"() ({
        %run_scoped3A = tpu.sem_alloc : memref<!tpu.dma_semaphore, #tpu.memory_space<semaphore_mem>>
        %dma_start3A_27 = arith.constant 0 : i32
        %dma_start3A_28 = tpu.memref_slice %arg4[%add3A_12, %dma_start3A_27] : memref<4000x80xi32, #tpu.memory_space<hbm>> -> memref<1x80xi32, #tpu.memory_space<hbm>>
        %dma_start3A_29 = tpu.memref_squeeze %dma_start3A_28 : memref<1x80xi32, #tpu.memory_space<hbm>> -> memref<80xi32, #tpu.memory_space<hbm>>
        %dma_start3A_30 = arith.constant 0 : i32
        %dma_start3A_31 = tpu.memref_slice %arg4[%add3A_12, %dma_start3A_30] : memref<4000x80xi32, #tpu.memory_space<hbm>> -> memref<1x80xi32, #tpu.memory_space<hbm>>
        %dma_start3A_32 = tpu.memref_squeeze %dma_start3A_31 : memref<1x80xi32, #tpu.memory_space<hbm>> -> memref<80xi32, #tpu.memory_space<hbm>>
        tpu.enqueue_dma source(%dma_start3A_32 : memref<80xi32, #tpu.memory_space<hbm>>) target(%arg8 : memref<80xi32, #tpu.memory_space<vmem>>) target_semaphore(%run_scoped3A : memref<!tpu.dma_semaphore, #tpu.memory_space<semaphore_mem>>)
        %dma_wait3A_33 = arith.constant 0 : i32
        %dma_wait3A_34 = tpu.memref_slice %arg4[%add3A_12, %dma_wait3A_33] : memref<4000x80xi32, #tpu.memory_space<hbm>> -> memref<1x80xi32, #tpu.memory_space<hbm>>
        %dma_wait3A_35 = tpu.memref_squeeze %dma_wait3A_34 : memref<1x80xi32, #tpu.memory_space<hbm>> -> memref<80xi32, #tpu.memory_space<hbm>>
        %dma_wait3A_36 = arith.constant 0 : i32
        %dma_wait3A_37 = tpu.memref_slice %arg4[%add3A_12, %dma_wait3A_36] : memref<4000x80xi32, #tpu.memory_space<hbm>> -> memref<1x80xi32, #tpu.memory_space<hbm>>
        %dma_wait3A_38 = tpu.memref_squeeze %dma_wait3A_37 : memref<1x80xi32, #tpu.memory_space<hbm>> -> memref<80xi32, #tpu.memory_space<hbm>>
        tpu.wait_dma2 semaphore(%run_scoped3A : memref<!tpu.dma_semaphore, #tpu.memory_space<semaphore_mem>>) src(%dma_wait3A_38 : memref<80xi32, #tpu.memory_space<hbm>>) dst(%arg8 : memref<80xi32, #tpu.memory_space<vmem>>)
        tpu.yield
      }) : () -> ()
      "tpu.region"() ({
        %run_scoped3A = tpu.sem_alloc : memref<!tpu.dma_semaphore, #tpu.memory_space<semaphore_mem>>
        %dma_start3A_27 = arith.constant 0 : i32
        %dma_start3A_28 = tpu.memref_slice %arg5[%add3A_12, %dma_start3A_27] : memref<4000x80xi32, #tpu.memory_space<hbm>> -> memref<1x80xi32, #tpu.memory_space<hbm>>
        %dma_start3A_29 = tpu.memref_squeeze %dma_start3A_28 : memref<1x80xi32, #tpu.memory_space<hbm>> -> memref<80xi32, #tpu.memory_space<hbm>>
        %dma_start3A_30 = arith.constant 0 : i32
        %dma_start3A_31 = tpu.memref_slice %arg5[%add3A_12, %dma_start3A_30] : memref<4000x80xi32, #tpu.memory_space<hbm>> -> memref<1x80xi32, #tpu.memory_space<hbm>>
        %dma_start3A_32 = tpu.memref_squeeze %dma_start3A_31 : memref<1x80xi32, #tpu.memory_space<hbm>> -> memref<80xi32, #tpu.memory_space<hbm>>
        tpu.enqueue_dma source(%dma_start3A_32 : memref<80xi32, #tpu.memory_space<hbm>>) target(%arg9 : memref<80xi32, #tpu.memory_space<vmem>>) target_semaphore(%run_scoped3A : memref<!tpu.dma_semaphore, #tpu.memory_space<semaphore_mem>>)
        %dma_wait3A_33 = arith.constant 0 : i32
        %dma_wait3A_34 = tpu.memref_slice %arg5[%add3A_12, %dma_wait3A_33] : memref<4000x80xi32, #tpu.memory_space<hbm>> -> memref<1x80xi32, #tpu.memory_space<hbm>>
        %dma_wait3A_35 = tpu.memref_squeeze %dma_wait3A_34 : memref<1x80xi32, #tpu.memory_space<hbm>> -> memref<80xi32, #tpu.memory_space<hbm>>
        %dma_wait3A_36 = arith.constant 0 : i32
        %dma_wait3A_37 = tpu.memref_slice %arg5[%add3A_12, %dma_wait3A_36] : memref<4000x80xi32, #tpu.memory_space<hbm>> -> memref<1x80xi32, #tpu.memory_space<hbm>>
        %dma_wait3A_38 = tpu.memref_squeeze %dma_wait3A_37 : memref<1x80xi32, #tpu.memory_space<hbm>> -> memref<80xi32, #tpu.memory_space<hbm>>
        tpu.wait_dma2 semaphore(%run_scoped3A : memref<!tpu.dma_semaphore, #tpu.memory_space<semaphore_mem>>) src(%dma_wait3A_38 : memref<80xi32, #tpu.memory_space<hbm>>) dst(%arg9 : memref<80xi32, #tpu.memory_space<vmem>>)
        tpu.yield
      }) : () -> ()
      %dma_start3A = arith.constant 0 : i32
      %dma_start3A_13 = arith.constant 0 : i32
      %dma_start3A_14 = tpu.memref_slice %arg2[%dma_start3A, %dma_start3A_13] : memref<10000x256xf32, #tpu.memory_space<hbm>> -> memref<10000x256xf32, #tpu.memory_space<hbm>>
      tpu.enqueue_indirect_dma source(%dma_start3A_14 : memref<10000x256xf32, #tpu.memory_space<hbm>>) target(%arg10 : memref<80x256xf32, #tpu.memory_space<vmem>>) offsets(%arg8 : memref<80xi32, #tpu.memory_space<vmem>>) semaphore(%arg12 : memref<!tpu.dma_semaphore, #tpu.memory_space<semaphore_mem>>)
      %dma_start3A_15 = arith.constant 0 : i32
      %dma_start3A_16 = arith.constant 0 : i32
      %dma_start3A_17 = tpu.memref_slice %arg3[%dma_start3A_15, %dma_start3A_16] : memref<10000x128xf32, #tpu.memory_space<hbm>> -> memref<10000x128xf32, #tpu.memory_space<hbm>>
      tpu.enqueue_indirect_dma source(%dma_start3A_17 : memref<10000x128xf32, #tpu.memory_space<hbm>>) target(%arg11 : memref<80x128xf32, #tpu.memory_space<vmem>>) offsets(%arg9 : memref<80xi32, #tpu.memory_space<vmem>>) semaphore(%arg13 : memref<!tpu.dma_semaphore, #tpu.memory_space<semaphore_mem>>)
      %dma_wait3A = arith.constant 0 : i32
      %dma_wait3A_18 = arith.constant 0 : i32
      %dma_wait3A_19 = tpu.memref_slice %arg2[%dma_wait3A, %dma_wait3A_18] : memref<10000x256xf32, #tpu.memory_space<hbm>> -> memref<10000x256xf32, #tpu.memory_space<hbm>>
      tpu.wait_indirect_dma semaphore(%arg12 : memref<!tpu.dma_semaphore, #tpu.memory_space<semaphore_mem>>) src(%dma_wait3A_19 : memref<10000x256xf32, #tpu.memory_space<hbm>>) dst(%arg10 : memref<80x256xf32, #tpu.memory_space<vmem>>)
      %dma_wait3A_20 = arith.constant 0 : i32
      %dma_wait3A_21 = arith.constant 0 : i32
      %dma_wait3A_22 = tpu.memref_slice %arg3[%dma_wait3A_20, %dma_wait3A_21] : memref<10000x128xf32, #tpu.memory_space<hbm>> -> memref<10000x128xf32, #tpu.memory_space<hbm>>
      tpu.wait_indirect_dma semaphore(%arg13 : memref<!tpu.dma_semaphore, #tpu.memory_space<semaphore_mem>>) src(%dma_wait3A_22 : memref<10000x128xf32, #tpu.memory_space<hbm>>) dst(%arg11 : memref<80x128xf32, #tpu.memory_space<vmem>>)
      %mul3A_23 = arith.constant 80 : i32
      %mul3A_24 = arith.muli %add3A_12, %mul3A_23 : i32
      "tpu.region"() ({
        %run_scoped3A = tpu.sem_alloc : memref<!tpu.dma_semaphore, #tpu.memory_space<semaphore_mem>>
        %dma_start3A_27 = arith.constant 0 : i32
        %dma_start3A_28 = tpu.memref_slice %arg6[%mul3A_24, %dma_start3A_27] : memref<320000x256xf32, #tpu.memory_space<hbm>> -> memref<80x256xf32, #tpu.memory_space<hbm>>
        %dma_start3A_29 = arith.constant 0 : i32
        %dma_start3A_30 = tpu.memref_slice %arg6[%mul3A_24, %dma_start3A_29] : memref<320000x256xf32, #tpu.memory_space<hbm>> -> memref<80x256xf32, #tpu.memory_space<hbm>>
        tpu.enqueue_dma source(%arg10 : memref<80x256xf32, #tpu.memory_space<vmem>>) target(%dma_start3A_30 : memref<80x256xf32, #tpu.memory_space<hbm>>) target_semaphore(%run_scoped3A : memref<!tpu.dma_semaphore, #tpu.memory_space<semaphore_mem>>)
        %dma_wait3A_31 = arith.constant 0 : i32
        %dma_wait3A_32 = tpu.memref_slice %arg6[%mul3A_24, %dma_wait3A_31] : memref<320000x256xf32, #tpu.memory_space<hbm>> -> memref<80x256xf32, #tpu.memory_space<hbm>>
        %dma_wait3A_33 = arith.constant 0 : i32
        %dma_wait3A_34 = tpu.memref_slice %arg6[%mul3A_24, %dma_wait3A_33] : memref<320000x256xf32, #tpu.memory_space<hbm>> -> memref<80x256xf32, #tpu.memory_space<hbm>>
        tpu.wait_dma2 semaphore(%run_scoped3A : memref<!tpu.dma_semaphore, #tpu.memory_space<semaphore_mem>>) src(%arg10 : memref<80x256xf32, #tpu.memory_space<vmem>>) dst(%dma_wait3A_34 : memref<80x256xf32, #tpu.memory_space<hbm>>)
        tpu.yield
      }) : () -> ()
      %mul3A_25 = arith.constant 80 : i32
      %mul3A_26 = arith.muli %add3A_12, %mul3A_25 : i32
      "tpu.region"() ({
        %run_scoped3A = tpu.sem_alloc : memref<!tpu.dma_semaphore, #tpu.memory_space<semaphore_mem>>
        %dma_start3A_27 = arith.constant 0 : i32
        %dma_start3A_28 = tpu.memref_slice %arg7[%mul3A_26, %dma_start3A_27] : memref<320000x128xf32, #tpu.memory_space<hbm>> -> memref<80x128xf32, #tpu.memory_space<hbm>>
        %dma_start3A_29 = arith.constant 0 : i32
        %dma_start3A_30 = tpu.memref_slice %arg7[%mul3A_26, %dma_start3A_29] : memref<320000x128xf32, #tpu.memory_space<hbm>> -> memref<80x128xf32, #tpu.memory_space<hbm>>
        tpu.enqueue_dma source(%arg11 : memref<80x128xf32, #tpu.memory_space<vmem>>) target(%dma_start3A_30 : memref<80x128xf32, #tpu.memory_space<hbm>>) target_semaphore(%run_scoped3A : memref<!tpu.dma_semaphore, #tpu.memory_space<semaphore_mem>>)
        %dma_wait3A_31 = arith.constant 0 : i32
        %dma_wait3A_32 = tpu.memref_slice %arg7[%mul3A_26, %dma_wait3A_31] : memref<320000x128xf32, #tpu.memory_space<hbm>> -> memref<80x128xf32, #tpu.memory_space<hbm>>
        %dma_wait3A_33 = arith.constant 0 : i32
        %dma_wait3A_34 = tpu.memref_slice %arg7[%mul3A_26, %dma_wait3A_33] : memref<320000x128xf32, #tpu.memory_space<hbm>> -> memref<80x128xf32, #tpu.memory_space<hbm>>
        tpu.wait_dma2 semaphore(%run_scoped3A : memref<!tpu.dma_semaphore, #tpu.memory_space<semaphore_mem>>) src(%arg11 : memref<80x128xf32, #tpu.memory_space<vmem>>) dst(%dma_wait3A_34 : memref<80x128xf32, #tpu.memory_space<hbm>>)
        tpu.yield
      }) : () -> ()
    }
    %scan3A_6 = arith.constant 125 : i32
    return
  }
}

#map = affine_map<(d0, d1) -> (0, 0)>
#map1 = affine_map<(d0, d1) -> (0, 0, 0)>
module attributes {stable_mosaic.version = 14 : i64} {
  func.func @scatter(%arg0: i32, %arg1: i32, %arg2: memref<320000x16xf32, #tpu.memory_space<hbm>>, %arg3: memref<4000x80xi32, #tpu.memory_space<hbm>>, %arg4: memref<10000x16xf32, #tpu.memory_space<hbm>>, %arg5: memref<320000x128xf32, #tpu.memory_space<hbm>>, %arg6: memref<10000x128xf32, #tpu.memory_space<hbm>>, %arg7: memref<2x10000x16xf32, #tpu.memory_space<hbm>>, %arg8: memref<2x10000x128xf32, #tpu.memory_space<hbm>>, %arg9: memref<80xi32, #tpu.memory_space<vmem>>, %arg10: memref<80x16xf32, #tpu.memory_space<vmem>>, %arg11: memref<10000x16xf32, #tpu.memory_space<vmem_shared>>, %arg12: memref<!tpu.dma_semaphore, #tpu.memory_space<semaphore_mem>>, %arg13: memref<80x128xf32, #tpu.memory_space<vmem>>, %arg14: memref<10000x128xf32, #tpu.memory_space<vmem_shared>>) attributes {dimension_semantics = [#tpu.dimension_semantics<core_parallel>, #tpu.dimension_semantics<subcore_parallel>], iteration_bounds = array<i64: 2, 16>, scalar_prefetch = 0 : i64, scratch_operands = 6 : i64, tpu.core_type = #tpu.core_type<sc_vector_subcore>, window_params = [{transform_indices = #map}, {transform_indices = #map}, {transform_indices = #map}, {transform_indices = #map}, {transform_indices = #map}, {transform_indices = #map1}, {transform_indices = #map1}]} {
    %mul3A = arith.constant 2 : i32
    %mul3A_0 = arith.muli %arg1, %mul3A : i32
    %add3A = arith.addi %mul3A_0, %arg0 : i32
    %mul3A_1 = arith.constant 125 : i32
    %mul3A_2 = arith.muli %add3A, %mul3A_1 : i32
    %eq3A = arith.constant 0 : i32
    %eq3A_3 = arith.cmpi eq, %arg1, %eq3A : i32
    %convert_element_type3A = arith.extui %eq3A_3 : i1 to i32
    %cond3A = arith.constant 0 : i32
    %cond3A_4 = arith.cmpi ne, %convert_element_type3A, %cond3A : i32
    scf.if %cond3A_4 {
      "tpu.region"() ({
        %run_scoped3A = tpu.sem_alloc : memref<!tpu.dma_semaphore, #tpu.memory_space<semaphore_mem>>
        tpu.enqueue_dma source(%arg4 : memref<10000x16xf32, #tpu.memory_space<hbm>>) target(%arg11 : memref<10000x16xf32, #tpu.memory_space<vmem_shared>>) target_semaphore(%run_scoped3A : memref<!tpu.dma_semaphore, #tpu.memory_space<semaphore_mem>>)
        tpu.wait_dma2 semaphore(%run_scoped3A : memref<!tpu.dma_semaphore, #tpu.memory_space<semaphore_mem>>) src(%arg4 : memref<10000x16xf32, #tpu.memory_space<hbm>>) dst(%arg11 : memref<10000x16xf32, #tpu.memory_space<vmem_shared>>)
        tpu.yield
      }) : () -> ()
      "tpu.region"() ({
        %run_scoped3A = tpu.sem_alloc : memref<!tpu.dma_semaphore, #tpu.memory_space<semaphore_mem>>
        tpu.enqueue_dma source(%arg6 : memref<10000x128xf32, #tpu.memory_space<hbm>>) target(%arg14 : memref<10000x128xf32, #tpu.memory_space<vmem_shared>>) target_semaphore(%run_scoped3A : memref<!tpu.dma_semaphore, #tpu.memory_space<semaphore_mem>>)
        tpu.wait_dma2 semaphore(%run_scoped3A : memref<!tpu.dma_semaphore, #tpu.memory_space<semaphore_mem>>) src(%arg6 : memref<10000x128xf32, #tpu.memory_space<hbm>>) dst(%arg14 : memref<10000x128xf32, #tpu.memory_space<vmem_shared>>)
        tpu.yield
      }) : () -> ()
    } else {
    }
    %barrier3A = arith.constant 0 : index
    tpu.barrier barrier_id(%barrier3A)
    %scan3A = arith.constant 0 : i32
    %scan3A_5 = arith.constant 125 : i32
    %scan3A_6 = arith.addi %scan3A, %scan3A_5 : i32
    %scan3A_7 = arith.constant 1 : i32
    scf.for %scan3A_15 = %scan3A to %scan3A_6 step %scan3A_7  : i32 {
      %mul3A_16 = arith.constant 1 : i32
      %mul3A_17 = arith.muli %scan3A_15, %mul3A_16 : i32
      %add3A_18 = arith.constant 0 : i32
      %add3A_19 = arith.addi %add3A_18, %mul3A_17 : i32
      %add3A_20 = arith.addi %mul3A_2, %add3A_19 : i32
      %mul3A_21 = arith.constant 80 : i32
      %mul3A_22 = arith.muli %add3A_20, %mul3A_21 : i32
      "tpu.region"() ({
        %run_scoped3A = tpu.sem_alloc : memref<!tpu.dma_semaphore, #tpu.memory_space<semaphore_mem>>
        %dma_start3A = arith.constant 0 : i32
        %dma_start3A_25 = tpu.memref_slice %arg5[%mul3A_22, %dma_start3A] : memref<320000x128xf32, #tpu.memory_space<hbm>> -> memref<80x128xf32, #tpu.memory_space<hbm>>
        %dma_start3A_26 = arith.constant 0 : i32
        %dma_start3A_27 = tpu.memref_slice %arg5[%mul3A_22, %dma_start3A_26] : memref<320000x128xf32, #tpu.memory_space<hbm>> -> memref<80x128xf32, #tpu.memory_space<hbm>>
        tpu.enqueue_dma source(%dma_start3A_27 : memref<80x128xf32, #tpu.memory_space<hbm>>) target(%arg13 : memref<80x128xf32, #tpu.memory_space<vmem>>) target_semaphore(%run_scoped3A : memref<!tpu.dma_semaphore, #tpu.memory_space<semaphore_mem>>)
        %dma_wait3A = arith.constant 0 : i32
        %dma_wait3A_28 = tpu.memref_slice %arg5[%mul3A_22, %dma_wait3A] : memref<320000x128xf32, #tpu.memory_space<hbm>> -> memref<80x128xf32, #tpu.memory_space<hbm>>
        %dma_wait3A_29 = arith.constant 0 : i32
        %dma_wait3A_30 = tpu.memref_slice %arg5[%mul3A_22, %dma_wait3A_29] : memref<320000x128xf32, #tpu.memory_space<hbm>> -> memref<80x128xf32, #tpu.memory_space<hbm>>
        tpu.wait_dma2 semaphore(%run_scoped3A : memref<!tpu.dma_semaphore, #tpu.memory_space<semaphore_mem>>) src(%dma_wait3A_30 : memref<80x128xf32, #tpu.memory_space<hbm>>) dst(%arg13 : memref<80x128xf32, #tpu.memory_space<vmem>>)
        tpu.yield
      }) : () -> ()
      "tpu.region"() ({
        %run_scoped3A = tpu.sem_alloc : memref<!tpu.dma_semaphore, #tpu.memory_space<semaphore_mem>>
        %dma_start3A = arith.constant 0 : i32
        %dma_start3A_25 = tpu.memref_slice %arg3[%add3A_20, %dma_start3A] : memref<4000x80xi32, #tpu.memory_space<hbm>> -> memref<1x80xi32, #tpu.memory_space<hbm>>
        %dma_start3A_26 = tpu.memref_squeeze %dma_start3A_25 : memref<1x80xi32, #tpu.memory_space<hbm>> -> memref<80xi32, #tpu.memory_space<hbm>>
        %dma_start3A_27 = arith.constant 0 : i32
        %dma_start3A_28 = tpu.memref_slice %arg3[%add3A_20, %dma_start3A_27] : memref<4000x80xi32, #tpu.memory_space<hbm>> -> memref<1x80xi32, #tpu.memory_space<hbm>>
        %dma_start3A_29 = tpu.memref_squeeze %dma_start3A_28 : memref<1x80xi32, #tpu.memory_space<hbm>> -> memref<80xi32, #tpu.memory_space<hbm>>
        tpu.enqueue_dma source(%dma_start3A_29 : memref<80xi32, #tpu.memory_space<hbm>>) target(%arg9 : memref<80xi32, #tpu.memory_space<vmem>>) target_semaphore(%run_scoped3A : memref<!tpu.dma_semaphore, #tpu.memory_space<semaphore_mem>>)
        %dma_wait3A = arith.constant 0 : i32
        %dma_wait3A_30 = tpu.memref_slice %arg3[%add3A_20, %dma_wait3A] : memref<4000x80xi32, #tpu.memory_space<hbm>> -> memref<1x80xi32, #tpu.memory_space<hbm>>
        %dma_wait3A_31 = tpu.memref_squeeze %dma_wait3A_30 : memref<1x80xi32, #tpu.memory_space<hbm>> -> memref<80xi32, #tpu.memory_space<hbm>>
        %dma_wait3A_32 = arith.constant 0 : i32
        %dma_wait3A_33 = tpu.memref_slice %arg3[%add3A_20, %dma_wait3A_32] : memref<4000x80xi32, #tpu.memory_space<hbm>> -> memref<1x80xi32, #tpu.memory_space<hbm>>
        %dma_wait3A_34 = tpu.memref_squeeze %dma_wait3A_33 : memref<1x80xi32, #tpu.memory_space<hbm>> -> memref<80xi32, #tpu.memory_space<hbm>>
        tpu.wait_dma2 semaphore(%run_scoped3A : memref<!tpu.dma_semaphore, #tpu.memory_space<semaphore_mem>>) src(%dma_wait3A_34 : memref<80xi32, #tpu.memory_space<hbm>>) dst(%arg9 : memref<80xi32, #tpu.memory_space<vmem>>)
        tpu.yield
      }) : () -> ()
      %mul3A_23 = arith.constant 80 : i32
      %mul3A_24 = arith.muli %add3A_20, %mul3A_23 : i32
      "tpu.region"() ({
        %run_scoped3A = tpu.sem_alloc : memref<!tpu.dma_semaphore, #tpu.memory_space<semaphore_mem>>
        %dma_start3A = arith.constant 0 : i32
        %dma_start3A_25 = tpu.memref_slice %arg2[%mul3A_24, %dma_start3A] : memref<320000x16xf32, #tpu.memory_space<hbm>> -> memref<80x16xf32, #tpu.memory_space<hbm>>
        %dma_start3A_26 = arith.constant 0 : i32
        %dma_start3A_27 = tpu.memref_slice %arg2[%mul3A_24, %dma_start3A_26] : memref<320000x16xf32, #tpu.memory_space<hbm>> -> memref<80x16xf32, #tpu.memory_space<hbm>>
        tpu.enqueue_dma source(%dma_start3A_27 : memref<80x16xf32, #tpu.memory_space<hbm>>) target(%arg10 : memref<80x16xf32, #tpu.memory_space<vmem>>) target_semaphore(%run_scoped3A : memref<!tpu.dma_semaphore, #tpu.memory_space<semaphore_mem>>)
        %dma_wait3A = arith.constant 0 : i32
        %dma_wait3A_28 = tpu.memref_slice %arg2[%mul3A_24, %dma_wait3A] : memref<320000x16xf32, #tpu.memory_space<hbm>> -> memref<80x16xf32, #tpu.memory_space<hbm>>
        %dma_wait3A_29 = arith.constant 0 : i32
        %dma_wait3A_30 = tpu.memref_slice %arg2[%mul3A_24, %dma_wait3A_29] : memref<320000x16xf32, #tpu.memory_space<hbm>> -> memref<80x16xf32, #tpu.memory_space<hbm>>
        tpu.wait_dma2 semaphore(%run_scoped3A : memref<!tpu.dma_semaphore, #tpu.memory_space<semaphore_mem>>) src(%dma_wait3A_30 : memref<80x16xf32, #tpu.memory_space<hbm>>) dst(%arg10 : memref<80x16xf32, #tpu.memory_space<vmem>>)
        tpu.yield
      }) : () -> ()
      "tpu.region"() ({
        %run_scoped3A = tpu.sem_alloc : memref<!tpu.dma_semaphore, #tpu.memory_space<semaphore_mem>>
        %dma_start3A = arith.constant 0 : i32
        %dma_start3A_25 = arith.constant 0 : i32
        %dma_start3A_26 = tpu.memref_slice %arg11[%dma_start3A, %dma_start3A_25] : memref<10000x16xf32, #tpu.memory_space<vmem_shared>> -> memref<10000x16xf32, #tpu.memory_space<vmem_shared>>
        tpu.enqueue_indirect_dma source(%arg10 : memref<80x16xf32, #tpu.memory_space<vmem>>) target(%dma_start3A_26 : memref<10000x16xf32, #tpu.memory_space<vmem_shared>>) offsets(%arg9 : memref<80xi32, #tpu.memory_space<vmem>>) semaphore(%run_scoped3A : memref<!tpu.dma_semaphore, #tpu.memory_space<semaphore_mem>>) {add = true}
        %dma_wait3A = arith.constant 0 : i32
        %dma_wait3A_27 = arith.constant 0 : i32
        %dma_wait3A_28 = tpu.memref_slice %arg11[%dma_wait3A, %dma_wait3A_27] : memref<10000x16xf32, #tpu.memory_space<vmem_shared>> -> memref<10000x16xf32, #tpu.memory_space<vmem_shared>>
        tpu.wait_indirect_dma semaphore(%run_scoped3A : memref<!tpu.dma_semaphore, #tpu.memory_space<semaphore_mem>>) src(%arg10 : memref<80x16xf32, #tpu.memory_space<vmem>>) dst(%dma_wait3A_28 : memref<10000x16xf32, #tpu.memory_space<vmem_shared>>)
        tpu.yield
      }) : () -> ()
      "tpu.region"() ({
        %run_scoped3A = tpu.sem_alloc : memref<!tpu.dma_semaphore, #tpu.memory_space<semaphore_mem>>
        %dma_start3A = arith.constant 0 : i32
        %dma_start3A_25 = arith.constant 0 : i32
        %dma_start3A_26 = tpu.memref_slice %arg14[%dma_start3A, %dma_start3A_25] : memref<10000x128xf32, #tpu.memory_space<vmem_shared>> -> memref<10000x128xf32, #tpu.memory_space<vmem_shared>>
        tpu.enqueue_indirect_dma source(%arg13 : memref<80x128xf32, #tpu.memory_space<vmem>>) target(%dma_start3A_26 : memref<10000x128xf32, #tpu.memory_space<vmem_shared>>) offsets(%arg9 : memref<80xi32, #tpu.memory_space<vmem>>) semaphore(%run_scoped3A : memref<!tpu.dma_semaphore, #tpu.memory_space<semaphore_mem>>) {add = true}
        %dma_wait3A = arith.constant 0 : i32
        %dma_wait3A_27 = arith.constant 0 : i32
        %dma_wait3A_28 = tpu.memref_slice %arg14[%dma_wait3A, %dma_wait3A_27] : memref<10000x128xf32, #tpu.memory_space<vmem_shared>> -> memref<10000x128xf32, #tpu.memory_space<vmem_shared>>
        tpu.wait_indirect_dma semaphore(%run_scoped3A : memref<!tpu.dma_semaphore, #tpu.memory_space<semaphore_mem>>) src(%arg13 : memref<80x128xf32, #tpu.memory_space<vmem>>) dst(%dma_wait3A_28 : memref<10000x128xf32, #tpu.memory_space<vmem_shared>>)
        tpu.yield
      }) : () -> ()
    }
    %scan3A_8 = arith.constant 125 : i32
    %barrier3A_9 = arith.constant 0 : index
    tpu.barrier barrier_id(%barrier3A_9)
    %eq3A_10 = arith.constant 0 : i32
    %eq3A_11 = arith.cmpi eq, %arg1, %eq3A_10 : i32
    %convert_element_type3A_12 = arith.extui %eq3A_11 : i1 to i32
    %cond3A_13 = arith.constant 0 : i32
    %cond3A_14 = arith.cmpi ne, %convert_element_type3A_12, %cond3A_13 : i32
    scf.if %cond3A_14 {
      "tpu.region"() ({
        %run_scoped3A = tpu.sem_alloc : memref<!tpu.dma_semaphore, #tpu.memory_space<semaphore_mem>>
        %dma_start3A = arith.constant 0 : i32
        %dma_start3A_15 = arith.constant 0 : i32
        %dma_start3A_16 = tpu.memref_slice %arg7[%arg0, %dma_start3A, %dma_start3A_15] : memref<2x10000x16xf32, #tpu.memory_space<hbm>> -> memref<1x10000x16xf32, #tpu.memory_space<hbm>>
        %dma_start3A_17 = tpu.memref_squeeze %dma_start3A_16 : memref<1x10000x16xf32, #tpu.memory_space<hbm>> -> memref<10000x16xf32, #tpu.memory_space<hbm>>
        tpu.enqueue_dma source(%arg11 : memref<10000x16xf32, #tpu.memory_space<vmem_shared>>) target(%dma_start3A_17 : memref<10000x16xf32, #tpu.memory_space<hbm>>) target_semaphore(%run_scoped3A : memref<!tpu.dma_semaphore, #tpu.memory_space<semaphore_mem>>)
        %dma_wait3A = arith.constant 0 : i32
        %dma_wait3A_18 = arith.constant 0 : i32
        %dma_wait3A_19 = tpu.memref_slice %arg7[%arg0, %dma_wait3A, %dma_wait3A_18] : memref<2x10000x16xf32, #tpu.memory_space<hbm>> -> memref<1x10000x16xf32, #tpu.memory_space<hbm>>
        %dma_wait3A_20 = tpu.memref_squeeze %dma_wait3A_19 : memref<1x10000x16xf32, #tpu.memory_space<hbm>> -> memref<10000x16xf32, #tpu.memory_space<hbm>>
        tpu.wait_dma2 semaphore(%run_scoped3A : memref<!tpu.dma_semaphore, #tpu.memory_space<semaphore_mem>>) src(%arg11 : memref<10000x16xf32, #tpu.memory_space<vmem_shared>>) dst(%dma_wait3A_20 : memref<10000x16xf32, #tpu.memory_space<hbm>>)
        tpu.yield
      }) : () -> ()
      "tpu.region"() ({
        %run_scoped3A = tpu.sem_alloc : memref<!tpu.dma_semaphore, #tpu.memory_space<semaphore_mem>>
        %dma_start3A = arith.constant 0 : i32
        %dma_start3A_15 = arith.constant 0 : i32
        %dma_start3A_16 = tpu.memref_slice %arg8[%arg0, %dma_start3A, %dma_start3A_15] : memref<2x10000x128xf32, #tpu.memory_space<hbm>> -> memref<1x10000x128xf32, #tpu.memory_space<hbm>>
        %dma_start3A_17 = tpu.memref_squeeze %dma_start3A_16 : memref<1x10000x128xf32, #tpu.memory_space<hbm>> -> memref<10000x128xf32, #tpu.memory_space<hbm>>
        tpu.enqueue_dma source(%arg14 : memref<10000x128xf32, #tpu.memory_space<vmem_shared>>) target(%dma_start3A_17 : memref<10000x128xf32, #tpu.memory_space<hbm>>) target_semaphore(%run_scoped3A : memref<!tpu.dma_semaphore, #tpu.memory_space<semaphore_mem>>)
        %dma_wait3A = arith.constant 0 : i32
        %dma_wait3A_18 = arith.constant 0 : i32
        %dma_wait3A_19 = tpu.memref_slice %arg8[%arg0, %dma_wait3A, %dma_wait3A_18] : memref<2x10000x128xf32, #tpu.memory_space<hbm>> -> memref<1x10000x128xf32, #tpu.memory_space<hbm>>
        %dma_wait3A_20 = tpu.memref_squeeze %dma_wait3A_19 : memref<1x10000x128xf32, #tpu.memory_space<hbm>> -> memref<10000x128xf32, #tpu.memory_space<hbm>>
        tpu.wait_dma2 semaphore(%run_scoped3A : memref<!tpu.dma_semaphore, #tpu.memory_space<semaphore_mem>>) src(%arg14 : memref<10000x128xf32, #tpu.memory_space<vmem_shared>>) dst(%dma_wait3A_20 : memref<10000x128xf32, #tpu.memory_space<hbm>>)
        tpu.yield
      }) : () -> ()
    } else {
    }
    return
  }
}

#map = affine_map<(d0, d1) -> (0, 0)>
module attributes {stable_mosaic.version = 14 : i64} {
  func.func @gather2(%arg0: i32, %arg1: i32, %arg2: memref<10000x256xf32, #tpu.memory_space<hbm>>, %arg3: memref<10000x128xf32, #tpu.memory_space<hbm>>, %arg4: memref<4000x80xi32, #tpu.memory_space<hbm>>, %arg5: memref<4000x80xi32, #tpu.memory_space<hbm>>, %arg6: memref<320000x256xf32, #tpu.memory_space<hbm>>, %arg7: memref<320000x128xf32, #tpu.memory_space<hbm>>, %arg8: memref<80xi32, #tpu.memory_space<vmem>>, %arg9: memref<80xi32, #tpu.memory_space<vmem>>, %arg10: memref<80x256xf32, #tpu.memory_space<vmem>>, %arg11: memref<80x128xf32, #tpu.memory_space<vmem>>, %arg12: memref<!tpu.dma_semaphore, #tpu.memory_space<semaphore_mem>>, %arg13: memref<!tpu.dma_semaphore, #tpu.memory_space<semaphore_mem>>) attributes {dimension_semantics = [#tpu.dimension_semantics<core_parallel>, #tpu.dimension_semantics<subcore_parallel>], iteration_bounds = array<i64: 2, 16>, scalar_prefetch = 0 : i64, scratch_operands = 6 : i64, tpu.core_type = #tpu.core_type<sc_vector_subcore>, window_params = [{transform_indices = #map}, {transform_indices = #map}, {transform_indices = #map}, {transform_indices = #map}, {transform_indices = #map}, {transform_indices = #map}]} {
    %mul3A = arith.constant 2 : i32
    %mul3A_0 = arith.muli %arg1, %mul3A : i32
    %add3A = arith.addi %mul3A_0, %arg0 : i32
    %mul3A_1 = arith.constant 125 : i32
    %mul3A_2 = arith.muli %add3A, %mul3A_1 : i32
    %scan3A = arith.constant 0 : i32
    %scan3A_3 = arith.constant 125 : i32
    %scan3A_4 = arith.addi %scan3A, %scan3A_3 : i32
    %scan3A_5 = arith.constant 1 : i32
    scf.for %scan3A_7 = %scan3A to %scan3A_4 step %scan3A_5  : i32 {
      %mul3A_8 = arith.constant 1 : i32
      %mul3A_9 = arith.muli %scan3A_7, %mul3A_8 : i32
      %add3A_10 = arith.constant 0 : i32
      %add3A_11 = arith.addi %add3A_10, %mul3A_9 : i32
      %add3A_12 = arith.addi %mul3A_2, %add3A_11 : i32
      "tpu.region"() ({
        %run_scoped3A = tpu.sem_alloc : memref<!tpu.dma_semaphore, #tpu.memory_space<semaphore_mem>>
        %dma_start3A_27 = arith.constant 0 : i32
        %dma_start3A_28 = tpu.memref_slice %arg4[%add3A_12, %dma_start3A_27] : memref<4000x80xi32, #tpu.memory_space<hbm>> -> memref<1x80xi32, #tpu.memory_space<hbm>>
        %dma_start3A_29 = tpu.memref_squeeze %dma_start3A_28 : memref<1x80xi32, #tpu.memory_space<hbm>> -> memref<80xi32, #tpu.memory_space<hbm>>
        %dma_start3A_30 = arith.constant 0 : i32
        %dma_start3A_31 = tpu.memref_slice %arg4[%add3A_12, %dma_start3A_30] : memref<4000x80xi32, #tpu.memory_space<hbm>> -> memref<1x80xi32, #tpu.memory_space<hbm>>
        %dma_start3A_32 = tpu.memref_squeeze %dma_start3A_31 : memref<1x80xi32, #tpu.memory_space<hbm>> -> memref<80xi32, #tpu.memory_space<hbm>>
        tpu.enqueue_dma source(%dma_start3A_32 : memref<80xi32, #tpu.memory_space<hbm>>) target(%arg8 : memref<80xi32, #tpu.memory_space<vmem>>) target_semaphore(%run_scoped3A : memref<!tpu.dma_semaphore, #tpu.memory_space<semaphore_mem>>)
        %dma_wait3A_33 = arith.constant 0 : i32
        %dma_wait3A_34 = tpu.memref_slice %arg4[%add3A_12, %dma_wait3A_33] : memref<4000x80xi32, #tpu.memory_space<hbm>> -> memref<1x80xi32, #tpu.memory_space<hbm>>
        %dma_wait3A_35 = tpu.memref_squeeze %dma_wait3A_34 : memref<1x80xi32, #tpu.memory_space<hbm>> -> memref<80xi32, #tpu.memory_space<hbm>>
        %dma_wait3A_36 = arith.constant 0 : i32
        %dma_wait3A_37 = tpu.memref_slice %arg4[%add3A_12, %dma_wait3A_36] : memref<4000x80xi32, #tpu.memory_space<hbm>> -> memref<1x80xi32, #tpu.memory_space<hbm>>
        %dma_wait3A_38 = tpu.memref_squeeze %dma_wait3A_37 : memref<1x80xi32, #tpu.memory_space<hbm>> -> memref<80xi32, #tpu.memory_space<hbm>>
        tpu.wait_dma2 semaphore(%run_scoped3A : memref<!tpu.dma_semaphore, #tpu.memory_space<semaphore_mem>>) src(%dma_wait3A_38 : memref<80xi32, #tpu.memory_space<hbm>>) dst(%arg8 : memref<80xi32, #tpu.memory_space<vmem>>)
        tpu.yield
      }) : () -> ()
      "tpu.region"() ({
        %run_scoped3A = tpu.sem_alloc : memref<!tpu.dma_semaphore, #tpu.memory_space<semaphore_mem>>
        %dma_start3A_27 = arith.constant 0 : i32
        %dma_start3A_28 = tpu.memref_slice %arg5[%add3A_12, %dma_start3A_27] : memref<4000x80xi32, #tpu.memory_space<hbm>> -> memref<1x80xi32, #tpu.memory_space<hbm>>
        %dma_start3A_29 = tpu.memref_squeeze %dma_start3A_28 : memref<1x80xi32, #tpu.memory_space<hbm>> -> memref<80xi32, #tpu.memory_space<hbm>>
        %dma_start3A_30 = arith.constant 0 : i32
        %dma_start3A_31 = tpu.memref_slice %arg5[%add3A_12, %dma_start3A_30] : memref<4000x80xi32, #tpu.memory_space<hbm>> -> memref<1x80xi32, #tpu.memory_space<hbm>>
        %dma_start3A_32 = tpu.memref_squeeze %dma_start3A_31 : memref<1x80xi32, #tpu.memory_space<hbm>> -> memref<80xi32, #tpu.memory_space<hbm>>
        tpu.enqueue_dma source(%dma_start3A_32 : memref<80xi32, #tpu.memory_space<hbm>>) target(%arg9 : memref<80xi32, #tpu.memory_space<vmem>>) target_semaphore(%run_scoped3A : memref<!tpu.dma_semaphore, #tpu.memory_space<semaphore_mem>>)
        %dma_wait3A_33 = arith.constant 0 : i32
        %dma_wait3A_34 = tpu.memref_slice %arg5[%add3A_12, %dma_wait3A_33] : memref<4000x80xi32, #tpu.memory_space<hbm>> -> memref<1x80xi32, #tpu.memory_space<hbm>>
        %dma_wait3A_35 = tpu.memref_squeeze %dma_wait3A_34 : memref<1x80xi32, #tpu.memory_space<hbm>> -> memref<80xi32, #tpu.memory_space<hbm>>
        %dma_wait3A_36 = arith.constant 0 : i32
        %dma_wait3A_37 = tpu.memref_slice %arg5[%add3A_12, %dma_wait3A_36] : memref<4000x80xi32, #tpu.memory_space<hbm>> -> memref<1x80xi32, #tpu.memory_space<hbm>>
        %dma_wait3A_38 = tpu.memref_squeeze %dma_wait3A_37 : memref<1x80xi32, #tpu.memory_space<hbm>> -> memref<80xi32, #tpu.memory_space<hbm>>
        tpu.wait_dma2 semaphore(%run_scoped3A : memref<!tpu.dma_semaphore, #tpu.memory_space<semaphore_mem>>) src(%dma_wait3A_38 : memref<80xi32, #tpu.memory_space<hbm>>) dst(%arg9 : memref<80xi32, #tpu.memory_space<vmem>>)
        tpu.yield
      }) : () -> ()
      %dma_start3A = arith.constant 0 : i32
      %dma_start3A_13 = arith.constant 0 : i32
      %dma_start3A_14 = tpu.memref_slice %arg2[%dma_start3A, %dma_start3A_13] : memref<10000x256xf32, #tpu.memory_space<hbm>> -> memref<10000x256xf32, #tpu.memory_space<hbm>>
      tpu.enqueue_indirect_dma source(%dma_start3A_14 : memref<10000x256xf32, #tpu.memory_space<hbm>>) target(%arg10 : memref<80x256xf32, #tpu.memory_space<vmem>>) offsets(%arg8 : memref<80xi32, #tpu.memory_space<vmem>>) semaphore(%arg12 : memref<!tpu.dma_semaphore, #tpu.memory_space<semaphore_mem>>)
      %dma_start3A_15 = arith.constant 0 : i32
      %dma_start3A_16 = arith.constant 0 : i32
      %dma_start3A_17 = tpu.memref_slice %arg3[%dma_start3A_15, %dma_start3A_16] : memref<10000x128xf32, #tpu.memory_space<hbm>> -> memref<10000x128xf32, #tpu.memory_space<hbm>>
      tpu.enqueue_indirect_dma source(%dma_start3A_17 : memref<10000x128xf32, #tpu.memory_space<hbm>>) target(%arg11 : memref<80x128xf32, #tpu.memory_space<vmem>>) offsets(%arg9 : memref<80xi32, #tpu.memory_space<vmem>>) semaphore(%arg13 : memref<!tpu.dma_semaphore, #tpu.memory_space<semaphore_mem>>)
      %dma_wait3A = arith.constant 0 : i32
      %dma_wait3A_18 = arith.constant 0 : i32
      %dma_wait3A_19 = tpu.memref_slice %arg2[%dma_wait3A, %dma_wait3A_18] : memref<10000x256xf32, #tpu.memory_space<hbm>> -> memref<10000x256xf32, #tpu.memory_space<hbm>>
      tpu.wait_indirect_dma semaphore(%arg12 : memref<!tpu.dma_semaphore, #tpu.memory_space<semaphore_mem>>) src(%dma_wait3A_19 : memref<10000x256xf32, #tpu.memory_space<hbm>>) dst(%arg10 : memref<80x256xf32, #tpu.memory_space<vmem>>)
      %dma_wait3A_20 = arith.constant 0 : i32
      %dma_wait3A_21 = arith.constant 0 : i32
      %dma_wait3A_22 = tpu.memref_slice %arg3[%dma_wait3A_20, %dma_wait3A_21] : memref<10000x128xf32, #tpu.memory_space<hbm>> -> memref<10000x128xf32, #tpu.memory_space<hbm>>
      tpu.wait_indirect_dma semaphore(%arg13 : memref<!tpu.dma_semaphore, #tpu.memory_space<semaphore_mem>>) src(%dma_wait3A_22 : memref<10000x128xf32, #tpu.memory_space<hbm>>) dst(%arg11 : memref<80x128xf32, #tpu.memory_space<vmem>>)
      %mul3A_23 = arith.constant 80 : i32
      %mul3A_24 = arith.muli %add3A_12, %mul3A_23 : i32
      "tpu.region"() ({
        %run_scoped3A = tpu.sem_alloc : memref<!tpu.dma_semaphore, #tpu.memory_space<semaphore_mem>>
        %dma_start3A_27 = arith.constant 0 : i32
        %dma_start3A_28 = tpu.memref_slice %arg6[%mul3A_24, %dma_start3A_27] : memref<320000x256xf32, #tpu.memory_space<hbm>> -> memref<80x256xf32, #tpu.memory_space<hbm>>
        %dma_start3A_29 = arith.constant 0 : i32
        %dma_start3A_30 = tpu.memref_slice %arg6[%mul3A_24, %dma_start3A_29] : memref<320000x256xf32, #tpu.memory_space<hbm>> -> memref<80x256xf32, #tpu.memory_space<hbm>>
        tpu.enqueue_dma source(%arg10 : memref<80x256xf32, #tpu.memory_space<vmem>>) target(%dma_start3A_30 : memref<80x256xf32, #tpu.memory_space<hbm>>) target_semaphore(%run_scoped3A : memref<!tpu.dma_semaphore, #tpu.memory_space<semaphore_mem>>)
        %dma_wait3A_31 = arith.constant 0 : i32
        %dma_wait3A_32 = tpu.memref_slice %arg6[%mul3A_24, %dma_wait3A_31] : memref<320000x256xf32, #tpu.memory_space<hbm>> -> memref<80x256xf32, #tpu.memory_space<hbm>>
        %dma_wait3A_33 = arith.constant 0 : i32
        %dma_wait3A_34 = tpu.memref_slice %arg6[%mul3A_24, %dma_wait3A_33] : memref<320000x256xf32, #tpu.memory_space<hbm>> -> memref<80x256xf32, #tpu.memory_space<hbm>>
        tpu.wait_dma2 semaphore(%run_scoped3A : memref<!tpu.dma_semaphore, #tpu.memory_space<semaphore_mem>>) src(%arg10 : memref<80x256xf32, #tpu.memory_space<vmem>>) dst(%dma_wait3A_34 : memref<80x256xf32, #tpu.memory_space<hbm>>)
        tpu.yield
      }) : () -> ()
      %mul3A_25 = arith.constant 80 : i32
      %mul3A_26 = arith.muli %add3A_12, %mul3A_25 : i32
      "tpu.region"() ({
        %run_scoped3A = tpu.sem_alloc : memref<!tpu.dma_semaphore, #tpu.memory_space<semaphore_mem>>
        %dma_start3A_27 = arith.constant 0 : i32
        %dma_start3A_28 = tpu.memref_slice %arg7[%mul3A_26, %dma_start3A_27] : memref<320000x128xf32, #tpu.memory_space<hbm>> -> memref<80x128xf32, #tpu.memory_space<hbm>>
        %dma_start3A_29 = arith.constant 0 : i32
        %dma_start3A_30 = tpu.memref_slice %arg7[%mul3A_26, %dma_start3A_29] : memref<320000x128xf32, #tpu.memory_space<hbm>> -> memref<80x128xf32, #tpu.memory_space<hbm>>
        tpu.enqueue_dma source(%arg11 : memref<80x128xf32, #tpu.memory_space<vmem>>) target(%dma_start3A_30 : memref<80x128xf32, #tpu.memory_space<hbm>>) target_semaphore(%run_scoped3A : memref<!tpu.dma_semaphore, #tpu.memory_space<semaphore_mem>>)
        %dma_wait3A_31 = arith.constant 0 : i32
        %dma_wait3A_32 = tpu.memref_slice %arg7[%mul3A_26, %dma_wait3A_31] : memref<320000x128xf32, #tpu.memory_space<hbm>> -> memref<80x128xf32, #tpu.memory_space<hbm>>
        %dma_wait3A_33 = arith.constant 0 : i32
        %dma_wait3A_34 = tpu.memref_slice %arg7[%mul3A_26, %dma_wait3A_33] : memref<320000x128xf32, #tpu.memory_space<hbm>> -> memref<80x128xf32, #tpu.memory_space<hbm>>
        tpu.wait_dma2 semaphore(%run_scoped3A : memref<!tpu.dma_semaphore, #tpu.memory_space<semaphore_mem>>) src(%arg11 : memref<80x128xf32, #tpu.memory_space<vmem>>) dst(%dma_wait3A_34 : memref<80x128xf32, #tpu.memory_space<hbm>>)
        tpu.yield
      }) : () -> ()
    }
    %scan3A_6 = arith.constant 125 : i32
    return
  }
}

#map = affine_map<(d0, d1) -> (0, 0)>
#map1 = affine_map<(d0, d1) -> (0, 0, 0)>
module attributes {stable_mosaic.version = 14 : i64} {
  func.func @scatter(%arg0: i32, %arg1: i32, %arg2: memref<320000x16xf32, #tpu.memory_space<hbm>>, %arg3: memref<4000x80xi32, #tpu.memory_space<hbm>>, %arg4: memref<10000x16xf32, #tpu.memory_space<hbm>>, %arg5: memref<2x10000x16xf32, #tpu.memory_space<hbm>>, %arg6: memref<80xi32, #tpu.memory_space<vmem>>, %arg7: memref<80x16xf32, #tpu.memory_space<vmem>>, %arg8: memref<10000x16xf32, #tpu.memory_space<vmem_shared>>, %arg9: memref<!tpu.dma_semaphore, #tpu.memory_space<semaphore_mem>>) attributes {dimension_semantics = [#tpu.dimension_semantics<core_parallel>, #tpu.dimension_semantics<subcore_parallel>], iteration_bounds = array<i64: 2, 16>, scalar_prefetch = 0 : i64, scratch_operands = 4 : i64, tpu.core_type = #tpu.core_type<sc_vector_subcore>, window_params = [{transform_indices = #map}, {transform_indices = #map}, {transform_indices = #map}, {transform_indices = #map1}]} {
    %mul3A = arith.constant 2 : i32
    %mul3A_0 = arith.muli %arg1, %mul3A : i32
    %add3A = arith.addi %mul3A_0, %arg0 : i32
    %mul3A_1 = arith.constant 125 : i32
    %mul3A_2 = arith.muli %add3A, %mul3A_1 : i32
    %eq3A = arith.constant 0 : i32
    %eq3A_3 = arith.cmpi eq, %arg1, %eq3A : i32
    %convert_element_type3A = arith.extui %eq3A_3 : i1 to i32
    %cond3A = arith.constant 0 : i32
    %cond3A_4 = arith.cmpi ne, %convert_element_type3A, %cond3A : i32
    scf.if %cond3A_4 {
      "tpu.region"() ({
        %run_scoped3A = tpu.sem_alloc : memref<!tpu.dma_semaphore, #tpu.memory_space<semaphore_mem>>
        tpu.enqueue_dma source(%arg4 : memref<10000x16xf32, #tpu.memory_space<hbm>>) target(%arg8 : memref<10000x16xf32, #tpu.memory_space<vmem_shared>>) target_semaphore(%run_scoped3A : memref<!tpu.dma_semaphore, #tpu.memory_space<semaphore_mem>>)
        tpu.wait_dma2 semaphore(%run_scoped3A : memref<!tpu.dma_semaphore, #tpu.memory_space<semaphore_mem>>) src(%arg4 : memref<10000x16xf32, #tpu.memory_space<hbm>>) dst(%arg8 : memref<10000x16xf32, #tpu.memory_space<vmem_shared>>)
        tpu.yield
      }) : () -> ()
    } else {
    }
    %barrier3A = arith.constant 0 : index
    tpu.barrier barrier_id(%barrier3A)
    %scan3A = arith.constant 0 : i32
    %scan3A_5 = arith.constant 125 : i32
    %scan3A_6 = arith.addi %scan3A, %scan3A_5 : i32
    %scan3A_7 = arith.constant 1 : i32
    scf.for %scan3A_15 = %scan3A to %scan3A_6 step %scan3A_7  : i32 {
      %mul3A_16 = arith.constant 1 : i32
      %mul3A_17 = arith.muli %scan3A_15, %mul3A_16 : i32
      %add3A_18 = arith.constant 0 : i32
      %add3A_19 = arith.addi %add3A_18, %mul3A_17 : i32
      %add3A_20 = arith.addi %mul3A_2, %add3A_19 : i32
      "tpu.region"() ({
        %run_scoped3A = tpu.sem_alloc : memref<!tpu.dma_semaphore, #tpu.memory_space<semaphore_mem>>
        %dma_start3A = arith.constant 0 : i32
        %dma_start3A_23 = tpu.memref_slice %arg3[%add3A_20, %dma_start3A] : memref<4000x80xi32, #tpu.memory_space<hbm>> -> memref<1x80xi32, #tpu.memory_space<hbm>>
        %dma_start3A_24 = tpu.memref_squeeze %dma_start3A_23 : memref<1x80xi32, #tpu.memory_space<hbm>> -> memref<80xi32, #tpu.memory_space<hbm>>
        %dma_start3A_25 = arith.constant 0 : i32
        %dma_start3A_26 = tpu.memref_slice %arg3[%add3A_20, %dma_start3A_25] : memref<4000x80xi32, #tpu.memory_space<hbm>> -> memref<1x80xi32, #tpu.memory_space<hbm>>
        %dma_start3A_27 = tpu.memref_squeeze %dma_start3A_26 : memref<1x80xi32, #tpu.memory_space<hbm>> -> memref<80xi32, #tpu.memory_space<hbm>>
        tpu.enqueue_dma source(%dma_start3A_27 : memref<80xi32, #tpu.memory_space<hbm>>) target(%arg6 : memref<80xi32, #tpu.memory_space<vmem>>) target_semaphore(%run_scoped3A : memref<!tpu.dma_semaphore, #tpu.memory_space<semaphore_mem>>)
        %dma_wait3A = arith.constant 0 : i32
        %dma_wait3A_28 = tpu.memref_slice %arg3[%add3A_20, %dma_wait3A] : memref<4000x80xi32, #tpu.memory_space<hbm>> -> memref<1x80xi32, #tpu.memory_space<hbm>>
        %dma_wait3A_29 = tpu.memref_squeeze %dma_wait3A_28 : memref<1x80xi32, #tpu.memory_space<hbm>> -> memref<80xi32, #tpu.memory_space<hbm>>
        %dma_wait3A_30 = arith.constant 0 : i32
        %dma_wait3A_31 = tpu.memref_slice %arg3[%add3A_20, %dma_wait3A_30] : memref<4000x80xi32, #tpu.memory_space<hbm>> -> memref<1x80xi32, #tpu.memory_space<hbm>>
        %dma_wait3A_32 = tpu.memref_squeeze %dma_wait3A_31 : memref<1x80xi32, #tpu.memory_space<hbm>> -> memref<80xi32, #tpu.memory_space<hbm>>
        tpu.wait_dma2 semaphore(%run_scoped3A : memref<!tpu.dma_semaphore, #tpu.memory_space<semaphore_mem>>) src(%dma_wait3A_32 : memref<80xi32, #tpu.memory_space<hbm>>) dst(%arg6 : memref<80xi32, #tpu.memory_space<vmem>>)
        tpu.yield
      }) : () -> ()
      %mul3A_21 = arith.constant 80 : i32
      %mul3A_22 = arith.muli %add3A_20, %mul3A_21 : i32
      "tpu.region"() ({
        %run_scoped3A = tpu.sem_alloc : memref<!tpu.dma_semaphore, #tpu.memory_space<semaphore_mem>>
        %dma_start3A = arith.constant 0 : i32
        %dma_start3A_23 = tpu.memref_slice %arg2[%mul3A_22, %dma_start3A] : memref<320000x16xf32, #tpu.memory_space<hbm>> -> memref<80x16xf32, #tpu.memory_space<hbm>>
        %dma_start3A_24 = arith.constant 0 : i32
        %dma_start3A_25 = tpu.memref_slice %arg2[%mul3A_22, %dma_start3A_24] : memref<320000x16xf32, #tpu.memory_space<hbm>> -> memref<80x16xf32, #tpu.memory_space<hbm>>
        tpu.enqueue_dma source(%dma_start3A_25 : memref<80x16xf32, #tpu.memory_space<hbm>>) target(%arg7 : memref<80x16xf32, #tpu.memory_space<vmem>>) target_semaphore(%run_scoped3A : memref<!tpu.dma_semaphore, #tpu.memory_space<semaphore_mem>>)
        %dma_wait3A = arith.constant 0 : i32
        %dma_wait3A_26 = tpu.memref_slice %arg2[%mul3A_22, %dma_wait3A] : memref<320000x16xf32, #tpu.memory_space<hbm>> -> memref<80x16xf32, #tpu.memory_space<hbm>>
        %dma_wait3A_27 = arith.constant 0 : i32
        %dma_wait3A_28 = tpu.memref_slice %arg2[%mul3A_22, %dma_wait3A_27] : memref<320000x16xf32, #tpu.memory_space<hbm>> -> memref<80x16xf32, #tpu.memory_space<hbm>>
        tpu.wait_dma2 semaphore(%run_scoped3A : memref<!tpu.dma_semaphore, #tpu.memory_space<semaphore_mem>>) src(%dma_wait3A_28 : memref<80x16xf32, #tpu.memory_space<hbm>>) dst(%arg7 : memref<80x16xf32, #tpu.memory_space<vmem>>)
        tpu.yield
      }) : () -> ()
      "tpu.region"() ({
        %run_scoped3A = tpu.sem_alloc : memref<!tpu.dma_semaphore, #tpu.memory_space<semaphore_mem>>
        %dma_start3A = arith.constant 0 : i32
        %dma_start3A_23 = arith.constant 0 : i32
        %dma_start3A_24 = tpu.memref_slice %arg8[%dma_start3A, %dma_start3A_23] : memref<10000x16xf32, #tpu.memory_space<vmem_shared>> -> memref<10000x16xf32, #tpu.memory_space<vmem_shared>>
        tpu.enqueue_indirect_dma source(%arg7 : memref<80x16xf32, #tpu.memory_space<vmem>>) target(%dma_start3A_24 : memref<10000x16xf32, #tpu.memory_space<vmem_shared>>) offsets(%arg6 : memref<80xi32, #tpu.memory_space<vmem>>) semaphore(%run_scoped3A : memref<!tpu.dma_semaphore, #tpu.memory_space<semaphore_mem>>) {add = true}
        %dma_wait3A = arith.constant 0 : i32
        %dma_wait3A_25 = arith.constant 0 : i32
        %dma_wait3A_26 = tpu.memref_slice %arg8[%dma_wait3A, %dma_wait3A_25] : memref<10000x16xf32, #tpu.memory_space<vmem_shared>> -> memref<10000x16xf32, #tpu.memory_space<vmem_shared>>
        tpu.wait_indirect_dma semaphore(%run_scoped3A : memref<!tpu.dma_semaphore, #tpu.memory_space<semaphore_mem>>) src(%arg7 : memref<80x16xf32, #tpu.memory_space<vmem>>) dst(%dma_wait3A_26 : memref<10000x16xf32, #tpu.memory_space<vmem_shared>>)
        tpu.yield
      }) : () -> ()
    }
    %scan3A_8 = arith.constant 125 : i32
    %barrier3A_9 = arith.constant 0 : index
    tpu.barrier barrier_id(%barrier3A_9)
    %eq3A_10 = arith.constant 0 : i32
    %eq3A_11 = arith.cmpi eq, %arg1, %eq3A_10 : i32
    %convert_element_type3A_12 = arith.extui %eq3A_11 : i1 to i32
    %cond3A_13 = arith.constant 0 : i32
    %cond3A_14 = arith.cmpi ne, %convert_element_type3A_12, %cond3A_13 : i32
    scf.if %cond3A_14 {
      "tpu.region"() ({
        %run_scoped3A = tpu.sem_alloc : memref<!tpu.dma_semaphore, #tpu.memory_space<semaphore_mem>>
        %dma_start3A = arith.constant 0 : i32
        %dma_start3A_15 = arith.constant 0 : i32
        %dma_start3A_16 = tpu.memref_slice %arg5[%arg0, %dma_start3A, %dma_start3A_15] : memref<2x10000x16xf32, #tpu.memory_space<hbm>> -> memref<1x10000x16xf32, #tpu.memory_space<hbm>>
        %dma_start3A_17 = tpu.memref_squeeze %dma_start3A_16 : memref<1x10000x16xf32, #tpu.memory_space<hbm>> -> memref<10000x16xf32, #tpu.memory_space<hbm>>
        tpu.enqueue_dma source(%arg8 : memref<10000x16xf32, #tpu.memory_space<vmem_shared>>) target(%dma_start3A_17 : memref<10000x16xf32, #tpu.memory_space<hbm>>) target_semaphore(%run_scoped3A : memref<!tpu.dma_semaphore, #tpu.memory_space<semaphore_mem>>)
        %dma_wait3A = arith.constant 0 : i32
        %dma_wait3A_18 = arith.constant 0 : i32
        %dma_wait3A_19 = tpu.memref_slice %arg5[%arg0, %dma_wait3A, %dma_wait3A_18] : memref<2x10000x16xf32, #tpu.memory_space<hbm>> -> memref<1x10000x16xf32, #tpu.memory_space<hbm>>
        %dma_wait3A_20 = tpu.memref_squeeze %dma_wait3A_19 : memref<1x10000x16xf32, #tpu.memory_space<hbm>> -> memref<10000x16xf32, #tpu.memory_space<hbm>>
        tpu.wait_dma2 semaphore(%run_scoped3A : memref<!tpu.dma_semaphore, #tpu.memory_space<semaphore_mem>>) src(%arg8 : memref<10000x16xf32, #tpu.memory_space<vmem_shared>>) dst(%dma_wait3A_20 : memref<10000x16xf32, #tpu.memory_space<hbm>>)
        tpu.yield
      }) : () -> ()
    } else {
    }
    return
  }
}

module attributes {stable_mosaic.version = 14 : i64} {
  func.func @_edge_body(%arg0: i32, %arg1: memref<2000x256xf32, #tpu.memory_space<vmem>>, %arg2: memref<2000x256xf32, #tpu.memory_space<vmem>>, %arg3: memref<2000x1xf32, #tpu.memory_space<vmem>>, %arg4: memref<1x128xf32, #tpu.memory_space<vmem>>, %arg5: memref<128x128xf32, #tpu.memory_space<vmem>>, %arg6: memref<1x128xf32, #tpu.memory_space<vmem>>, %arg7: memref<128x128xf32, #tpu.memory_space<vmem>>, %arg8: memref<1x128xf32, #tpu.memory_space<vmem>>, %arg9: memref<128x1xf32, #tpu.memory_space<vmem>>, %arg10: memref<1x1xf32, #tpu.memory_space<vmem>>, %arg11: memref<2000x128xf32, #tpu.memory_space<vmem>>, %arg12: memref<2000x16xf32, #tpu.memory_space<vmem>>, %arg13: memref<2000x1xf32, #tpu.memory_space<vmem>>) attributes {dimension_semantics = [#tpu.dimension_semantics<arbitrary>], iteration_bounds = array<i64: 160>, scalar_prefetch = 0 : i64, scratch_operands = 0 : i64, tpu.core_type = #tpu.core_type<tc>, window_params = [{transform_indices = @transform_0, window_bounds = array<i64: 2000, 256>}, {transform_indices = @transform_1, window_bounds = array<i64: 2000, 256>}, {transform_indices = @transform_2, window_bounds = array<i64: 2000, 1>}, {pipeline_mode = #tpu.pipeline_mode<synchronous>, transform_indices = @transform_3, window_bounds = array<i64: 1, 128>}, {pipeline_mode = #tpu.pipeline_mode<synchronous>, transform_indices = @transform_4, window_bounds = array<i64: 128, 128>}, {pipeline_mode = #tpu.pipeline_mode<synchronous>, transform_indices = @transform_5, window_bounds = array<i64: 1, 128>}, {pipeline_mode = #tpu.pipeline_mode<synchronous>, transform_indices = @transform_6, window_bounds = array<i64: 128, 128>}, {pipeline_mode = #tpu.pipeline_mode<synchronous>, transform_indices = @transform_7, window_bounds = array<i64: 1, 128>}, {pipeline_mode = #tpu.pipeline_mode<synchronous>, transform_indices = @transform_8, window_bounds = array<i64: 128, 1>}, {pipeline_mode = #tpu.pipeline_mode<synchronous>, transform_indices = @transform_9, window_bounds = array<i64: 1, 1>}, {transform_indices = @transform_10, window_bounds = array<i64: 2000, 128>}, {transform_indices = @transform_11, window_bounds = array<i64: 2000, 16>}, {transform_indices = @transform_12, window_bounds = array<i64: 2000, 1>}]} {
    %get3A = arith.constant 0 : index
    %get3A_0 = arith.constant 0 : index
    %get3A_1 = vector.load %arg1[%get3A, %get3A_0] : memref<2000x256xf32, #tpu.memory_space<vmem>>, vector<2000x128xf32>
    %get3A_2 = arith.constant 0 : index
    %get3A_3 = arith.constant 128 : index
    %get3A_4 = vector.load %arg1[%get3A_2, %get3A_3] : memref<2000x256xf32, #tpu.memory_space<vmem>>, vector<2000x3xf32>
    %get3A_5 = arith.constant 0 : index
    %get3A_6 = arith.constant 0 : index
    %get3A_7 = vector.load %arg2[%get3A_5, %get3A_6] : memref<2000x256xf32, #tpu.memory_space<vmem>>, vector<2000x128xf32>
    %get3A_8 = arith.constant 0 : index
    %get3A_9 = arith.constant 128 : index
    %get3A_10 = vector.load %arg2[%get3A_8, %get3A_9] : memref<2000x256xf32, #tpu.memory_space<vmem>>, vector<2000x3xf32>
    %sub3A = arith.subf %get3A_4, %get3A_10 : vector<2000x3xf32>
    %integer_pow3A = arith.mulf %sub3A, %sub3A : vector<2000x3xf32>
    %reduce_sum3A = arith.constant dense<0.000000e+00> : vector<2000xf32>
    %reduce_sum3A_11 = vector.multi_reduction <add>, %integer_pow3A, %reduce_sum3A [1] : vector<2000x3xf32> to vector<2000xf32>
    %broadcast_in_dim3A = vector.shape_cast %reduce_sum3A_11 : vector<2000xf32> to vector<2000x1xf32>
    %add3A = arith.addf %get3A_1, %get3A_7 : vector<2000x128xf32>
    %get3A_12 = arith.constant 0 : index
    %get3A_13 = arith.constant 0 : index
    %get3A_14 = vector.load %arg4[%get3A_12, %get3A_13] : memref<1x128xf32, #tpu.memory_space<vmem>>, vector<1x128xf32>
    %mul3A = vector.broadcast %broadcast_in_dim3A : vector<2000x1xf32> to vector<2000x128xf32>
    %mul3A_15 = vector.broadcast %get3A_14 : vector<1x128xf32> to vector<2000x128xf32>
    %mul3A_16 = arith.mulf %mul3A, %mul3A_15 : vector<2000x128xf32>
    %add3A_17 = arith.addf %add3A, %mul3A_16 : vector<2000x128xf32>
    %logistic3A = arith.negf %add3A_17 : vector<2000x128xf32>
    %logistic3A_18 = math.exp %logistic3A : vector<2000x128xf32>
    %logistic3A_19 = arith.constant 1.000000e+00 : f32
    %logistic3A_20 = vector.broadcast %logistic3A_19 : f32 to vector<2000x128xf32>
    %logistic3A_21 = arith.addf %logistic3A_20, %logistic3A_18 : vector<2000x128xf32>
    %logistic3A_22 = arith.divf %logistic3A_20, %logistic3A_21 : vector<2000x128xf32>
    %mul3A_23 = arith.mulf %add3A_17, %logistic3A_22 : vector<2000x128xf32>
    %get3A_24 = arith.constant 0 : index
    %get3A_25 = arith.constant 0 : index
    %get3A_26 = vector.load %arg5[%get3A_24, %get3A_25] : memref<128x128xf32, #tpu.memory_space<vmem>>, vector<128x128xf32>
    %dot_general3A = arith.constant dense<0.000000e+00> : vector<2000x128xf32>
    %dot_general3A_27 = tpu.matmul %mul3A_23, %get3A_26, %dot_general3A {dimension_numbers = #tpu.dot_dimension_numbers<[1], [0], [0], [1], [0, 0, 1, 1], [], []>, transpose_lhs_hint = false} : vector<2000x128xf32>, vector<128x128xf32>, vector<2000x128xf32> -> vector<2000x128xf32>
    %get3A_28 = arith.constant 0 : index
    %get3A_29 = arith.constant 0 : index
    %get3A_30 = vector.load %arg6[%get3A_28, %get3A_29] : memref<1x128xf32, #tpu.memory_space<vmem>>, vector<1x128xf32>
    %add3A_31 = vector.broadcast %get3A_30 : vector<1x128xf32> to vector<2000x128xf32>
    %add3A_32 = arith.addf %dot_general3A_27, %add3A_31 : vector<2000x128xf32>
    %logistic3A_33 = arith.negf %add3A_32 : vector<2000x128xf32>
    %logistic3A_34 = math.exp %logistic3A_33 : vector<2000x128xf32>
    %logistic3A_35 = arith.constant 1.000000e+00 : f32
    %logistic3A_36 = vector.broadcast %logistic3A_35 : f32 to vector<2000x128xf32>
    %logistic3A_37 = arith.addf %logistic3A_36, %logistic3A_34 : vector<2000x128xf32>
    %logistic3A_38 = arith.divf %logistic3A_36, %logistic3A_37 : vector<2000x128xf32>
    %mul3A_39 = arith.mulf %add3A_32, %logistic3A_38 : vector<2000x128xf32>
    %get3A_40 = arith.constant 0 : index
    %get3A_41 = arith.constant 0 : index
    %get3A_42 = vector.load %arg7[%get3A_40, %get3A_41] : memref<128x128xf32, #tpu.memory_space<vmem>>, vector<128x128xf32>
    %dot_general3A_43 = arith.constant dense<0.000000e+00> : vector<2000x128xf32>
    %dot_general3A_44 = tpu.matmul %mul3A_39, %get3A_42, %dot_general3A_43 {dimension_numbers = #tpu.dot_dimension_numbers<[1], [0], [0], [1], [0, 0, 1, 1], [], []>, transpose_lhs_hint = false} : vector<2000x128xf32>, vector<128x128xf32>, vector<2000x128xf32> -> vector<2000x128xf32>
    %get3A_45 = arith.constant 0 : index
    %get3A_46 = arith.constant 0 : index
    %get3A_47 = vector.load %arg8[%get3A_45, %get3A_46] : memref<1x128xf32, #tpu.memory_space<vmem>>, vector<1x128xf32>
    %add3A_48 = vector.broadcast %get3A_47 : vector<1x128xf32> to vector<2000x128xf32>
    %add3A_49 = arith.addf %dot_general3A_44, %add3A_48 : vector<2000x128xf32>
    %logistic3A_50 = arith.negf %add3A_49 : vector<2000x128xf32>
    %logistic3A_51 = math.exp %logistic3A_50 : vector<2000x128xf32>
    %logistic3A_52 = arith.constant 1.000000e+00 : f32
    %logistic3A_53 = vector.broadcast %logistic3A_52 : f32 to vector<2000x128xf32>
    %logistic3A_54 = arith.addf %logistic3A_53, %logistic3A_51 : vector<2000x128xf32>
    %logistic3A_55 = arith.divf %logistic3A_53, %logistic3A_54 : vector<2000x128xf32>
    %mul3A_56 = arith.mulf %add3A_49, %logistic3A_55 : vector<2000x128xf32>
    %get3A_57 = arith.constant 0 : index
    %get3A_58 = arith.constant 0 : index
    %get3A_59 = vector.load %arg9[%get3A_57, %get3A_58] : memref<128x1xf32, #tpu.memory_space<vmem>>, vector<128x1xf32>
    %dot_general3A_60 = arith.constant dense<0.000000e+00> : vector<2000x1xf32>
    %dot_general3A_61 = tpu.matmul %mul3A_56, %get3A_59, %dot_general3A_60 {dimension_numbers = #tpu.dot_dimension_numbers<[1], [0], [0], [1], [0, 0, 1, 1], [], []>, transpose_lhs_hint = false} : vector<2000x128xf32>, vector<128x1xf32>, vector<2000x1xf32> -> vector<2000x1xf32>
    %get3A_62 = arith.constant 0 : index
    %get3A_63 = arith.constant 0 : index
    %get3A_64 = vector.load %arg10[%get3A_62, %get3A_63] : memref<1x1xf32, #tpu.memory_space<vmem>>, vector<1x1xf32>
    %add3A_65 = vector.broadcast %get3A_64 : vector<1x1xf32> to vector<2000x1xf32>
    %add3A_66 = arith.addf %dot_general3A_61, %add3A_65 : vector<2000x1xf32>
    %swap3A = arith.constant 0 : index
    %swap3A_67 = arith.constant 0 : index
    %swap3A_68 = vector.load %arg11[%swap3A, %swap3A_67] : memref<2000x128xf32, #tpu.memory_space<vmem>>, vector<2000x128xf32>
    tpu.vector_store %arg11[%swap3A, %swap3A_67], %mul3A_39 {strides = array<i32>} : memref<2000x128xf32, #tpu.memory_space<vmem>>, vector<2000x128xf32>,
    %broadcast_in_dim3A_69 = arith.constant 0.000000e+00 : f32
    %broadcast_in_dim3A_70 = vector.broadcast %broadcast_in_dim3A_69 : f32 to vector<2000x12xf32>
    %mul3A_71 = vector.broadcast %add3A_66 : vector<2000x1xf32> to vector<2000x3xf32>
    %mul3A_72 = arith.mulf %mul3A_71, %get3A_4 : vector<2000x3xf32>
    %concatenate3A = tpu.concatenate %add3A_66, %mul3A_72, %broadcast_in_dim3A_70 in 1 : vector<2000x1xf32>, vector<2000x3xf32>, vector<2000x12xf32> -> vector<2000x16xf32>
    %swap3A_73 = arith.constant 0 : index
    %swap3A_74 = arith.constant 0 : index
    %swap3A_75 = vector.load %arg12[%swap3A_73, %swap3A_74] : memref<2000x16xf32, #tpu.memory_space<vmem>>, vector<2000x16xf32>
    tpu.vector_store %arg12[%swap3A_73, %swap3A_74], %concatenate3A {strides = array<i32>} : memref<2000x16xf32, #tpu.memory_space<vmem>>, vector<2000x16xf32>,
    %swap3A_76 = arith.constant 0 : index
    %swap3A_77 = arith.constant 0 : index
    %swap3A_78 = vector.load %arg13[%swap3A_76, %swap3A_77] : memref<2000x1xf32, #tpu.memory_space<vmem>>, vector<2000x1xf32>
    tpu.vector_store %arg13[%swap3A_76, %swap3A_77], %broadcast_in_dim3A {strides = array<i32>} : memref<2000x1xf32, #tpu.memory_space<vmem>>, vector<2000x1xf32>,
    return
  }
  func.func @transform_0(%arg0: i32) -> (i32, i32) {
    %c0_i32 = arith.constant 0 : i32
    %c0_i32_0 = arith.constant 0 : i32
    return %arg0, %c0_i32 : i32, i32
  }
  func.func @transform_1(%arg0: i32) -> (i32, i32) {
    %c0_i32 = arith.constant 0 : i32
    %c0_i32_0 = arith.constant 0 : i32
    return %arg0, %c0_i32 : i32, i32
  }
  func.func @transform_2(%arg0: i32) -> (i32, i32) {
    %c0_i32 = arith.constant 0 : i32
    %c0_i32_0 = arith.constant 0 : i32
    return %arg0, %c0_i32 : i32, i32
  }
  func.func @transform_3(%arg0: i32) -> (i32, i32) {
    %c0_i32 = arith.constant 0 : i32
    %c0_i32_0 = arith.constant 0 : i32
    %c0_i32_1 = arith.constant 0 : i32
    return %c0_i32, %c0_i32_0 : i32, i32
  }
  func.func @transform_4(%arg0: i32) -> (i32, i32) {
    %c0_i32 = arith.constant 0 : i32
    %c0_i32_0 = arith.constant 0 : i32
    %c0_i32_1 = arith.constant 0 : i32
    return %c0_i32, %c0_i32_0 : i32, i32
  }
  func.func @transform_5(%arg0: i32) -> (i32, i32) {
    %c0_i32 = arith.constant 0 : i32
    %c0_i32_0 = arith.constant 0 : i32
    %c0_i32_1 = arith.constant 0 : i32
    return %c0_i32, %c0_i32_0 : i32, i32
  }
  func.func @transform_6(%arg0: i32) -> (i32, i32) {
    %c0_i32 = arith.constant 0 : i32
    %c0_i32_0 = arith.constant 0 : i32
    %c0_i32_1 = arith.constant 0 : i32
    return %c0_i32, %c0_i32_0 : i32, i32
  }
  func.func @transform_7(%arg0: i32) -> (i32, i32) {
    %c0_i32 = arith.constant 0 : i32
    %c0_i32_0 = arith.constant 0 : i32
    %c0_i32_1 = arith.constant 0 : i32
    return %c0_i32, %c0_i32_0 : i32, i32
  }
  func.func @transform_8(%arg0: i32) -> (i32, i32) {
    %c0_i32 = arith.constant 0 : i32
    %c0_i32_0 = arith.constant 0 : i32
    %c0_i32_1 = arith.constant 0 : i32
    return %c0_i32, %c0_i32_0 : i32, i32
  }
  func.func @transform_9(%arg0: i32) -> (i32, i32) {
    %c0_i32 = arith.constant 0 : i32
    %c0_i32_0 = arith.constant 0 : i32
    %c0_i32_1 = arith.constant 0 : i32
    return %c0_i32, %c0_i32_0 : i32, i32
  }
  func.func @transform_10(%arg0: i32) -> (i32, i32) {
    %c0_i32 = arith.constant 0 : i32
    %c0_i32_0 = arith.constant 0 : i32
    return %arg0, %c0_i32 : i32, i32
  }
  func.func @transform_11(%arg0: i32) -> (i32, i32) {
    %c0_i32 = arith.constant 0 : i32
    %c0_i32_0 = arith.constant 0 : i32
    return %arg0, %c0_i32 : i32, i32
  }
  func.func @transform_12(%arg0: i32) -> (i32, i32) {
    %c0_i32 = arith.constant 0 : i32
    %c0_i32_0 = arith.constant 0 : i32
    return %arg0, %c0_i32 : i32, i32
  }
}

module attributes {stable_mosaic.version = 14 : i64} {
  func.func @_edge_body(%arg0: i32, %arg1: memref<2000x256xf32, #tpu.memory_space<vmem>>, %arg2: memref<2000x128xf32, #tpu.memory_space<vmem>>, %arg3: memref<2000x1xf32, #tpu.memory_space<vmem>>, %arg4: memref<1x128xf32, #tpu.memory_space<vmem>>, %arg5: memref<128x128xf32, #tpu.memory_space<vmem>>, %arg6: memref<1x128xf32, #tpu.memory_space<vmem>>, %arg7: memref<128x128xf32, #tpu.memory_space<vmem>>, %arg8: memref<1x128xf32, #tpu.memory_space<vmem>>, %arg9: memref<128x1xf32, #tpu.memory_space<vmem>>, %arg10: memref<1x1xf32, #tpu.memory_space<vmem>>, %arg11: memref<2000x128xf32, #tpu.memory_space<vmem>>, %arg12: memref<2000x16xf32, #tpu.memory_space<vmem>>) attributes {dimension_semantics = [#tpu.dimension_semantics<arbitrary>], iteration_bounds = array<i64: 160>, scalar_prefetch = 0 : i64, scratch_operands = 0 : i64, tpu.core_type = #tpu.core_type<tc>, window_params = [{transform_indices = @transform_0, window_bounds = array<i64: 2000, 256>}, {transform_indices = @transform_1, window_bounds = array<i64: 2000, 128>}, {transform_indices = @transform_2, window_bounds = array<i64: 2000, 1>}, {pipeline_mode = #tpu.pipeline_mode<synchronous>, transform_indices = @transform_3, window_bounds = array<i64: 1, 128>}, {pipeline_mode = #tpu.pipeline_mode<synchronous>, transform_indices = @transform_4, window_bounds = array<i64: 128, 128>}, {pipeline_mode = #tpu.pipeline_mode<synchronous>, transform_indices = @transform_5, window_bounds = array<i64: 1, 128>}, {pipeline_mode = #tpu.pipeline_mode<synchronous>, transform_indices = @transform_6, window_bounds = array<i64: 128, 128>}, {pipeline_mode = #tpu.pipeline_mode<synchronous>, transform_indices = @transform_7, window_bounds = array<i64: 1, 128>}, {pipeline_mode = #tpu.pipeline_mode<synchronous>, transform_indices = @transform_8, window_bounds = array<i64: 128, 1>}, {pipeline_mode = #tpu.pipeline_mode<synchronous>, transform_indices = @transform_9, window_bounds = array<i64: 1, 1>}, {transform_indices = @transform_10, window_bounds = array<i64: 2000, 128>}, {transform_indices = @transform_11, window_bounds = array<i64: 2000, 16>}]} {
    %get3A = arith.constant 0 : index
    %get3A_0 = arith.constant 0 : index
    %get3A_1 = vector.load %arg1[%get3A, %get3A_0] : memref<2000x256xf32, #tpu.memory_space<vmem>>, vector<2000x128xf32>
    %get3A_2 = arith.constant 0 : index
    %get3A_3 = arith.constant 128 : index
    %get3A_4 = vector.load %arg1[%get3A_2, %get3A_3] : memref<2000x256xf32, #tpu.memory_space<vmem>>, vector<2000x3xf32>
    %get3A_5 = arith.constant 0 : index
    %get3A_6 = arith.constant 0 : index
    %get3A_7 = vector.load %arg2[%get3A_5, %get3A_6] : memref<2000x128xf32, #tpu.memory_space<vmem>>, vector<2000x128xf32>
    %get3A_8 = arith.constant 0 : index
    %get3A_9 = arith.constant 0 : index
    %get3A_10 = vector.load %arg3[%get3A_8, %get3A_9] : memref<2000x1xf32, #tpu.memory_space<vmem>>, vector<2000x1xf32>
    %add3A = arith.addf %get3A_1, %get3A_7 : vector<2000x128xf32>
    %get3A_11 = arith.constant 0 : index
    %get3A_12 = arith.constant 0 : index
    %get3A_13 = vector.load %arg4[%get3A_11, %get3A_12] : memref<1x128xf32, #tpu.memory_space<vmem>>, vector<1x128xf32>
    %mul3A = vector.broadcast %get3A_10 : vector<2000x1xf32> to vector<2000x128xf32>
    %mul3A_14 = vector.broadcast %get3A_13 : vector<1x128xf32> to vector<2000x128xf32>
    %mul3A_15 = arith.mulf %mul3A, %mul3A_14 : vector<2000x128xf32>
    %add3A_16 = arith.addf %add3A, %mul3A_15 : vector<2000x128xf32>
    %logistic3A = arith.negf %add3A_16 : vector<2000x128xf32>
    %logistic3A_17 = math.exp %logistic3A : vector<2000x128xf32>
    %logistic3A_18 = arith.constant 1.000000e+00 : f32
    %logistic3A_19 = vector.broadcast %logistic3A_18 : f32 to vector<2000x128xf32>
    %logistic3A_20 = arith.addf %logistic3A_19, %logistic3A_17 : vector<2000x128xf32>
    %logistic3A_21 = arith.divf %logistic3A_19, %logistic3A_20 : vector<2000x128xf32>
    %mul3A_22 = arith.mulf %add3A_16, %logistic3A_21 : vector<2000x128xf32>
    %get3A_23 = arith.constant 0 : index
    %get3A_24 = arith.constant 0 : index
    %get3A_25 = vector.load %arg5[%get3A_23, %get3A_24] : memref<128x128xf32, #tpu.memory_space<vmem>>, vector<128x128xf32>
    %dot_general3A = arith.constant dense<0.000000e+00> : vector<2000x128xf32>
    %dot_general3A_26 = tpu.matmul %mul3A_22, %get3A_25, %dot_general3A {dimension_numbers = #tpu.dot_dimension_numbers<[1], [0], [0], [1], [0, 0, 1, 1], [], []>, transpose_lhs_hint = false} : vector<2000x128xf32>, vector<128x128xf32>, vector<2000x128xf32> -> vector<2000x128xf32>
    %get3A_27 = arith.constant 0 : index
    %get3A_28 = arith.constant 0 : index
    %get3A_29 = vector.load %arg6[%get3A_27, %get3A_28] : memref<1x128xf32, #tpu.memory_space<vmem>>, vector<1x128xf32>
    %add3A_30 = vector.broadcast %get3A_29 : vector<1x128xf32> to vector<2000x128xf32>
    %add3A_31 = arith.addf %dot_general3A_26, %add3A_30 : vector<2000x128xf32>
    %logistic3A_32 = arith.negf %add3A_31 : vector<2000x128xf32>
    %logistic3A_33 = math.exp %logistic3A_32 : vector<2000x128xf32>
    %logistic3A_34 = arith.constant 1.000000e+00 : f32
    %logistic3A_35 = vector.broadcast %logistic3A_34 : f32 to vector<2000x128xf32>
    %logistic3A_36 = arith.addf %logistic3A_35, %logistic3A_33 : vector<2000x128xf32>
    %logistic3A_37 = arith.divf %logistic3A_35, %logistic3A_36 : vector<2000x128xf32>
    %mul3A_38 = arith.mulf %add3A_31, %logistic3A_37 : vector<2000x128xf32>
    %get3A_39 = arith.constant 0 : index
    %get3A_40 = arith.constant 0 : index
    %get3A_41 = vector.load %arg7[%get3A_39, %get3A_40] : memref<128x128xf32, #tpu.memory_space<vmem>>, vector<128x128xf32>
    %dot_general3A_42 = arith.constant dense<0.000000e+00> : vector<2000x128xf32>
    %dot_general3A_43 = tpu.matmul %mul3A_38, %get3A_41, %dot_general3A_42 {dimension_numbers = #tpu.dot_dimension_numbers<[1], [0], [0], [1], [0, 0, 1, 1], [], []>, transpose_lhs_hint = false} : vector<2000x128xf32>, vector<128x128xf32>, vector<2000x128xf32> -> vector<2000x128xf32>
    %get3A_44 = arith.constant 0 : index
    %get3A_45 = arith.constant 0 : index
    %get3A_46 = vector.load %arg8[%get3A_44, %get3A_45] : memref<1x128xf32, #tpu.memory_space<vmem>>, vector<1x128xf32>
    %add3A_47 = vector.broadcast %get3A_46 : vector<1x128xf32> to vector<2000x128xf32>
    %add3A_48 = arith.addf %dot_general3A_43, %add3A_47 : vector<2000x128xf32>
    %logistic3A_49 = arith.negf %add3A_48 : vector<2000x128xf32>
    %logistic3A_50 = math.exp %logistic3A_49 : vector<2000x128xf32>
    %logistic3A_51 = arith.constant 1.000000e+00 : f32
    %logistic3A_52 = vector.broadcast %logistic3A_51 : f32 to vector<2000x128xf32>
    %logistic3A_53 = arith.addf %logistic3A_52, %logistic3A_50 : vector<2000x128xf32>
    %logistic3A_54 = arith.divf %logistic3A_52, %logistic3A_53 : vector<2000x128xf32>
    %mul3A_55 = arith.mulf %add3A_48, %logistic3A_54 : vector<2000x128xf32>
    %get3A_56 = arith.constant 0 : index
    %get3A_57 = arith.constant 0 : index
    %get3A_58 = vector.load %arg9[%get3A_56, %get3A_57] : memref<128x1xf32, #tpu.memory_space<vmem>>, vector<128x1xf32>
    %dot_general3A_59 = arith.constant dense<0.000000e+00> : vector<2000x1xf32>
    %dot_general3A_60 = tpu.matmul %mul3A_55, %get3A_58, %dot_general3A_59 {dimension_numbers = #tpu.dot_dimension_numbers<[1], [0], [0], [1], [0, 0, 1, 1], [], []>, transpose_lhs_hint = false} : vector<2000x128xf32>, vector<128x1xf32>, vector<2000x1xf32> -> vector<2000x1xf32>
    %get3A_61 = arith.constant 0 : index
    %get3A_62 = arith.constant 0 : index
    %get3A_63 = vector.load %arg10[%get3A_61, %get3A_62] : memref<1x1xf32, #tpu.memory_space<vmem>>, vector<1x1xf32>
    %add3A_64 = vector.broadcast %get3A_63 : vector<1x1xf32> to vector<2000x1xf32>
    %add3A_65 = arith.addf %dot_general3A_60, %add3A_64 : vector<2000x1xf32>
    %swap3A = arith.constant 0 : index
    %swap3A_66 = arith.constant 0 : index
    %swap3A_67 = vector.load %arg11[%swap3A, %swap3A_66] : memref<2000x128xf32, #tpu.memory_space<vmem>>, vector<2000x128xf32>
    tpu.vector_store %arg11[%swap3A, %swap3A_66], %mul3A_38 {strides = array<i32>} : memref<2000x128xf32, #tpu.memory_space<vmem>>, vector<2000x128xf32>,
    %broadcast_in_dim3A = arith.constant 0.000000e+00 : f32
    %broadcast_in_dim3A_68 = vector.broadcast %broadcast_in_dim3A : f32 to vector<2000x12xf32>
    %mul3A_69 = vector.broadcast %add3A_65 : vector<2000x1xf32> to vector<2000x3xf32>
    %mul3A_70 = arith.mulf %mul3A_69, %get3A_4 : vector<2000x3xf32>
    %concatenate3A = tpu.concatenate %add3A_65, %mul3A_70, %broadcast_in_dim3A_68 in 1 : vector<2000x1xf32>, vector<2000x3xf32>, vector<2000x12xf32> -> vector<2000x16xf32>
    %swap3A_71 = arith.constant 0 : index
    %swap3A_72 = arith.constant 0 : index
    %swap3A_73 = vector.load %arg12[%swap3A_71, %swap3A_72] : memref<2000x16xf32, #tpu.memory_space<vmem>>, vector<2000x16xf32>
    tpu.vector_store %arg12[%swap3A_71, %swap3A_72], %concatenate3A {strides = array<i32>} : memref<2000x16xf32, #tpu.memory_space<vmem>>, vector<2000x16xf32>,
    return
  }
  func.func @transform_0(%arg0: i32) -> (i32, i32) {
    %c0_i32 = arith.constant 0 : i32
    %c0_i32_0 = arith.constant 0 : i32
    return %arg0, %c0_i32 : i32, i32
  }
  func.func @transform_1(%arg0: i32) -> (i32, i32) {
    %c0_i32 = arith.constant 0 : i32
    %c0_i32_0 = arith.constant 0 : i32
    return %arg0, %c0_i32 : i32, i32
  }
  func.func @transform_2(%arg0: i32) -> (i32, i32) {
    %c0_i32 = arith.constant 0 : i32
    %c0_i32_0 = arith.constant 0 : i32
    return %arg0, %c0_i32 : i32, i32
  }
  func.func @transform_3(%arg0: i32) -> (i32, i32) {
    %c0_i32 = arith.constant 0 : i32
    %c0_i32_0 = arith.constant 0 : i32
    %c0_i32_1 = arith.constant 0 : i32
    return %c0_i32, %c0_i32_0 : i32, i32
  }
  func.func @transform_4(%arg0: i32) -> (i32, i32) {
    %c0_i32 = arith.constant 0 : i32
    %c0_i32_0 = arith.constant 0 : i32
    %c0_i32_1 = arith.constant 0 : i32
    return %c0_i32, %c0_i32_0 : i32, i32
  }
  func.func @transform_5(%arg0: i32) -> (i32, i32) {
    %c0_i32 = arith.constant 0 : i32
    %c0_i32_0 = arith.constant 0 : i32
    %c0_i32_1 = arith.constant 0 : i32
    return %c0_i32, %c0_i32_0 : i32, i32
  }
  func.func @transform_6(%arg0: i32) -> (i32, i32) {
    %c0_i32 = arith.constant 0 : i32
    %c0_i32_0 = arith.constant 0 : i32
    %c0_i32_1 = arith.constant 0 : i32
    return %c0_i32, %c0_i32_0 : i32, i32
  }
  func.func @transform_7(%arg0: i32) -> (i32, i32) {
    %c0_i32 = arith.constant 0 : i32
    %c0_i32_0 = arith.constant 0 : i32
    %c0_i32_1 = arith.constant 0 : i32
    return %c0_i32, %c0_i32_0 : i32, i32
  }
  func.func @transform_8(%arg0: i32) -> (i32, i32) {
    %c0_i32 = arith.constant 0 : i32
    %c0_i32_0 = arith.constant 0 : i32
    %c0_i32_1 = arith.constant 0 : i32
    return %c0_i32, %c0_i32_0 : i32, i32
  }
  func.func @transform_9(%arg0: i32) -> (i32, i32) {
    %c0_i32 = arith.constant 0 : i32
    %c0_i32_0 = arith.constant 0 : i32
    %c0_i32_1 = arith.constant 0 : i32
    return %c0_i32, %c0_i32_0 : i32, i32
  }
  func.func @transform_10(%arg0: i32) -> (i32, i32) {
    %c0_i32 = arith.constant 0 : i32
    %c0_i32_0 = arith.constant 0 : i32
    return %arg0, %c0_i32 : i32, i32
  }
  func.func @transform_11(%arg0: i32) -> (i32, i32) {
    %c0_i32 = arith.constant 0 : i32
    %c0_i32_0 = arith.constant 0 : i32
    return %arg0, %c0_i32 : i32, i32
  }
}

module attributes {stable_mosaic.version = 14 : i64} {
  func.func @_edge_body(%arg0: i32, %arg1: memref<2000x256xf32, #tpu.memory_space<vmem>>, %arg2: memref<2000x128xf32, #tpu.memory_space<vmem>>, %arg3: memref<2000x1xf32, #tpu.memory_space<vmem>>, %arg4: memref<1x128xf32, #tpu.memory_space<vmem>>, %arg5: memref<128x128xf32, #tpu.memory_space<vmem>>, %arg6: memref<1x128xf32, #tpu.memory_space<vmem>>, %arg7: memref<128x128xf32, #tpu.memory_space<vmem>>, %arg8: memref<1x128xf32, #tpu.memory_space<vmem>>, %arg9: memref<128x1xf32, #tpu.memory_space<vmem>>, %arg10: memref<1x1xf32, #tpu.memory_space<vmem>>, %arg11: memref<2000x16xf32, #tpu.memory_space<vmem>>) attributes {dimension_semantics = [#tpu.dimension_semantics<arbitrary>], iteration_bounds = array<i64: 160>, scalar_prefetch = 0 : i64, scratch_operands = 0 : i64, tpu.core_type = #tpu.core_type<tc>, window_params = [{transform_indices = @transform_0, window_bounds = array<i64: 2000, 256>}, {transform_indices = @transform_1, window_bounds = array<i64: 2000, 128>}, {transform_indices = @transform_2, window_bounds = array<i64: 2000, 1>}, {pipeline_mode = #tpu.pipeline_mode<synchronous>, transform_indices = @transform_3, window_bounds = array<i64: 1, 128>}, {pipeline_mode = #tpu.pipeline_mode<synchronous>, transform_indices = @transform_4, window_bounds = array<i64: 128, 128>}, {pipeline_mode = #tpu.pipeline_mode<synchronous>, transform_indices = @transform_5, window_bounds = array<i64: 1, 128>}, {pipeline_mode = #tpu.pipeline_mode<synchronous>, transform_indices = @transform_6, window_bounds = array<i64: 128, 128>}, {pipeline_mode = #tpu.pipeline_mode<synchronous>, transform_indices = @transform_7, window_bounds = array<i64: 1, 128>}, {pipeline_mode = #tpu.pipeline_mode<synchronous>, transform_indices = @transform_8, window_bounds = array<i64: 128, 1>}, {pipeline_mode = #tpu.pipeline_mode<synchronous>, transform_indices = @transform_9, window_bounds = array<i64: 1, 1>}, {transform_indices = @transform_10, window_bounds = array<i64: 2000, 16>}]} {
    %get3A = arith.constant 0 : index
    %get3A_0 = arith.constant 0 : index
    %get3A_1 = vector.load %arg1[%get3A, %get3A_0] : memref<2000x256xf32, #tpu.memory_space<vmem>>, vector<2000x128xf32>
    %get3A_2 = arith.constant 0 : index
    %get3A_3 = arith.constant 128 : index
    %get3A_4 = vector.load %arg1[%get3A_2, %get3A_3] : memref<2000x256xf32, #tpu.memory_space<vmem>>, vector<2000x3xf32>
    %get3A_5 = arith.constant 0 : index
    %get3A_6 = arith.constant 0 : index
    %get3A_7 = vector.load %arg2[%get3A_5, %get3A_6] : memref<2000x128xf32, #tpu.memory_space<vmem>>, vector<2000x128xf32>
    %get3A_8 = arith.constant 0 : index
    %get3A_9 = arith.constant 0 : index
    %get3A_10 = vector.load %arg3[%get3A_8, %get3A_9] : memref<2000x1xf32, #tpu.memory_space<vmem>>, vector<2000x1xf32>
    %add3A = arith.addf %get3A_1, %get3A_7 : vector<2000x128xf32>
    %get3A_11 = arith.constant 0 : index
    %get3A_12 = arith.constant 0 : index
    %get3A_13 = vector.load %arg4[%get3A_11, %get3A_12] : memref<1x128xf32, #tpu.memory_space<vmem>>, vector<1x128xf32>
    %mul3A = vector.broadcast %get3A_10 : vector<2000x1xf32> to vector<2000x128xf32>
    %mul3A_14 = vector.broadcast %get3A_13 : vector<1x128xf32> to vector<2000x128xf32>
    %mul3A_15 = arith.mulf %mul3A, %mul3A_14 : vector<2000x128xf32>
    %add3A_16 = arith.addf %add3A, %mul3A_15 : vector<2000x128xf32>
    %logistic3A = arith.negf %add3A_16 : vector<2000x128xf32>
    %logistic3A_17 = math.exp %logistic3A : vector<2000x128xf32>
    %logistic3A_18 = arith.constant 1.000000e+00 : f32
    %logistic3A_19 = vector.broadcast %logistic3A_18 : f32 to vector<2000x128xf32>
    %logistic3A_20 = arith.addf %logistic3A_19, %logistic3A_17 : vector<2000x128xf32>
    %logistic3A_21 = arith.divf %logistic3A_19, %logistic3A_20 : vector<2000x128xf32>
    %mul3A_22 = arith.mulf %add3A_16, %logistic3A_21 : vector<2000x128xf32>
    %get3A_23 = arith.constant 0 : index
    %get3A_24 = arith.constant 0 : index
    %get3A_25 = vector.load %arg5[%get3A_23, %get3A_24] : memref<128x128xf32, #tpu.memory_space<vmem>>, vector<128x128xf32>
    %dot_general3A = arith.constant dense<0.000000e+00> : vector<2000x128xf32>
    %dot_general3A_26 = tpu.matmul %mul3A_22, %get3A_25, %dot_general3A {dimension_numbers = #tpu.dot_dimension_numbers<[1], [0], [0], [1], [0, 0, 1, 1], [], []>, transpose_lhs_hint = false} : vector<2000x128xf32>, vector<128x128xf32>, vector<2000x128xf32> -> vector<2000x128xf32>
    %get3A_27 = arith.constant 0 : index
    %get3A_28 = arith.constant 0 : index
    %get3A_29 = vector.load %arg6[%get3A_27, %get3A_28] : memref<1x128xf32, #tpu.memory_space<vmem>>, vector<1x128xf32>
    %add3A_30 = vector.broadcast %get3A_29 : vector<1x128xf32> to vector<2000x128xf32>
    %add3A_31 = arith.addf %dot_general3A_26, %add3A_30 : vector<2000x128xf32>
    %logistic3A_32 = arith.negf %add3A_31 : vector<2000x128xf32>
    %logistic3A_33 = math.exp %logistic3A_32 : vector<2000x128xf32>
    %logistic3A_34 = arith.constant 1.000000e+00 : f32
    %logistic3A_35 = vector.broadcast %logistic3A_34 : f32 to vector<2000x128xf32>
    %logistic3A_36 = arith.addf %logistic3A_35, %logistic3A_33 : vector<2000x128xf32>
    %logistic3A_37 = arith.divf %logistic3A_35, %logistic3A_36 : vector<2000x128xf32>
    %mul3A_38 = arith.mulf %add3A_31, %logistic3A_37 : vector<2000x128xf32>
    %get3A_39 = arith.constant 0 : index
    %get3A_40 = arith.constant 0 : index
    %get3A_41 = vector.load %arg7[%get3A_39, %get3A_40] : memref<128x128xf32, #tpu.memory_space<vmem>>, vector<128x128xf32>
    %dot_general3A_42 = arith.constant dense<0.000000e+00> : vector<2000x128xf32>
    %dot_general3A_43 = tpu.matmul %mul3A_38, %get3A_41, %dot_general3A_42 {dimension_numbers = #tpu.dot_dimension_numbers<[1], [0], [0], [1], [0, 0, 1, 1], [], []>, transpose_lhs_hint = false} : vector<2000x128xf32>, vector<128x128xf32>, vector<2000x128xf32> -> vector<2000x128xf32>
    %get3A_44 = arith.constant 0 : index
    %get3A_45 = arith.constant 0 : index
    %get3A_46 = vector.load %arg8[%get3A_44, %get3A_45] : memref<1x128xf32, #tpu.memory_space<vmem>>, vector<1x128xf32>
    %add3A_47 = vector.broadcast %get3A_46 : vector<1x128xf32> to vector<2000x128xf32>
    %add3A_48 = arith.addf %dot_general3A_43, %add3A_47 : vector<2000x128xf32>
    %logistic3A_49 = arith.negf %add3A_48 : vector<2000x128xf32>
    %logistic3A_50 = math.exp %logistic3A_49 : vector<2000x128xf32>
    %logistic3A_51 = arith.constant 1.000000e+00 : f32
    %logistic3A_52 = vector.broadcast %logistic3A_51 : f32 to vector<2000x128xf32>
    %logistic3A_53 = arith.addf %logistic3A_52, %logistic3A_50 : vector<2000x128xf32>
    %logistic3A_54 = arith.divf %logistic3A_52, %logistic3A_53 : vector<2000x128xf32>
    %mul3A_55 = arith.mulf %add3A_48, %logistic3A_54 : vector<2000x128xf32>
    %get3A_56 = arith.constant 0 : index
    %get3A_57 = arith.constant 0 : index
    %get3A_58 = vector.load %arg9[%get3A_56, %get3A_57] : memref<128x1xf32, #tpu.memory_space<vmem>>, vector<128x1xf32>
    %dot_general3A_59 = arith.constant dense<0.000000e+00> : vector<2000x1xf32>
    %dot_general3A_60 = tpu.matmul %mul3A_55, %get3A_58, %dot_general3A_59 {dimension_numbers = #tpu.dot_dimension_numbers<[1], [0], [0], [1], [0, 0, 1, 1], [], []>, transpose_lhs_hint = false} : vector<2000x128xf32>, vector<128x1xf32>, vector<2000x1xf32> -> vector<2000x1xf32>
    %get3A_61 = arith.constant 0 : index
    %get3A_62 = arith.constant 0 : index
    %get3A_63 = vector.load %arg10[%get3A_61, %get3A_62] : memref<1x1xf32, #tpu.memory_space<vmem>>, vector<1x1xf32>
    %add3A_64 = vector.broadcast %get3A_63 : vector<1x1xf32> to vector<2000x1xf32>
    %add3A_65 = arith.addf %dot_general3A_60, %add3A_64 : vector<2000x1xf32>
    %broadcast_in_dim3A = arith.constant 0.000000e+00 : f32
    %broadcast_in_dim3A_66 = vector.broadcast %broadcast_in_dim3A : f32 to vector<2000x12xf32>
    %mul3A_67 = vector.broadcast %add3A_65 : vector<2000x1xf32> to vector<2000x3xf32>
    %mul3A_68 = arith.mulf %mul3A_67, %get3A_4 : vector<2000x3xf32>
    %concatenate3A = tpu.concatenate %add3A_65, %mul3A_68, %broadcast_in_dim3A_66 in 1 : vector<2000x1xf32>, vector<2000x3xf32>, vector<2000x12xf32> -> vector<2000x16xf32>
    %swap3A = arith.constant 0 : index
    %swap3A_69 = arith.constant 0 : index
    %swap3A_70 = vector.load %arg11[%swap3A, %swap3A_69] : memref<2000x16xf32, #tpu.memory_space<vmem>>, vector<2000x16xf32>
    tpu.vector_store %arg11[%swap3A, %swap3A_69], %concatenate3A {strides = array<i32>} : memref<2000x16xf32, #tpu.memory_space<vmem>>, vector<2000x16xf32>,
    return
  }
  func.func @transform_0(%arg0: i32) -> (i32, i32) {
    %c0_i32 = arith.constant 0 : i32
    %c0_i32_0 = arith.constant 0 : i32
    return %arg0, %c0_i32 : i32, i32
  }
  func.func @transform_1(%arg0: i32) -> (i32, i32) {
    %c0_i32 = arith.constant 0 : i32
    %c0_i32_0 = arith.constant 0 : i32
    return %arg0, %c0_i32 : i32, i32
  }
  func.func @transform_2(%arg0: i32) -> (i32, i32) {
    %c0_i32 = arith.constant 0 : i32
    %c0_i32_0 = arith.constant 0 : i32
    return %arg0, %c0_i32 : i32, i32
  }
  func.func @transform_3(%arg0: i32) -> (i32, i32) {
    %c0_i32 = arith.constant 0 : i32
    %c0_i32_0 = arith.constant 0 : i32
    %c0_i32_1 = arith.constant 0 : i32
    return %c0_i32, %c0_i32_0 : i32, i32
  }
  func.func @transform_4(%arg0: i32) -> (i32, i32) {
    %c0_i32 = arith.constant 0 : i32
    %c0_i32_0 = arith.constant 0 : i32
    %c0_i32_1 = arith.constant 0 : i32
    return %c0_i32, %c0_i32_0 : i32, i32
  }
  func.func @transform_5(%arg0: i32) -> (i32, i32) {
    %c0_i32 = arith.constant 0 : i32
    %c0_i32_0 = arith.constant 0 : i32
    %c0_i32_1 = arith.constant 0 : i32
    return %c0_i32, %c0_i32_0 : i32, i32
  }
  func.func @transform_6(%arg0: i32) -> (i32, i32) {
    %c0_i32 = arith.constant 0 : i32
    %c0_i32_0 = arith.constant 0 : i32
    %c0_i32_1 = arith.constant 0 : i32
    return %c0_i32, %c0_i32_0 : i32, i32
  }
  func.func @transform_7(%arg0: i32) -> (i32, i32) {
    %c0_i32 = arith.constant 0 : i32
    %c0_i32_0 = arith.constant 0 : i32
    %c0_i32_1 = arith.constant 0 : i32
    return %c0_i32, %c0_i32_0 : i32, i32
  }
  func.func @transform_8(%arg0: i32) -> (i32, i32) {
    %c0_i32 = arith.constant 0 : i32
    %c0_i32_0 = arith.constant 0 : i32
    %c0_i32_1 = arith.constant 0 : i32
    return %c0_i32, %c0_i32_0 : i32, i32
  }
  func.func @transform_9(%arg0: i32) -> (i32, i32) {
    %c0_i32 = arith.constant 0 : i32
    %c0_i32_0 = arith.constant 0 : i32
    %c0_i32_1 = arith.constant 0 : i32
    return %c0_i32, %c0_i32_0 : i32, i32
  }
  func.func @transform_10(%arg0: i32) -> (i32, i32) {
    %c0_i32 = arith.constant 0 : i32
    %c0_i32_0 = arith.constant 0 : i32
    return %arg0, %c0_i32 : i32, i32
  }
}

</mosaic_0001>

<sc_bundles>
// kernel: kernel.14.cloned.1.call-start
scs
__scs_entry_jumppad:
0x0: {  	(pc) =	sbr.rel $0x88, $3  }
0x1: {  	(tag) =	ssettag $0x0;
	lr =	simm.s32 $0x1  }
0x2: {  	[smem:$0x3F87] =	sst lr;
	_ =	strace $0xD0000000  }
0x3: {  	_ = 	snop  }
0x4: {  	_ = 	snop  }
0x5: {  	_ = 	snop  }
0x6: {  	_ = 	snop  }
0x7: {  	_ = 	snop  }
__scs_overlays_trampoline_lowered:
0x8: {  	[smem:$0x3F96] =	sst s0  }
0x9: {  	[smem:$0x3F97] =	sst s1  }
0xa: {  	[smem:$0x3F98] =	sst s2  }
0xb: {  	[smem:$0x3F99] =	sst s3  }
0xc: {  	[smem:$0x3F9A] =	sst s4  }
0xd: {  	[smem:$0x3F9B] =	sst s5  }
0xe: {  	[smem:$0x3F9C] =	sst s6  }
0xf: {  	[smem:$0x3F9D] =	sst s7  }
0x10: {  	[smem:$0x3F9E] =	sst s8  }
0x11: {  	[smem:$0x3F9F] =	sst s9;
	s0 =	simm.s32 @!p0 $0x0  }
0x12: {  	s1 =	sld [smem:$0x3F85];
	s0 =	simm.s32 @p0 $0x1  }
0x13: {  	[smem:$0x3FA0] =	sst s0;
	s0 =	simm.s32 @!p1 $0x0  }
0x14: {  	s2 =	sld [smem:$0x3F84];
	s0 =	simm.s32 @p1 $0x1  }
0x15: {  	[smem:$0x3FA1] =	sst s0;
	s0 =	simm.s32 @!p2 $0x0  }
0x16: {  	s3 =	sld [smem:$0x3FDB];
	s0 =	simm.s32 @p2 $0x1  }
0x17: {  	s4 =	simm.s32 $0x1BF5;
	[smem:$0x3FA3] =	sst s0  }
0x18: {  	s0 =	sld [smem:$0x3F86];
	_ =	swait.ge [sflag:s4], $0x0  }
0x19: {  	s7 =	sld [smem:$0x3F87]  }
0x1a: {  	s8 =	sadd.s32 $0xFFFFE003, lr  }
0x1b: {  	s9 =	sadd.s32 $0xFFFFFEF7, lr;
	s5 =	simm.s32 $0xFFFFFFFF;
	p2 =	slt.u32 s8, $0xFFFFF086  }
0x1c: {  	p1 =	slt.u32 s9, $0xF7A;
	s5 =	simm.s32 @!p2 $0x0  }
0x1d: {  	s5 =	simm.s32 @p1 $0x1;
	p0 =	seq.s32 s7, s2  }
0x1e: {  	s7 =	smul.u32 @!p0 $0xF7A, s2;
	p2 =	seq.s32 @!p0 s5, $0x0  }
0x1f: {  	s9 =	smul.u32 $0xF7A, s1;
	s8 =	simm.s32 @!p0 $0x1BF5;
	p2 =	por !p2, p0  }
0x20: {  	[sflag:s8] =	ssyncset.s32 @!p0 $0xFFFFF086;
	s6 =	sadd.s32 @!p0 s3, s7;
	s7 =	simm.s32 @!p0 $0x108  }
0x21: {  	s3 =	sadd.s32 s3, s9;
	s6 =	sadd.s32 @!p0 $0x88, s6;
	s7 =	simm.s32 @p2 $0x1082  }
0x22: {  	[simem:s7], [sflag:s8] =	dma.local @!p0 [hbm:s6], $0xF7A  }
0x23: {  	s9 =	sor.u32 $0xD0000000, s2;
	s6 =	simm.s32 $0x108;
	_ =	swait.ge @!p0 [sflag:s8], $0x0  }
0x24: {  	s3 =	sadd.s32 $0x88, s3;
	s6 =	simm.s32 @!p1 $0x1082;
	[sflag:s4] =	ssyncset.s32 $0xFFFFF086  }
0x25: {  	[simem:s6], [sflag:s4] =	dma.local [hbm:s3], $0xF7A  }
0x26: {  	[smem:$0x3F87] =	sst s1;
	(tag) =	ssettag s2;
	_ =	strace s9  }
0x27: {  	s1 =	sld [smem:$0x3F97]  }
0x28: {  	s2 =	sld [smem:$0x3F98]  }
0x29: {  	s4 =	sld [smem:$0x3F9A]  }
0x2a: {  	p0 =	seq.s32 s5, $0x0;
	s5 =	sld [smem:$0x3F9B]  }
0x2b: {  	s6 =	sld [smem:$0x3F9C]  }
0x2c: {  	s7 =	sld [smem:$0x3F9D]  }
0x2d: {  	s3 =	simm.s32 $0x108;
	s8 =	sld [smem:$0x3F9E]  }
0x2e: {  	s3 =	simm.s32 @!p0 $0x1082;
	s9 =	sld [smem:$0x3F9F]  }
0x2f: {  	lr =	sadd.s32 s0, s3;
	s0 =	sld [smem:$0x3F96]  }
0x30: {  	s3 =	sld [smem:$0x3F99]  }
0x31: {  	[smem:$0x3FA2] =	sst s10  }
0x32: {  	s10 =	sld [smem:$0x3FA0];
	_ =	sdelay $0x3  }
0x33: {  	p0 =	seq.s32 s10, $0x1;
	s10 =	sld [smem:$0x3FA2];
	_ =	sdelay $0x3  }
0x34: {  	[smem:$0x3FA2] =	sst s10  }
0x35: {  	s10 =	sld [smem:$0x3FA1];
	_ =	sdelay $0x3  }
0x36: {  	p1 =	seq.s32 s10, $0x1;
	s10 =	sld [smem:$0x3FA2];
	_ =	sdelay $0x3  }
0x37: {  	[smem:$0x3FA2] =	sst s10  }
0x38: {  	s10 =	sld [smem:$0x3FA3]  }
0x39: {  	_ = 	snop;
	(pc) =	sbr.ind lr, $3  }
0x3a: {  	_ = 	snop  }
0x3b: {  	_ = 	snop  }
0x3c: {  	p2 =	seq.s32 s10, $0x1;
	s10 =	sld [smem:$0x3FA2]  }
0x3d: {  	_ =	shalt  }
0x3e: {  	_ =	shalt  }
0x3f: {  	_ =	shalt  }
0x40: {  	_ =	shalt  }
0x41: {  	_ =	shalt  }
0x42: {  	_ =	shalt  }
0x43: {  	_ =	shalt  }
0x44: {  	_ =	shalt  }
0x45: {  	_ =	shalt  }
0x46: {  	_ =	shalt  }
0x47: {  	_ =	shalt  }
0x48: {  	_ =	shalt  }
0x49: {  	_ =	shalt  }
0x4a: {  	_ =	shalt  }
0x4b: {  	_ =	shalt  }
0x4c: {  	_ =	shalt  }
0x4d: {  	_ =	shalt  }
0x4e: {  	_ =	shalt  }
0x4f: {  	_ =	shalt  }
0x50: {  	_ =	shalt  }
0x51: {  	_ =	shalt  }
0x52: {  	_ =	shalt  }
0x53: {  	_ =	shalt  }
0x54: {  	_ =	shalt  }
0x55: {  	_ =	shalt  }
0x56: {  	_ =	shalt  }
0x57: {  	_ =	shalt  }
0x58: {  	_ =	shalt  }
0x59: {  	_ =	shalt  }
0x5a: {  	_ =	shalt  }
0x5b: {  	_ =	shalt  }
0x5c: {  	_ =	shalt  }
0x5d: {  	_ =	shalt  }
0x5e: {  	_ =	shalt  }
0x5f: {  	_ =	shalt  }
0x60: {  	_ =	shalt  }
0x61: {  	_ =	shalt  }
0x62: {  	_ =	shalt  }
0x63: {  	_ =	shalt  }
0x64: {  	_ =	shalt  }
0x65: {  	_ =	shalt  }
0x66: {  	_ =	shalt  }
0x67: {  	_ =	shalt  }
0x68: {  	_ =	shalt  }
0x69: {  	_ =	shalt  }
0x6a: {  	_ =	shalt  }
0x6b: {  	_ =	shalt  }
0x6c: {  	_ =	shalt  }
0x6d: {  	_ =	shalt  }
0x6e: {  	_ =	shalt  }
0x6f: {  	_ =	shalt  }
0x70: {  	_ =	shalt  }
0x71: {  	_ =	shalt  }
0x72: {  	_ =	shalt  }
0x73: {  	_ =	shalt  }
0x74: {  	_ =	shalt  }
0x75: {  	_ =	shalt  }
0x76: {  	_ =	shalt  }
0x77: {  	_ =	shalt  }
0x78: {  	_ =	shalt  }
0x79: {  	_ =	shalt  }
0x7a: {  	_ =	shalt  }
0x7b: {  	_ =	shalt  }
0x7c: {  	_ =	shalt  }
0x7d: {  	_ =	shalt  }
0x7e: {  	_ =	shalt  }
0x7f: {  	_ =	shalt  }
0x80: {  	_ =	shalt  }
0x81: {  	_ =	shalt  }
0x82: {  	_ =	shalt  }
0x83: {  	_ =	shalt  }
0x84: {  	_ =	shalt  }
0x85: {  	_ =	shalt  }
0x86: {  	_ =	shalt  }
0x87: {  	_ =	shalt  }
.Lfunc_end0:
.L_simem_size_0:
called_computation_lowered:
.L_overlay_start_0:
0x88: {  	s2 =	sld [smem:$0x3FD9]  }
0x89: {  	s3 =	sld [smem:$0x3FFE];
	_ =	sdelay $0x1  }
0x8a: {  	s1 =	srdreg.scid  }
0x8b: {  	s0 =	sand.u32 $0x1, s1  }
0x8c: {  	s16 =	sshll.u32 s0, $0xA;
	s2 =	sadd.s32 s3, s2  }
0x8d: {  	s2 =	sadd.s32 s2, s16  }
0x8e: {  	[smem:$0x3FAE] =	sst s2  }
0x8f: {  	_ = 	snop  }
0x90: {  	(tm) =	ssettm $0x1  }
0x91: {  	s17 =	sld [smem:$0x3FFB];
	_ =	sdelay $0x3  }
0x92: {  	_ =	strace s17  }
0x93: {  	s2 =	sld [smem:$0x3FFC];
	_ =	sdelay $0x3  }
0x94: {  	_ =	strace s2  }
0x95: {  	s2 =	sld [smem:$0x3FFD];
	_ =	sdelay $0x3  }
0x96: {  	_ =	strace s2  }
0x97: {  	_ =	strace $0x8FFFFFFF  }
0x98: {  	s18 =	sld [smem:$0x3FDB];
	_ =	sdelay $0x1  }
0x99: {  	s19 =	simm.s32 $_scs_section_size  }
0x9a: {  	s4 =	simm.s32 $_size__tile_overlayer_lowered;
	s5 =	simm.s32 $_tile_overlayer_lowered  }
0x9b: {  	s22 =	simm.s32 $0x1BFF;
	s21 =	sshll.u32 s5, $0x1;
	s2 =	sadd.s32 s19, s18  }
0x9c: {  	s6 =	simm.s32 $0x0;
	s20 =	sshll.u32 s4, $0x1;
	s4 =	sadd.s32 s21, s2  }
0x9d: {  	[timem:s6], [sflag:s22] =	dma.local [hbm:s4], s20  }
0x9e: {  	_ =	swait.ge [sflag:s22], s20  }
0x9f: {  	s3 =	ssub.s32 $0x0, s20;
	[sflag:s22] =	ssyncset.done $0x0  }
0xa0: {  	[sflag:s22] =	ssyncadd.s32 s3;
	_ =	sdelay $0x1  }
0xa1: {  	s23 =	simm.s32 $0x1B8B  }
0xa2: {  	_ =	swait.ge [sflag:s23], $0x1  }
0xa3: {  	[sflag:s23] =	ssyncset.done $0x0  }
0xa4: {  	s25 =	simm.s32 $0x1B8E;
	s24 =	sld [smem:$0x3FFE];
	[sflag:s23] =	ssyncadd.s32 $0xFFFFFFFF  }
0xa5: {  	s26 =	simm.s32 $execute0_lowered;
	[smem:$0x3FD2] =	sst s25  }
0xa6: {  	s4 =	sshll.u32 s26, $0x1;
	_ =	strace $0x80000046;
	[dreg:$0x1] =	wrdreg $0xFFFFFFFF  }
0xa7: {  	s28 =	simm.s32 $_size_execute0_lowered;
	s2 =	sadd.s32 s2, s4;
	[dreg:$0x0] =	wrdreg $0x0  }
0xa8: {  	s4 =	sshll.u32 s28, $0x1;
	[dreg:$0x2] =	wrdreg s2  }
0xa9: {  	[dreg:$0x3] =	wrdreg s4  }
0xaa: {  	[dreg:$0x4] =	wrdreg $0xC0  }
0xab: {  	_ =	task [dreg:s6], $0x5FFFF  }
0xac: {  	[dreg:$0x1] =	wrdreg $0xFFFFFFFF  }
0xad: {  	[dreg:$0x0] =	wrdreg $0x60  }
0xae: {  	[dreg:$0x2] =	wrdreg s24  }
0xaf: {  	[dreg:$0x3] =	wrdreg $0x9  }
0xb0: {  	_ =	task.clear_ibuf [dreg:s6], $0x4FFFF;
	_ =	strace $0x90000046  }
0xb1: {  	s29 =	simm.s32 $0x9;
	_ =	strace $0x80000048  }
0xb2: {  	_ =	swait.ge [sflag:s29], $0x1  }
0xb3: {  	[sflag:s29] =	ssyncadd.s32 $0xFFFFFFFF  }
0xb4: {  	_ =	strace $0x90000048  }
0xb5: {  	_ =	sfence  }
0xb6: {  	s30 =	sld [smem:$0x0];
	_ =	sdelay $0x2  }
0xb7: {  	s31 =	sshll.u32 s1, $0xD;
	s1 =	sshrl.u32 s1, $0x2  }
0xb8: {  	s3 =	sand.u32 $0x4000, s31;
	s1 =	sadd.s32 s1, s30  }
0xb9: {  	s0 =	sor.u32 s3, s0;
	s1 =	sshll.u32 s1, $0x11  }
0xba: {  	s0 =	sor.u32 s1, s0  }
0xbb: {  	s0 =	sadd.s32 $0x8F2B, s0  }
0xbc: {  	[sflag:s0] =	ssyncadd.remote.s32 $0x1  }
0xbd: {  	_ =	sfence.sel $0xFFFF  }
0xbe: {  	[dreg:$0x0] =	wrdreg $0xFFFFFFFF;
	(pc) =	sbr.abs _section_cstart, $3  }
0xbf: {  	[dreg:$0x1] =	wrdreg $0xFFFFFFFF  }
0xc0: {  	_ =	task.clear_ibuf [dreg:s6], $0x2FFFF;
	_ =	strace $0x9FFFFFFF  }
0xc1: {  	(tm) =	ssettm $0x7FFFFFFF  }
tec
execute0_lowered:
.L_overlay_start_1:
0x0: {  	(tag) =	ssettag $0x1  }
0x1: {  	s0 =	rddreg [dreg:$0x0];
	s1 =	stileid.u32;
	s2 =	simm.s32 $0x0  }
0x2: {  	s3 =	srdreg.scid;
	s25 =	simm.s32 $0x80;
	s26 =	simm.s32 $0x900  }
0x3: {  	s30 =	simm.s32 $0x1100;
	s31 =	simm.s32 $0x1900;
	s10 =	simm.s32 $0x2100  }
0x4: {  	s11 =	simm.s32 $0x2900;
	s12 =	simm.s32 $0x3100;
	s13 =	simm.s32 $0x3900  }
0x5: {  	s14 =	simm.s32 $0x4100;
	s15 =	simm.s32 $0x4900;
	s16 =	simm.s32 $0x5100  }
0x6: {  	s17 =	simm.s32 $0x5900;
	s18 =	simm.s32 $0x6100;
	s28 =	simm.s32 $0x2  }
0x7: {  	s29 =	simm.s32 $0x0;
	s5 =	smul.u32 $0xFA0, s1;
	[smem:$0x7FF] =	sst s2  }
0x8: {  	s6 =	smul.u32 $0x9C400, s1;
	_ =	strace $0x80000047;
	[dreg:$0x4] =	wrdreg s25  }
0x9: {  	s7 =	sand.u32 $0x1, s3;
	s3 =	sadd.s32 $0xA5E00, s0;
	[dreg:$0x5] =	wrdreg s26  }
0xa: {  	s4 =	sadd.s32 $0x57C00, s0;
	s8 =	smul.u32 $0x7D0, s7;
	[dreg:$0x6] =	wrdreg s30  }
0xb: {  	s9 =	ssub.s32 $0x2, s7;
	s21 =	smul.u32 $0x4E200, s7;
	[dreg:$0x7] =	wrdreg s31  }
0xc: {  	s25 =	simm.s32 $0x9900;
	s26 =	simm.s32 $0x1;
	s5 =	sadd.s32 s5, s0  }
0xd: {  	s0 =	sadd.s32 s6, s0;
	s19 =	sshrl.u32 s9, $0x1;
	s8 =	sadd.s32 s8, s5  }
0xe: {  	s20 =	ssub.s32 s9, s19;
	s0 =	sadd.s32 s21, s0;
	s9 =	simm.s32 $0x100  }
0xf: {  	s19 =	simm.s32 $0x6900;
	s21 =	simm.s32 $0x7900;
	s23 =	smax.u32 s20, $0x1  }
0x10: {  	s22 =	sadd.s32 $0x1F000, s8;
	s24 =	sadd.s32 $0xF600, s8;
	[dreg:$0x8] =	wrdreg s23  }
0x11: {  	v2 =	vlaneseq.u32;
	s6 =	sadd.s32 $0xF4000, s0;
	s7 =	sadd.s32 $0xAB8000, s0;
	[dreg:$0x2] =	wrdreg s22  }
0x12: {  	vm0 =	vmmov $0xffff;
	v1 =	vshrl.u32 v2, $0x3;
	s8 =	simm.s32 $0x3;
	s20 =	simm.s32 $0x7100;
	[dreg:$0x3] =	wrdreg s24  }
0x13: {  	v0 =	vand.u32 $0x7, v2;
	v2 =	vor.u32 $0x8, v2;
	v1 =	vmul.u32 $0x8, v1;
	s22 =	simm.s32 $0x8100;
	s23 =	simm.s32 $0x8900;
	s24 =	simm.s32 $0x9100  }
.LBB2_1:
0x14: {  	s30 =	smov.u32 s7;
	s31 =	smov.u32 s6;
	s0 =	simm.s32 $0x0  }
.LBB2_2:
0x15: {  	s1 =	rddreg [dreg:$0x2]  }
0x16: {  	s1 =	sadd.s32 s0, s1  }
0x17: {  	[tilespmem:s2], [sflag:$0x3] =	stream.linear.gather [hbm4b:s1+s2], $0x80, $0x38;
	[tilespmem:$0xA100] =	vst v63  }
0x18: {  	_ =	swait.ge [sflag:s8], $0x80  }
0x19: {  	s1 =	rddreg [dreg:$0x3];
	[sflag:s8] =	ssyncset.done $0x0  }
0x1a: {  	s5 =	rddreg [dreg:$0x4];
	[sflag:s8] =	ssyncadd.s32 $0xFFFFFF80;
	s1 =	sadd.s32 s0, s1  }
0x1b: {  	[tilespmem:s5], [sflag:$0x3] =	stream.linear.gather [hbm4b:s1+s2], $0x80, $0x38;
	[tilespmem:$0xA100] =	vst v63  }
0x1c: {  	_ =	swait.ge [sflag:s8], $0x80  }
0x1d: {  	[sflag:s8] =	ssyncset.done $0x0  }
0x1e: {  	[sflag:s8] =	ssyncadd.s32 $0xFFFFFF80  }
0x1f: {  	v3 =	vld [tilespmem:$0x0];
	_ =	sdelay $0x4  }
0x20: {  	v4 =	vshll.u32 v3, $0x1  }
0x21: {  	v3 =	vand.u32 $0x7, v3;
	v4 =	vand.u32 $0xFFFFFFF0, v4  }
0x22: {  	v3 =	vor.u32 v3, v4  }
0x23: {  	v4 =	vperm.xlane v3, v0;
	_ =	sdelay $0x1  }
0x24: {  	v3 =	vperm.xlane v3, v2;
	v4 =	vadd.s32 v1, v4;
	_ =	sdelay $0x1  }
0x25: {  	v3 =	vadd.s32 v1, v3;
	_ =	sdelay $0x2  }
0x26: {  	[tilespmem:s9], [sflag:$0x1] =	stream.indirect_vreg.gather [hbm4b:s3+s2], $0x80, v4, vm0, $0xb8;
	[tilespmem:$0xA100] =	vst v63  }
0x27: {  	s5 =	rddreg [dreg:$0x5]  }
0x28: {  	[tilespmem:s5], [sflag:$0x1] =	stream.indirect_vreg.gather [hbm4b:s3+s2], $0x80, v3, vm0, $0xb8;
	[tilespmem:$0xA100] =	vst v63  }
0x29: {  	v3 =	vld [tilespmem:$0x10];
	_ =	sdelay $0x4  }
0x2a: {  	v55 =	vshll.u32 v3, $0x1  }
0x2b: {  	v3 =	vand.u32 $0x7, v3;
	v4 =	vand.u32 $0xFFFFFFF0, v55  }
0x2c: {  	v3 =	vor.u32 v3, v4  }
0x2d: {  	v4 =	vperm.xlane v3, v0;
	_ =	sdelay $0x1  }
0x2e: {  	v3 =	vperm.xlane v3, v2;
	v4 =	vadd.s32 v1, v4;
	_ =	sdelay $0x1  }
0x2f: {  	v3 =	vadd.s32 v1, v3;
	_ =	sdelay $0x1  }
0x30: {  	s1 =	rddreg [dreg:$0x6]  }
0x31: {  	[tilespmem:s1], [sflag:$0x1] =	stream.indirect_vreg.gather [hbm4b:s3+s2], $0x80, v4, vm0, $0xb8;
	[tilespmem:$0xA100] =	vst v63  }
0x32: {  	s5 =	rddreg [dreg:$0x7]  }
0x33: {  	[tilespmem:s5], [sflag:$0x1] =	stream.indirect_vreg.gather [hbm4b:s3+s2], $0x80, v3, vm0, $0xb8;
	[tilespmem:$0xA100] =	vst v63  }
0x34: {  	v3 =	vld [tilespmem:$0x20];
	_ =	sdelay $0x4  }
0x35: {  	v56 =	vshll.u32 v3, $0x1  }
0x36: {  	v3 =	vand.u32 $0x7, v3;
	v4 =	vand.u32 $0xFFFFFFF0, v56  }
0x37: {  	v3 =	vor.u32 v3, v4  }
0x38: {  	v4 =	vperm.xlane v3, v0;
	_ =	sdelay $0x1  }
0x39: {  	v3 =	vperm.xlane v3, v2;
	v4 =	vadd.s32 v1, v4;
	_ =	sdelay $0x1  }
0x3a: {  	v3 =	vadd.s32 v1, v3;
	_ =	sdelay $0x2  }
0x3b: {  	[tilespmem:s10], [sflag:$0x1] =	stream.indirect_vreg.gather [hbm4b:s3+s2], $0x80, v4, vm0, $0xb8;
	[tilespmem:$0xA100] =	vst v63  }
0x3c: {  	_ = 	snop  }
0x3d: {  	[tilespmem:s11], [sflag:$0x1] =	stream.indirect_vreg.gather [hbm4b:s3+s2], $0x80, v3, vm0, $0xb8;
	[tilespmem:$0xA100] =	vst v63  }
0x3e: {  	v3 =	vld [tilespmem:$0x30];
	_ =	sdelay $0x4  }
0x3f: {  	v57 =	vshll.u32 v3, $0x1  }
0x40: {  	v3 =	vand.u32 $0x7, v3;
	v4 =	vand.u32 $0xFFFFFFF0, v57  }
0x41: {  	v3 =	vor.u32 v3, v4  }
0x42: {  	v4 =	vperm.xlane v3, v0;
	_ =	sdelay $0x1  }
0x43: {  	v3 =	vperm.xlane v3, v2;
	v4 =	vadd.s32 v1, v4;
	_ =	sdelay $0x1  }
0x44: {  	v3 =	vadd.s32 v1, v3;
	_ =	sdelay $0x2  }
0x45: {  	[tilespmem:s12], [sflag:$0x1] =	stream.indirect_vreg.gather [hbm4b:s3+s2], $0x80, v4, vm0, $0xb8;
	[tilespmem:$0xA100] =	vst v63  }
0x46: {  	_ = 	snop  }
0x47: {  	[tilespmem:s13], [sflag:$0x1] =	stream.indirect_vreg.gather [hbm4b:s3+s2], $0x80, v3, vm0, $0xb8;
	[tilespmem:$0xA100] =	vst v63  }
0x48: {  	v3 =	vld [tilespmem:$0x40];
	_ =	sdelay $0x4  }
0x49: {  	v58 =	vshll.u32 v3, $0x1  }
0x4a: {  	v3 =	vand.u32 $0x7, v3;
	v4 =	vand.u32 $0xFFFFFFF0, v58  }
0x4b: {  	v3 =	vor.u32 v3, v4  }
0x4c: {  	v4 =	vperm.xlane v3, v0;
	_ =	sdelay $0x1  }
0x4d: {  	v3 =	vperm.xlane v3, v2;
	v4 =	vadd.s32 v1, v4;
	_ =	sdelay $0x1  }
0x4e: {  	v3 =	vadd.s32 v1, v3;
	_ =	sdelay $0x2  }
0x4f: {  	[tilespmem:s14], [sflag:$0x1] =	stream.indirect_vreg.gather [hbm4b:s3+s2], $0x80, v4, vm0, $0xb8;
	[tilespmem:$0xA100] =	vst v63  }
0x50: {  	_ = 	snop  }
0x51: {  	[tilespmem:s15], [sflag:$0x1] =	stream.indirect_vreg.gather [hbm4b:s3+s2], $0x80, v3, vm0, $0xb8;
	[tilespmem:$0xA100] =	vst v63  }
0x52: {  	v3 =	vld [tilespmem:$0x80];
	_ =	sdelay $0x4  }
0x53: {  	v59 =	vshll.u32 v3, $0x1  }
0x54: {  	v3 =	vand.u32 $0x7, v3;
	v4 =	vand.u32 $0xFFFFFFF0, v59  }
0x55: {  	v3 =	vor.u32 v3, v4  }
0x56: {  	v4 =	vperm.xlane v3, v0;
	_ =	sdelay $0x1  }
0x57: {  	v3 =	vperm.xlane v3, v2;
	v4 =	vadd.s32 v1, v4;
	_ =	sdelay $0x1  }
0x58: {  	v3 =	vadd.s32 v1, v3;
	_ =	sdelay $0x2  }
0x59: {  	[tilespmem:s16], [sflag:$0x2] =	stream.indirect_vreg.gather [hbm4b:s4+s2], $0x80, v4, vm0, $0xb8;
	[tilespmem:$0xA100] =	vst v63  }
0x5a: {  	_ = 	snop  }
0x5b: {  	[tilespmem:s17], [sflag:$0x2] =	stream.indirect_vreg.gather [hbm4b:s4+s2], $0x80, v3, vm0, $0xb8;
	[tilespmem:$0xA100] =	vst v63  }
0x5c: {  	v3 =	vld [tilespmem:$0x90];
	_ =	sdelay $0x4  }
0x5d: {  	v60 =	vshll.u32 v3, $0x1  }
0x5e: {  	v3 =	vand.u32 $0x7, v3;
	v4 =	vand.u32 $0xFFFFFFF0, v60  }
0x5f: {  	v3 =	vor.u32 v3, v4  }
0x60: {  	v4 =	vperm.xlane v3, v0;
	_ =	sdelay $0x1  }
0x61: {  	v3 =	vperm.xlane v3, v2;
	v4 =	vadd.s32 v1, v4;
	_ =	sdelay $0x1  }
0x62: {  	v3 =	vadd.s32 v1, v3;
	_ =	sdelay $0x2  }
0x63: {  	[tilespmem:s18], [sflag:$0x2] =	stream.indirect_vreg.gather [hbm4b:s4+s2], $0x80, v4, vm0, $0xb8;
	[tilespmem:$0xA100] =	vst v63  }
0x64: {  	_ = 	snop  }
0x65: {  	[tilespmem:s19], [sflag:$0x2] =	stream.indirect_vreg.gather [hbm4b:s4+s2], $0x80, v3, vm0, $0xb8;
	[tilespmem:$0xA100] =	vst v63  }
0x66: {  	v3 =	vld [tilespmem:$0xA0];
	_ =	sdelay $0x4  }
0x67: {  	v61 =	vshll.u32 v3, $0x1  }
0x68: {  	v3 =	vand.u32 $0x7, v3;
	v4 =	vand.u32 $0xFFFFFFF0, v61  }
0x69: {  	v3 =	vor.u32 v3, v4  }
0x6a: {  	v4 =	vperm.xlane v3, v0;
	_ =	sdelay $0x1  }
0x6b: {  	v3 =	vperm.xlane v3, v2;
	v4 =	vadd.s32 v1, v4;
	_ =	sdelay $0x1  }
0x6c: {  	v3 =	vadd.s32 v1, v3;
	_ =	sdelay $0x2  }
0x6d: {  	[tilespmem:s20], [sflag:$0x2] =	stream.indirect_vreg.gather [hbm4b:s4+s2], $0x80, v4, vm0, $0xb8;
	[tilespmem:$0xA100] =	vst v63  }
0x6e: {  	_ = 	snop  }
0x6f: {  	[tilespmem:s21], [sflag:$0x2] =	stream.indirect_vreg.gather [hbm4b:s4+s2], $0x80, v3, vm0, $0xb8;
	[tilespmem:$0xA100] =	vst v63  }
0x70: {  	v3 =	vld [tilespmem:$0xB0];
	_ =	sdelay $0x4  }
0x71: {  	v62 =	vshll.u32 v3, $0x1  }
0x72: {  	v3 =	vand.u32 $0x7, v3;
	v4 =	vand.u32 $0xFFFFFFF0, v62  }
0x73: {  	v3 =	vor.u32 v3, v4  }
0x74: {  	v4 =	vperm.xlane v3, v0;
	_ =	sdelay $0x1  }
0x75: {  	v3 =	vperm.xlane v3, v2;
	v4 =	vadd.s32 v1, v4;
	_ =	sdelay $0x1  }
0x76: {  	v3 =	vadd.s32 v1, v3;
	_ =	sdelay $0x2  }
0x77: {  	[tilespmem:s22], [sflag:$0x2] =	stream.indirect_vreg.gather [hbm4b:s4+s2], $0x80, v4, vm0, $0xb8;
	[tilespmem:$0xA100] =	vst v63  }
0x78: {  	_ = 	snop  }
0x79: {  	[tilespmem:s23], [sflag:$0x2] =	stream.indirect_vreg.gather [hbm4b:s4+s2], $0x80, v3, vm0, $0xb8;
	[tilespmem:$0xA100] =	vst v63  }
0x7a: {  	v3 =	vld [tilespmem:$0xC0];
	_ =	sdelay $0x4  }
0x7b: {  	v63 =	vshll.u32 v3, $0x1  }
0x7c: {  	v3 =	vand.u32 $0x7, v3;
	v4 =	vand.u32 $0xFFFFFFF0, v63  }
0x7d: {  	v3 =	vor.u32 v3, v4  }
0x7e: {  	v4 =	vperm.xlane v3, v0;
	_ =	sdelay $0x1  }
0x7f: {  	v3 =	vperm.xlane v3, v2;
	v4 =	vadd.s32 v1, v4;
	_ =	sdelay $0x1  }
0x80: {  	v3 =	vadd.s32 v1, v3;
	_ =	sdelay $0x2  }
0x81: {  	[tilespmem:s24], [sflag:$0x2] =	stream.indirect_vreg.gather [hbm4b:s4+s2], $0x80, v4, vm0, $0xb8;
	[tilespmem:$0xA100] =	vst v63  }
0x82: {  	_ = 	snop  }
0x83: {  	[tilespmem:s25], [sflag:$0x2] =	stream.indirect_vreg.gather [hbm4b:s4+s2], $0x80, v3, vm0, $0xb8;
	[tilespmem:$0xA100] =	vst v63  }
0x84: {  	_ =	swait.ge [sflag:s26], $0x5000  }
0x85: {  	[sflag:s26] =	ssyncset.done $0x0  }
0x86: {  	[sflag:s26] =	ssyncadd.s32 $0xFFFFB000  }
0x87: {  	_ =	swait.ge [sflag:s28], $0x5000  }
0x88: {  	[sflag:s28] =	ssyncset.done $0x0  }
0x89: {  	[sflag:s28] =	ssyncadd.s32 $0xFFFFB000  }
0x8a: {  	[hbm4b:s31+s2] =	stream.linear.scatter [tilespmem:s9], [sflag:$0x3], $0x5000, $0x38;
	[tilespmem:$0xA100] =	vst v63  }
0x8b: {  	_ =	swait.ge [sflag:s8], $0x5000  }
0x8c: {  	p0 =	sne.s32 s0, $0x7C0;
	[sflag:s8] =	ssyncset.done $0x0  }
.Ltmp0:
0x8d: {  	[sflag:s8] =	ssyncadd.s32 $0xFFFFB000;
	(pc) =	sbr.rel @p0 .LBB2_2-.Ltmp0, $4  }
0x8e: {  	[hbm4b:s30+s2] =	stream.linear.scatter [tilespmem:s16], [sflag:$0x3], $0x5000, $0x38;
	[tilespmem:$0xA100] =	vst v63  }
0x8f: {  	_ =	swait.ge [sflag:s8], $0x5000  }
0x90: {  	s0 =	sadd.s32 $0x10, s0;
	[sflag:s8] =	ssyncset.done $0x0  }
0x91: {  	s31 =	sadd.s32 $0xA00, s31;
	s30 =	sadd.s32 $0xA00, s30;
	[sflag:s8] =	ssyncadd.s32 $0xFFFFB000  }
0x92: {  	s29 =	sadd.s32 $0x1, s29;
	s0 =	rddreg [dreg:$0x8]  }
0x93: {  	p0 =	sne.s32 s29, s0  }
.Ltmp1:
0x94: {  	_ = 	snop;
	(pc) =	sbr.rel @p0 .LBB2_1-.Ltmp1, $1  }
0x95: {  	_ =	sdelay $0x3  }
0x96: {  	_ =	sfence.sel $0x180000  }
0x97: {  	[bflag:$0x0] =	sbarrier.arrive $0xFFFF  }
0x98: {  	_ =	strace $0x90000047  }
0x99: {  	s0 =	stileid.u32;
	[bflag:$0x2] =	sbarrier.arrive $0xFFFF  }
0x9a: {  	p0 =	sne.s32 s0, $0x0;
	s0 =	rddreg [dreg:$0x1]  }
0x9b: {  	s0 =	sadd.s32 @!p0 $0x100000, s0  }
0x9c: {  	[sflag:s0] =	ssyncadd.tile.s32 @!p0 $0x1;
	_ =	shalt  }
.Lfunc_end2:
_tile_overlayer_lowered:
.L_overlay_start_2:
0x9d: {  	(tag) =	ssettag $0x2  }
0x9e: {  	s0 =	rddreg [dreg:$0x0];
	s2 =	stileid.u32  }
0x9f: {  	s1 =	rddreg [dreg:$0x1];
	p0 =	sne.s32 s2, $0x0  }
0xa0: {  	s3 =	rddreg [dreg:$0x2];
	[bflag:$0x3] =	sbarrier.arrive $0xFFFF;
	s2 =	simm.s32 @!p0 $0x1C03  }
0xa1: {  	[timem:s3], [sflag:s2] =	dma.local @!p0 [hbm:s0], s1  }
0xa2: {  	s0 =	simm.s32 @!p0 $0x3  }
0xa3: {  	_ =	swait.ge @!p0 [sflag:s0], s1  }
0xa4: {  	s1 =	ssub.s32 @!p0 $0x0, s1;
	[sflag:s0] =	ssyncset.done @!p0 $0x0  }
0xa5: {  	[sflag:s0] =	ssyncadd.s32 @!p0 s1  }
0xa6: {  	[bflag:$0x3] =	sbarrier.arrive $0xFFFF  }
0xa7: {  	_ =	shalt  }

// kernel: kernel.17.cloned.1.call-start
scs
__scs_entry_jumppad:
0x0: {  	(pc) =	sbr.rel $0x88, $3  }
0x1: {  	(tag) =	ssettag $0x0;
	lr =	simm.s32 $0x1  }
0x2: {  	[smem:$0x3F87] =	sst lr;
	_ =	strace $0xD0000000  }
0x3: {  	_ = 	snop  }
0x4: {  	_ = 	snop  }
0x5: {  	_ = 	snop  }
0x6: {  	_ = 	snop  }
0x7: {  	_ = 	snop  }
__scs_overlays_trampoline_lowered:
0x8: {  	[smem:$0x3F96] =	sst s0  }
0x9: {  	[smem:$0x3F97] =	sst s1  }
0xa: {  	[smem:$0x3F98] =	sst s2  }
0xb: {  	[smem:$0x3F99] =	sst s3  }
0xc: {  	[smem:$0x3F9A] =	sst s4  }
0xd: {  	[smem:$0x3F9B] =	sst s5  }
0xe: {  	[smem:$0x3F9C] =	sst s6  }
0xf: {  	[smem:$0x3F9D] =	sst s7  }
0x10: {  	[smem:$0x3F9E] =	sst s8  }
0x11: {  	[smem:$0x3F9F] =	sst s9;
	s0 =	simm.s32 @!p0 $0x0  }
0x12: {  	s1 =	sld [smem:$0x3F85];
	s0 =	simm.s32 @p0 $0x1  }
0x13: {  	[smem:$0x3FA0] =	sst s0;
	s0 =	simm.s32 @!p1 $0x0  }
0x14: {  	s2 =	sld [smem:$0x3F84];
	s0 =	simm.s32 @p1 $0x1  }
0x15: {  	[smem:$0x3FA1] =	sst s0;
	s0 =	simm.s32 @!p2 $0x0  }
0x16: {  	s3 =	sld [smem:$0x3FDB];
	s0 =	simm.s32 @p2 $0x1  }
0x17: {  	s4 =	simm.s32 $0x1BF5;
	[smem:$0x3FA3] =	sst s0  }
0x18: {  	s0 =	sld [smem:$0x3F86];
	_ =	swait.ge [sflag:s4], $0x0  }
0x19: {  	s7 =	sld [smem:$0x3F87]  }
0x1a: {  	s8 =	sadd.s32 $0xFFFFE003, lr  }
0x1b: {  	s9 =	sadd.s32 $0xFFFFFEF7, lr;
	s5 =	simm.s32 $0xFFFFFFFF;
	p2 =	slt.u32 s8, $0xFFFFF086  }
0x1c: {  	p1 =	slt.u32 s9, $0xF7A;
	s5 =	simm.s32 @!p2 $0x0  }
0x1d: {  	s5 =	simm.s32 @p1 $0x1;
	p0 =	seq.s32 s7, s2  }
0x1e: {  	s7 =	smul.u32 @!p0 $0xF7A, s2;
	p2 =	seq.s32 @!p0 s5, $0x0  }
0x1f: {  	s9 =	smul.u32 $0xF7A, s1;
	s8 =	simm.s32 @!p0 $0x1BF5;
	p2 =	por !p2, p0  }
0x20: {  	[sflag:s8] =	ssyncset.s32 @!p0 $0xFFFFF086;
	s6 =	sadd.s32 @!p0 s3, s7;
	s7 =	simm.s32 @!p0 $0x108  }
0x21: {  	s3 =	sadd.s32 s3, s9;
	s6 =	sadd.s32 @!p0 $0x88, s6;
	s7 =	simm.s32 @p2 $0x1082  }
0x22: {  	[simem:s7], [sflag:s8] =	dma.local @!p0 [hbm:s6], $0xF7A  }
0x23: {  	s9 =	sor.u32 $0xD0000000, s2;
	s6 =	simm.s32 $0x108;
	_ =	swait.ge @!p0 [sflag:s8], $0x0  }
0x24: {  	s3 =	sadd.s32 $0x88, s3;
	s6 =	simm.s32 @!p1 $0x1082;
	[sflag:s4] =	ssyncset.s32 $0xFFFFF086  }
0x25: {  	[simem:s6], [sflag:s4] =	dma.local [hbm:s3], $0xF7A  }
0x26: {  	[smem:$0x3F87] =	sst s1;
	(tag) =	ssettag s2;
	_ =	strace s9  }
0x27: {  	s1 =	sld [smem:$0x3F97]  }
0x28: {  	s2 =	sld [smem:$0x3F98]  }
0x29: {  	s4 =	sld [smem:$0x3F9A]  }
0x2a: {  	p0 =	seq.s32 s5, $0x0;
	s5 =	sld [smem:$0x3F9B]  }
0x2b: {  	s6 =	sld [smem:$0x3F9C]  }
0x2c: {  	s7 =	sld [smem:$0x3F9D]  }
0x2d: {  	s3 =	simm.s32 $0x108;
	s8 =	sld [smem:$0x3F9E]  }
0x2e: {  	s3 =	simm.s32 @!p0 $0x1082;
	s9 =	sld [smem:$0x3F9F]  }
0x2f: {  	lr =	sadd.s32 s0, s3;
	s0 =	sld [smem:$0x3F96]  }
0x30: {  	s3 =	sld [smem:$0x3F99]  }
0x31: {  	[smem:$0x3FA2] =	sst s10  }
0x32: {  	s10 =	sld [smem:$0x3FA0];
	_ =	sdelay $0x3  }
0x33: {  	p0 =	seq.s32 s10, $0x1;
	s10 =	sld [smem:$0x3FA2];
	_ =	sdelay $0x3  }
0x34: {  	[smem:$0x3FA2] =	sst s10  }
0x35: {  	s10 =	sld [smem:$0x3FA1];
	_ =	sdelay $0x3  }
0x36: {  	p1 =	seq.s32 s10, $0x1;
	s10 =	sld [smem:$0x3FA2];
	_ =	sdelay $0x3  }
0x37: {  	[smem:$0x3FA2] =	sst s10  }
0x38: {  	s10 =	sld [smem:$0x3FA3]  }
0x39: {  	_ = 	snop;
	(pc) =	sbr.ind lr, $3  }
0x3a: {  	_ = 	snop  }
0x3b: {  	_ = 	snop  }
0x3c: {  	p2 =	seq.s32 s10, $0x1;
	s10 =	sld [smem:$0x3FA2]  }
0x3d: {  	_ =	shalt  }
0x3e: {  	_ =	shalt  }
0x3f: {  	_ =	shalt  }
0x40: {  	_ =	shalt  }
0x41: {  	_ =	shalt  }
0x42: {  	_ =	shalt  }
0x43: {  	_ =	shalt  }
0x44: {  	_ =	shalt  }
0x45: {  	_ =	shalt  }
0x46: {  	_ =	shalt  }
0x47: {  	_ =	shalt  }
0x48: {  	_ =	shalt  }
0x49: {  	_ =	shalt  }
0x4a: {  	_ =	shalt  }
0x4b: {  	_ =	shalt  }
0x4c: {  	_ =	shalt  }
0x4d: {  	_ =	shalt  }
0x4e: {  	_ =	shalt  }
0x4f: {  	_ =	shalt  }
0x50: {  	_ =	shalt  }
0x51: {  	_ =	shalt  }
0x52: {  	_ =	shalt  }
0x53: {  	_ =	shalt  }
0x54: {  	_ =	shalt  }
0x55: {  	_ =	shalt  }
0x56: {  	_ =	shalt  }
0x57: {  	_ =	shalt  }
0x58: {  	_ =	shalt  }
0x59: {  	_ =	shalt  }
0x5a: {  	_ =	shalt  }
0x5b: {  	_ =	shalt  }
0x5c: {  	_ =	shalt  }
0x5d: {  	_ =	shalt  }
0x5e: {  	_ =	shalt  }
0x5f: {  	_ =	shalt  }
0x60: {  	_ =	shalt  }
0x61: {  	_ =	shalt  }
0x62: {  	_ =	shalt  }
0x63: {  	_ =	shalt  }
0x64: {  	_ =	shalt  }
0x65: {  	_ =	shalt  }
0x66: {  	_ =	shalt  }
0x67: {  	_ =	shalt  }
0x68: {  	_ =	shalt  }
0x69: {  	_ =	shalt  }
0x6a: {  	_ =	shalt  }
0x6b: {  	_ =	shalt  }
0x6c: {  	_ =	shalt  }
0x6d: {  	_ =	shalt  }
0x6e: {  	_ =	shalt  }
0x6f: {  	_ =	shalt  }
0x70: {  	_ =	shalt  }
0x71: {  	_ =	shalt  }
0x72: {  	_ =	shalt  }
0x73: {  	_ =	shalt  }
0x74: {  	_ =	shalt  }
0x75: {  	_ =	shalt  }
0x76: {  	_ =	shalt  }
0x77: {  	_ =	shalt  }
0x78: {  	_ =	shalt  }
0x79: {  	_ =	shalt  }
0x7a: {  	_ =	shalt  }
0x7b: {  	_ =	shalt  }
0x7c: {  	_ =	shalt  }
0x7d: {  	_ =	shalt  }
0x7e: {  	_ =	shalt  }
0x7f: {  	_ =	shalt  }
0x80: {  	_ =	shalt  }
0x81: {  	_ =	shalt  }
0x82: {  	_ =	shalt  }
0x83: {  	_ =	shalt  }
0x84: {  	_ =	shalt  }
0x85: {  	_ =	shalt  }
0x86: {  	_ =	shalt  }
0x87: {  	_ =	shalt  }
.Lfunc_end0:
.L_simem_size_0:
called_computation.1_lowered:
.L_overlay_start_0:
0x88: {  	s2 =	sld [smem:$0x3FD9]  }
0x89: {  	s3 =	sld [smem:$0x3FFE];
	_ =	sdelay $0x1  }
0x8a: {  	s1 =	srdreg.scid  }
0x8b: {  	s0 =	sand.u32 $0x1, s1  }
0x8c: {  	s16 =	sshll.u32 s0, $0xA;
	s2 =	sadd.s32 s3, s2  }
0x8d: {  	s2 =	sadd.s32 s2, s16  }
0x8e: {  	[smem:$0x3FAE] =	sst s2  }
0x8f: {  	_ = 	snop  }
0x90: {  	(tm) =	ssettm $0x1  }
0x91: {  	s17 =	sld [smem:$0x3FFB];
	_ =	sdelay $0x3  }
0x92: {  	_ =	strace s17  }
0x93: {  	s2 =	sld [smem:$0x3FFC];
	_ =	sdelay $0x3  }
0x94: {  	_ =	strace s2  }
0x95: {  	s2 =	sld [smem:$0x3FFD];
	_ =	sdelay $0x3  }
0x96: {  	_ =	strace s2  }
0x97: {  	_ =	strace $0x8FFFFFFF  }
0x98: {  	s18 =	sld [smem:$0x3FDB];
	_ =	sdelay $0x1  }
0x99: {  	s19 =	simm.s32 $_scs_section_size  }
0x9a: {  	s4 =	simm.s32 $_size__tile_overlayer_lowered;
	s5 =	simm.s32 $_tile_overlayer_lowered  }
0x9b: {  	s22 =	simm.s32 $0x1BFF;
	s21 =	sshll.u32 s5, $0x1;
	s2 =	sadd.s32 s19, s18  }
0x9c: {  	s6 =	simm.s32 $0x0;
	s20 =	sshll.u32 s4, $0x1;
	s4 =	sadd.s32 s21, s2  }
0x9d: {  	[timem:s6], [sflag:s22] =	dma.local [hbm:s4], s20  }
0x9e: {  	_ =	swait.ge [sflag:s22], s20  }
0x9f: {  	s3 =	ssub.s32 $0x0, s20;
	[sflag:s22] =	ssyncset.done $0x0  }
0xa0: {  	[sflag:s22] =	ssyncadd.s32 s3;
	_ =	sdelay $0x1  }
0xa1: {  	s23 =	simm.s32 $0x1B8B  }
0xa2: {  	_ =	swait.ge [sflag:s23], $0x1  }
0xa3: {  	[sflag:s23] =	ssyncset.done $0x0  }
0xa4: {  	s25 =	simm.s32 $0x1B8E;
	s24 =	sld [smem:$0x3FFE];
	[sflag:s23] =	ssyncadd.s32 $0xFFFFFFFF  }
0xa5: {  	s26 =	simm.s32 $execute0_lowered;
	[smem:$0x3FD2] =	sst s25  }
0xa6: {  	s4 =	sshll.u32 s26, $0x1;
	_ =	strace $0x80000049;
	[dreg:$0x1] =	wrdreg $0xFFFFFFFF  }
0xa7: {  	s28 =	simm.s32 $_size_execute0_lowered;
	s2 =	sadd.s32 s2, s4;
	[dreg:$0x0] =	wrdreg $0x0  }
0xa8: {  	s4 =	sshll.u32 s28, $0x1;
	[dreg:$0x2] =	wrdreg s2  }
0xa9: {  	[dreg:$0x3] =	wrdreg s4  }
0xaa: {  	[dreg:$0x4] =	wrdreg $0xC0  }
0xab: {  	_ =	task [dreg:s6], $0x5FFFF  }
0xac: {  	[dreg:$0x1] =	wrdreg $0xFFFFFFFF  }
0xad: {  	[dreg:$0x0] =	wrdreg $0x60  }
0xae: {  	[dreg:$0x2] =	wrdreg s24  }
0xaf: {  	[dreg:$0x3] =	wrdreg $0x28800  }
0xb0: {  	[dreg:$0x4] =	wrdreg $0x77900  }
0xb1: {  	[dreg:$0x5] =	wrdreg $0x9  }
0xb2: {  	_ =	task.clear_ibuf [dreg:s6], $0x6FFFF;
	_ =	strace $0x90000049  }
0xb3: {  	s29 =	simm.s32 $0x9;
	_ =	strace $0x8000004B  }
0xb4: {  	_ =	swait.ge [sflag:s29], $0x1  }
0xb5: {  	[sflag:s29] =	ssyncadd.s32 $0xFFFFFFFF  }
0xb6: {  	_ =	strace $0x9000004B  }
0xb7: {  	_ =	sfence  }
0xb8: {  	s30 =	sld [smem:$0x0];
	_ =	sdelay $0x2  }
0xb9: {  	s31 =	sshll.u32 s1, $0xD;
	s1 =	sshrl.u32 s1, $0x2  }
0xba: {  	s3 =	sand.u32 $0x4000, s31;
	s1 =	sadd.s32 s1, s30  }
0xbb: {  	s0 =	sor.u32 s3, s0;
	s1 =	sshll.u32 s1, $0x11  }
0xbc: {  	s0 =	sor.u32 s1, s0  }
0xbd: {  	s0 =	sadd.s32 $0x8F2B, s0  }
0xbe: {  	[sflag:s0] =	ssyncadd.remote.s32 $0x1  }
0xbf: {  	_ =	sfence.sel $0xFFFF  }
0xc0: {  	[dreg:$0x0] =	wrdreg $0xFFFFFFFF;
	(pc) =	sbr.abs _section_cstart, $3  }
0xc1: {  	[dreg:$0x1] =	wrdreg $0xFFFFFFFF  }
0xc2: {  	_ =	task.clear_ibuf [dreg:s6], $0x2FFFF;
	_ =	strace $0x9FFFFFFF  }
0xc3: {  	(tm) =	ssettm $0x7FFFFFFF  }
tec
execute0_lowered:
.L_overlay_start_1:
0x0: {  	(tag) =	ssettag $0x1  }
0x1: {  	s6 =	rddreg [dreg:$0x0]  }
0x2: {  	s1 =	rddreg [dreg:$0x1]  }
0x3: {  	s2 =	rddreg [dreg:$0x2]  }
0x4: {  	s0 =	rddreg [dreg:$0x3]  }
0x5: {  	s10 =	stileid.u32;
	s3 =	simm.s32 $0x0;
	s5 =	srdreg.scid  }
0x6: {  	s15 =	simm.s32 $0x1;
	s16 =	simm.s32 $0x80;
	s17 =	simm.s32 $0x50  }
0x7: {  	s18 =	simm.s32 $0x0;
	s4 =	smul.u32 $0xFA0, s10;
	[smem:$0x7FF] =	sst s3  }
0x8: {  	s7 =	sand.u32 $0x1, s5;
	s5 =	sadd.s32 $0x14A7A00, s6;
	s13 =	smul.u32 $0x4E200, s10  }
0x9: {  	p0 =	sne.s32 s10, $0x0;
	_ =	strace $0x8000004A;
	s8 =	smul.u32 $0x27100, s7  }
0xa: {  	s9 =	ssub.s32 $0x2, s7;
	s14 =	smul.u32 $0x7D0, s7;
	s11 =	sadd.s32 s4, s6  }
0xb: {  	s4 =	sadd.s32 $0x1480800, s6;
	s30 =	sshrl.u32 s9, $0x1;
	s12 =	sadd.s32 s8, s6  }
0xc: {  	s31 =	ssub.s32 s9, s30;
	s11 =	sadd.s32 s14, s11;
	s14 =	simm.s32 $0x4F90  }
0xd: {  	s6 =	sadd.s32 $0x151CE00, s12;
	s7 =	sadd.s32 $0x14CEC00, s12;
	s8 =	smax.u32 s31, $0x1  }
0xe: {  	s12 =	sadd.s32 s13, s12;
	s11 =	sadd.s32 $0xF600, s11;
	s13 =	sshrl.u32 @!p0 s2, $0x3  }
0xf: {  	s9 =	sadd.s32 $0x1962800, s12;
	s10 =	sadd.s32 $0x1E44800, s12;
	s12 =	sshrl.u32 @!p0 s1, $0x3  }
.LBB2_1:
0x10: {  	s19 =	simm.s32 @!p0 $0x1C01;
	s20 =	simm.s32 @!p0 $0x1  }
0x11: {  	[spmem:s12], [sflag:s19] =	dma.local @!p0 [hbm:s4], $0x27100  }
0x12: {  	_ =	swait.ge @!p0 [sflag:s20], $0x27100  }
0x13: {  	[sflag:s20] =	ssyncset.done @!p0 $0x0  }
0x14: {  	[sflag:s20] =	ssyncadd.s32 @!p0 $0xFFFD8F00  }
0x15: {  	[spmem:s13], [sflag:s19] =	dma.local @!p0 [hbm:s5], $0x27100  }
0x16: {  	_ =	swait.ge @!p0 [sflag:s20], $0x27100  }
0x17: {  	[sflag:s20] =	ssyncset.done @!p0 $0x0  }
0x18: {  	[sflag:s20] =	ssyncadd.s32 @!p0 $0xFFFD8F00  }
0x19: {  	s30 =	sadd.s32 $0x0, s9;
	[bflag:$0x0] =	sbarrier.arrive $0xFFFF  }
0x1a: {  	[tilespmem:s14], [sflag:$0x1] =	stream.linear.gather [hbm4b:s30+s3], $0x2800, $0x38;
	[tilespmem:$0x1B010] =	vst v63  }
0x1b: {  	_ =	swait.ge [sflag:s15], $0x2800  }
0x1c: {  	[sflag:s15] =	ssyncset.done $0x0  }
0x1d: {  	[sflag:s15] =	ssyncadd.s32 $0xFFFFD800  }
0x1e: {  	[tilespmem:s3], [sflag:$0x1] =	stream.linear.gather [hbm4b:s11+s3], $0x80, $0x38;
	[tilespmem:$0x1B010] =	vst v63  }
0x1f: {  	_ =	swait.ge [sflag:s15], $0x80  }
0x20: {  	[sflag:s15] =	ssyncset.done $0x0  }
0x21: {  	s31 =	sadd.s32 $0x0, s10;
	[sflag:s15] =	ssyncadd.s32 $0xFFFFFF80  }
0x22: {  	[tilespmem:s16], [sflag:$0x1] =	stream.linear.gather [hbm4b:s31+s3], $0x2800, $0x38;
	[tilespmem:$0x1B010] =	vst v63  }
0x23: {  	_ =	swait.ge [sflag:s15], $0x2800  }
0x24: {  	[sflag:s15] =	ssyncset.done $0x0  }
0x25: {  	[sflag:s15] =	ssyncadd.s32 $0xFFFFD800  }
0x26: {  	[spmem:s1] =	stream.indirect.scatter.add.f32 [tilespmem:s16], [sflag:$0x1], $0x10, s3, s17, $0xb8;
	[tilespmem:$0x1B010] =	vst v63  }
0x27: {  	_ =	swait.ge [sflag:s15], $0x500  }
0x28: {  	[sflag:s15] =	ssyncset.done $0x0  }
0x29: {  	[sflag:s15] =	ssyncadd.s32 $0xFFFFFB00  }
0x2a: {  	[spmem:s2] =	stream.indirect.scatter.add.f32 [tilespmem:s14], [sflag:$0x1], $0x80, s3, s17, $0xb8;
	[tilespmem:$0x1B010] =	vst v63  }
0x2b: {  	s21 =	simm.s32 $0xA00;
	_ =	swait.ge [sflag:s15], $0x2800  }
0x2c: {  	s19 =	simm.s32 $0x500;
	s20 =	sadd.s32 $0x10, s11;
	[sflag:s15] =	ssyncset.done $0x0  }
.LBB2_2:
0x2d: {  	s22 =	sadd.s32 s19, s9  }
0x2e: {  	[sflag:s15] =	ssyncadd.s32 $0xFFFFD800;
	s23 =	smov.u32 s21;
	s24 =	sadd.s32 $0x500, s21  }
0x2f: {  	[tilespmem:s14], [sflag:$0x1] =	stream.linear.gather [hbm4b:s22+s3], $0x2800, $0x38;
	[tilespmem:$0x1B010] =	vst v63  }
0x30: {  	p1 =	sne.s32 s21, $0x26C00;
	_ =	swait.ge [sflag:s15], $0x2800  }
0x31: {  	[sflag:s15] =	ssyncset.done $0x0  }
0x32: {  	[sflag:s15] =	ssyncadd.s32 $0xFFFFD800  }
0x33: {  	[tilespmem:s3], [sflag:$0x1] =	stream.linear.gather [hbm4b:s20+s3], $0x80, $0x38;
	[tilespmem:$0x1B010] =	vst v63  }
0x34: {  	_ =	swait.ge [sflag:s15], $0x80  }
0x35: {  	[sflag:s15] =	ssyncset.done $0x0  }
0x36: {  	s21 =	sadd.s32 s19, s10;
	s19 =	smov.u32 s23;
	[sflag:s15] =	ssyncadd.s32 $0xFFFFFF80  }
0x37: {  	[tilespmem:s16], [sflag:$0x1] =	stream.linear.gather [hbm4b:s21+s3], $0x2800, $0x38;
	[tilespmem:$0x1B010] =	vst v63  }
0x38: {  	_ =	swait.ge [sflag:s15], $0x2800  }
0x39: {  	[sflag:s15] =	ssyncset.done $0x0  }
0x3a: {  	[sflag:s15] =	ssyncadd.s32 $0xFFFFD800  }
0x3b: {  	[spmem:s1] =	stream.indirect.scatter.add.f32 [tilespmem:s16], [sflag:$0x1], $0x10, s3, s17, $0xb8;
	[tilespmem:$0x1B010] =	vst v63  }
0x3c: {  	_ =	swait.ge [sflag:s15], $0x500  }
.Ltmp0:
0x3d: {  	[sflag:s15] =	ssyncset.done $0x0;
	(pc) =	sbr.rel @p1 .LBB2_2-.Ltmp0, $4  }
0x3e: {  	[sflag:s15] =	ssyncadd.s32 $0xFFFFFB00  }
0x3f: {  	[spmem:s2] =	stream.indirect.scatter.add.f32 [tilespmem:s14], [sflag:$0x1], $0x80, s3, s17, $0xb8;
	[tilespmem:$0x1B010] =	vst v63  }
0x40: {  	_ =	swait.ge [sflag:s15], $0x2800  }
0x41: {  	s20 =	sadd.s32 $0x10, s20;
	s21 =	smov.u32 s24;
	[sflag:s15] =	ssyncset.done $0x0  }
0x42: {  	s21 =	sadd.s32 s19, s9;
	[sflag:s15] =	ssyncadd.s32 $0xFFFFD800  }
0x43: {  	[tilespmem:s14], [sflag:$0x1] =	stream.linear.gather [hbm4b:s21+s3], $0x2800, $0x38;
	[tilespmem:$0x1B010] =	vst v63  }
0x44: {  	_ =	swait.ge [sflag:s15], $0x2800  }
0x45: {  	[sflag:s15] =	ssyncset.done $0x0  }
0x46: {  	[sflag:s15] =	ssyncadd.s32 $0xFFFFD800  }
0x47: {  	[tilespmem:s3], [sflag:$0x1] =	stream.linear.gather [hbm4b:s20+s3], $0x80, $0x38;
	[tilespmem:$0x1B010] =	vst v63  }
0x48: {  	_ =	swait.ge [sflag:s15], $0x80  }
0x49: {  	[sflag:s15] =	ssyncset.done $0x0  }
0x4a: {  	s31 =	sadd.s32 s19, s10;
	[sflag:s15] =	ssyncadd.s32 $0xFFFFFF80  }
0x4b: {  	[tilespmem:s16], [sflag:$0x1] =	stream.linear.gather [hbm4b:s31+s3], $0x2800, $0x38;
	[tilespmem:$0x1B010] =	vst v63  }
0x4c: {  	_ =	swait.ge [sflag:s15], $0x2800  }
0x4d: {  	[sflag:s15] =	ssyncset.done $0x0  }
0x4e: {  	[sflag:s15] =	ssyncadd.s32 $0xFFFFD800  }
0x4f: {  	[spmem:s1] =	stream.indirect.scatter.add.f32 [tilespmem:s16], [sflag:$0x1], $0x10, s3, s17, $0xb8;
	[tilespmem:$0x1B010] =	vst v63  }
0x50: {  	_ =	swait.ge [sflag:s15], $0x500  }
0x51: {  	[sflag:s15] =	ssyncset.done $0x0  }
0x52: {  	[sflag:s15] =	ssyncadd.s32 $0xFFFFFB00  }
0x53: {  	[spmem:s2] =	stream.indirect.scatter.add.f32 [tilespmem:s14], [sflag:$0x1], $0x80, s3, s17, $0xb8;
	[tilespmem:$0x1B010] =	vst v63  }
0x54: {  	_ =	swait.ge [sflag:s15], $0x2800  }
0x55: {  	[sflag:s15] =	ssyncset.done $0x0  }
0x56: {  	[sflag:s15] =	ssyncadd.s32 $0xFFFFD800  }
0x57: {  	s19 =	simm.s32 @!p0 $0x1C01;
	s20 =	simm.s32 @!p0 $0x1;
	[bflag:$0x0] =	sbarrier.arrive $0xFFFF  }
0x58: {  	[hbm:s6], [sflag:s19] =	dma.local @!p0 [spmem:s12], $0x27100  }
0x59: {  	s18 =	sadd.s32 $0x1, s18;
	_ =	swait.ge @!p0 [sflag:s20], $0x27100  }
0x5a: {  	p1 =	sne.s32 s18, s8;
	[sflag:s20] =	ssyncset.done @!p0 $0x0  }
.Ltmp1:
0x5b: {  	[sflag:s20] =	ssyncadd.s32 @!p0 $0xFFFD8F00;
	(pc) =	sbr.rel @p1 .LBB2_1-.Ltmp1, $4  }
0x5c: {  	[hbm:s7], [sflag:s19] =	dma.local @!p0 [spmem:s13], $0x27100  }
0x5d: {  	_ =	swait.ge @!p0 [sflag:s20], $0x27100  }
0x5e: {  	[sflag:s20] =	ssyncset.done @!p0 $0x0  }
0x5f: {  	[sflag:s20] =	ssyncadd.s32 @!p0 $0xFFFD8F00  }
0x60: {  	_ =	sfence.sel $0x180000  }
0x61: {  	[bflag:$0x0] =	sbarrier.arrive $0xFFFF  }
0x62: {  	_ =	strace $0x9000004A  }
0x63: {  	s0 =	sadd.s32 @!p0 $0x100000, s0;
	[bflag:$0x2] =	sbarrier.arrive $0xFFFF  }
0x64: {  	[sflag:s0] =	ssyncadd.tile.s32 @!p0 $0x1;
	_ =	shalt  }
.Lfunc_end2:
_tile_overlayer_lowered:
.L_overlay_start_2:
0x65: {  	(tag) =	ssettag $0x2  }
0x66: {  	s0 =	rddreg [dreg:$0x0];
	s2 =	stileid.u32  }
0x67: {  	s1 =	rddreg [dreg:$0x1];
	p0 =	sne.s32 s2, $0x0  }
0x68: {  	s3 =	rddreg [dreg:$0x2];
	[bflag:$0x3] =	sbarrier.arrive $0xFFFF;
	s2 =	simm.s32 @!p0 $0x1C01  }
0x69: {  	[timem:s3], [sflag:s2] =	dma.local @!p0 [hbm:s0], s1  }
0x6a: {  	s0 =	simm.s32 @!p0 $0x1  }
0x6b: {  	_ =	swait.ge @!p0 [sflag:s0], s1  }
0x6c: {  	s1 =	ssub.s32 @!p0 $0x0, s1;
	[sflag:s0] =	ssyncset.done @!p0 $0x0  }
0x6d: {  	[sflag:s0] =	ssyncadd.s32 @!p0 s1  }
0x6e: {  	[bflag:$0x3] =	sbarrier.arrive $0xFFFF  }
0x6f: {  	_ =	shalt  }

// kernel: kernel.20.cloned.1.call-start
scs
__scs_entry_jumppad:
0x0: {  	(pc) =	sbr.rel $0x88, $3  }
0x1: {  	(tag) =	ssettag $0x0;
	lr =	simm.s32 $0x1  }
0x2: {  	[smem:$0x3F87] =	sst lr;
	_ =	strace $0xD0000000  }
0x3: {  	_ = 	snop  }
0x4: {  	_ = 	snop  }
0x5: {  	_ = 	snop  }
0x6: {  	_ = 	snop  }
0x7: {  	_ = 	snop  }
__scs_overlays_trampoline_lowered:
0x8: {  	[smem:$0x3F96] =	sst s0  }
0x9: {  	[smem:$0x3F97] =	sst s1  }
0xa: {  	[smem:$0x3F98] =	sst s2  }
0xb: {  	[smem:$0x3F99] =	sst s3  }
0xc: {  	[smem:$0x3F9A] =	sst s4  }
0xd: {  	[smem:$0x3F9B] =	sst s5  }
0xe: {  	[smem:$0x3F9C] =	sst s6  }
0xf: {  	[smem:$0x3F9D] =	sst s7  }
0x10: {  	[smem:$0x3F9E] =	sst s8  }
0x11: {  	[smem:$0x3F9F] =	sst s9;
	s0 =	simm.s32 @!p0 $0x0  }
0x12: {  	s1 =	sld [smem:$0x3F85];
	s0 =	simm.s32 @p0 $0x1  }
0x13: {  	[smem:$0x3FA0] =	sst s0;
	s0 =	simm.s32 @!p1 $0x0  }
0x14: {  	s2 =	sld [smem:$0x3F84];
	s0 =	simm.s32 @p1 $0x1  }
0x15: {  	[smem:$0x3FA1] =	sst s0;
	s0 =	simm.s32 @!p2 $0x0  }
0x16: {  	s3 =	sld [smem:$0x3FDB];
	s0 =	simm.s32 @p2 $0x1  }
0x17: {  	s4 =	simm.s32 $0x1BF5;
	[smem:$0x3FA3] =	sst s0  }
0x18: {  	s0 =	sld [smem:$0x3F86];
	_ =	swait.ge [sflag:s4], $0x0  }
0x19: {  	s7 =	sld [smem:$0x3F87]  }
0x1a: {  	s8 =	sadd.s32 $0xFFFFE003, lr  }
0x1b: {  	s9 =	sadd.s32 $0xFFFFFEF7, lr;
	s5 =	simm.s32 $0xFFFFFFFF;
	p2 =	slt.u32 s8, $0xFFFFF086  }
0x1c: {  	p1 =	slt.u32 s9, $0xF7A;
	s5 =	simm.s32 @!p2 $0x0  }
0x1d: {  	s5 =	simm.s32 @p1 $0x1;
	p0 =	seq.s32 s7, s2  }
0x1e: {  	s7 =	smul.u32 @!p0 $0xF7A, s2;
	p2 =	seq.s32 @!p0 s5, $0x0  }
0x1f: {  	s9 =	smul.u32 $0xF7A, s1;
	s8 =	simm.s32 @!p0 $0x1BF5;
	p2 =	por !p2, p0  }
0x20: {  	[sflag:s8] =	ssyncset.s32 @!p0 $0xFFFFF086;
	s6 =	sadd.s32 @!p0 s3, s7;
	s7 =	simm.s32 @!p0 $0x108  }
0x21: {  	s3 =	sadd.s32 s3, s9;
	s6 =	sadd.s32 @!p0 $0x88, s6;
	s7 =	simm.s32 @p2 $0x1082  }
0x22: {  	[simem:s7], [sflag:s8] =	dma.local @!p0 [hbm:s6], $0xF7A  }
0x23: {  	s9 =	sor.u32 $0xD0000000, s2;
	s6 =	simm.s32 $0x108;
	_ =	swait.ge @!p0 [sflag:s8], $0x0  }
0x24: {  	s3 =	sadd.s32 $0x88, s3;
	s6 =	simm.s32 @!p1 $0x1082;
	[sflag:s4] =	ssyncset.s32 $0xFFFFF086  }
0x25: {  	[simem:s6], [sflag:s4] =	dma.local [hbm:s3], $0xF7A  }
0x26: {  	[smem:$0x3F87] =	sst s1;
	(tag) =	ssettag s2;
	_ =	strace s9  }
0x27: {  	s1 =	sld [smem:$0x3F97]  }
0x28: {  	s2 =	sld [smem:$0x3F98]  }
0x29: {  	s4 =	sld [smem:$0x3F9A]  }
0x2a: {  	p0 =	seq.s32 s5, $0x0;
	s5 =	sld [smem:$0x3F9B]  }
0x2b: {  	s6 =	sld [smem:$0x3F9C]  }
0x2c: {  	s7 =	sld [smem:$0x3F9D]  }
0x2d: {  	s3 =	simm.s32 $0x108;
	s8 =	sld [smem:$0x3F9E]  }
0x2e: {  	s3 =	simm.s32 @!p0 $0x1082;
	s9 =	sld [smem:$0x3F9F]  }
0x2f: {  	lr =	sadd.s32 s0, s3;
	s0 =	sld [smem:$0x3F96]  }
0x30: {  	s3 =	sld [smem:$0x3F99]  }
0x31: {  	[smem:$0x3FA2] =	sst s10  }
0x32: {  	s10 =	sld [smem:$0x3FA0];
	_ =	sdelay $0x3  }
0x33: {  	p0 =	seq.s32 s10, $0x1;
	s10 =	sld [smem:$0x3FA2];
	_ =	sdelay $0x3  }
0x34: {  	[smem:$0x3FA2] =	sst s10  }
0x35: {  	s10 =	sld [smem:$0x3FA1];
	_ =	sdelay $0x3  }
0x36: {  	p1 =	seq.s32 s10, $0x1;
	s10 =	sld [smem:$0x3FA2];
	_ =	sdelay $0x3  }
0x37: {  	[smem:$0x3FA2] =	sst s10  }
0x38: {  	s10 =	sld [smem:$0x3FA3]  }
0x39: {  	_ = 	snop;
	(pc) =	sbr.ind lr, $3  }
0x3a: {  	_ = 	snop  }
0x3b: {  	_ = 	snop  }
0x3c: {  	p2 =	seq.s32 s10, $0x1;
	s10 =	sld [smem:$0x3FA2]  }
0x3d: {  	_ =	shalt  }
0x3e: {  	_ =	shalt  }
0x3f: {  	_ =	shalt  }
0x40: {  	_ =	shalt  }
0x41: {  	_ =	shalt  }
0x42: {  	_ =	shalt  }
0x43: {  	_ =	shalt  }
0x44: {  	_ =	shalt  }
0x45: {  	_ =	shalt  }
0x46: {  	_ =	shalt  }
0x47: {  	_ =	shalt  }
0x48: {  	_ =	shalt  }
0x49: {  	_ =	shalt  }
0x4a: {  	_ =	shalt  }
0x4b: {  	_ =	shalt  }
0x4c: {  	_ =	shalt  }
0x4d: {  	_ =	shalt  }
0x4e: {  	_ =	shalt  }
0x4f: {  	_ =	shalt  }
0x50: {  	_ =	shalt  }
0x51: {  	_ =	shalt  }
0x52: {  	_ =	shalt  }
0x53: {  	_ =	shalt  }
0x54: {  	_ =	shalt  }
0x55: {  	_ =	shalt  }
0x56: {  	_ =	shalt  }
0x57: {  	_ =	shalt  }
0x58: {  	_ =	shalt  }
0x59: {  	_ =	shalt  }
0x5a: {  	_ =	shalt  }
0x5b: {  	_ =	shalt  }
0x5c: {  	_ =	shalt  }
0x5d: {  	_ =	shalt  }
0x5e: {  	_ =	shalt  }
0x5f: {  	_ =	shalt  }
0x60: {  	_ =	shalt  }
0x61: {  	_ =	shalt  }
0x62: {  	_ =	shalt  }
0x63: {  	_ =	shalt  }
0x64: {  	_ =	shalt  }
0x65: {  	_ =	shalt  }
0x66: {  	_ =	shalt  }
0x67: {  	_ =	shalt  }
0x68: {  	_ =	shalt  }
0x69: {  	_ =	shalt  }
0x6a: {  	_ =	shalt  }
0x6b: {  	_ =	shalt  }
0x6c: {  	_ =	shalt  }
0x6d: {  	_ =	shalt  }
0x6e: {  	_ =	shalt  }
0x6f: {  	_ =	shalt  }
0x70: {  	_ =	shalt  }
0x71: {  	_ =	shalt  }
0x72: {  	_ =	shalt  }
0x73: {  	_ =	shalt  }
0x74: {  	_ =	shalt  }
0x75: {  	_ =	shalt  }
0x76: {  	_ =	shalt  }
0x77: {  	_ =	shalt  }
0x78: {  	_ =	shalt  }
0x79: {  	_ =	shalt  }
0x7a: {  	_ =	shalt  }
0x7b: {  	_ =	shalt  }
0x7c: {  	_ =	shalt  }
0x7d: {  	_ =	shalt  }
0x7e: {  	_ =	shalt  }
0x7f: {  	_ =	shalt  }
0x80: {  	_ =	shalt  }
0x81: {  	_ =	shalt  }
0x82: {  	_ =	shalt  }
0x83: {  	_ =	shalt  }
0x84: {  	_ =	shalt  }
0x85: {  	_ =	shalt  }
0x86: {  	_ =	shalt  }
0x87: {  	_ =	shalt  }
.Lfunc_end0:
.L_simem_size_0:
called_computation.2_lowered:
.L_overlay_start_0:
0x88: {  	s2 =	sld [smem:$0x3FD9]  }
0x89: {  	s3 =	sld [smem:$0x3FFE];
	_ =	sdelay $0x1  }
0x8a: {  	s1 =	srdreg.scid  }
0x8b: {  	s0 =	sand.u32 $0x1, s1  }
0x8c: {  	s16 =	sshll.u32 s0, $0xA;
	s2 =	sadd.s32 s3, s2  }
0x8d: {  	s2 =	sadd.s32 s2, s16  }
0x8e: {  	[smem:$0x3FAE] =	sst s2  }
0x8f: {  	_ = 	snop  }
0x90: {  	(tm) =	ssettm $0x1  }
0x91: {  	s17 =	sld [smem:$0x3FFB];
	_ =	sdelay $0x3  }
0x92: {  	_ =	strace s17  }
0x93: {  	s2 =	sld [smem:$0x3FFC];
	_ =	sdelay $0x3  }
0x94: {  	_ =	strace s2  }
0x95: {  	s2 =	sld [smem:$0x3FFD];
	_ =	sdelay $0x3  }
0x96: {  	_ =	strace s2  }
0x97: {  	_ =	strace $0x8FFFFFFF  }
0x98: {  	s18 =	sld [smem:$0x3FDB];
	_ =	sdelay $0x1  }
0x99: {  	s19 =	simm.s32 $_scs_section_size  }
0x9a: {  	s4 =	simm.s32 $_size__tile_overlayer_lowered;
	s5 =	simm.s32 $_tile_overlayer_lowered  }
0x9b: {  	s22 =	simm.s32 $0x1BFF;
	s21 =	sshll.u32 s5, $0x1;
	s2 =	sadd.s32 s19, s18  }
0x9c: {  	s6 =	simm.s32 $0x0;
	s20 =	sshll.u32 s4, $0x1;
	s4 =	sadd.s32 s21, s2  }
0x9d: {  	[timem:s6], [sflag:s22] =	dma.local [hbm:s4], s20  }
0x9e: {  	_ =	swait.ge [sflag:s22], s20  }
0x9f: {  	s3 =	ssub.s32 $0x0, s20;
	[sflag:s22] =	ssyncset.done $0x0  }
0xa0: {  	[sflag:s22] =	ssyncadd.s32 s3;
	_ =	sdelay $0x1  }
0xa1: {  	s23 =	simm.s32 $0x1B8B  }
0xa2: {  	_ =	swait.ge [sflag:s23], $0x1  }
0xa3: {  	[sflag:s23] =	ssyncset.done $0x0  }
0xa4: {  	s25 =	simm.s32 $0x1B8E;
	s24 =	sld [smem:$0x3FFE];
	[sflag:s23] =	ssyncadd.s32 $0xFFFFFFFF  }
0xa5: {  	s26 =	simm.s32 $execute0_lowered;
	[smem:$0x3FD2] =	sst s25  }
0xa6: {  	s4 =	sshll.u32 s26, $0x1;
	_ =	strace $0x8000004C;
	[dreg:$0x1] =	wrdreg $0xFFFFFFFF  }
0xa7: {  	s28 =	simm.s32 $_size_execute0_lowered;
	s2 =	sadd.s32 s2, s4;
	[dreg:$0x0] =	wrdreg $0x0  }
0xa8: {  	s4 =	sshll.u32 s28, $0x1;
	[dreg:$0x2] =	wrdreg s2  }
0xa9: {  	[dreg:$0x3] =	wrdreg s4  }
0xaa: {  	[dreg:$0x4] =	wrdreg $0xC0  }
0xab: {  	_ =	task [dreg:s6], $0x5FFFF  }
0xac: {  	[dreg:$0x1] =	wrdreg $0xFFFFFFFF  }
0xad: {  	[dreg:$0x0] =	wrdreg $0x60  }
0xae: {  	[dreg:$0x2] =	wrdreg s24  }
0xaf: {  	[dreg:$0x3] =	wrdreg $0x9  }
0xb0: {  	_ =	task.clear_ibuf [dreg:s6], $0x4FFFF;
	_ =	strace $0x9000004C  }
0xb1: {  	s29 =	simm.s32 $0x9;
	_ =	strace $0x8000004E  }
0xb2: {  	_ =	swait.ge [sflag:s29], $0x1  }
0xb3: {  	[sflag:s29] =	ssyncadd.s32 $0xFFFFFFFF  }
0xb4: {  	_ =	strace $0x9000004E  }
0xb5: {  	_ =	sfence  }
0xb6: {  	s30 =	sld [smem:$0x0];
	_ =	sdelay $0x2  }
0xb7: {  	s31 =	sshll.u32 s1, $0xD;
	s1 =	sshrl.u32 s1, $0x2  }
0xb8: {  	s3 =	sand.u32 $0x4000, s31;
	s1 =	sadd.s32 s1, s30  }
0xb9: {  	s0 =	sor.u32 s3, s0;
	s1 =	sshll.u32 s1, $0x11  }
0xba: {  	s0 =	sor.u32 s1, s0  }
0xbb: {  	s0 =	sadd.s32 $0x8F2B, s0  }
0xbc: {  	[sflag:s0] =	ssyncadd.remote.s32 $0x1  }
0xbd: {  	_ =	sfence.sel $0xFFFF  }
0xbe: {  	[dreg:$0x0] =	wrdreg $0xFFFFFFFF;
	(pc) =	sbr.abs _section_cstart, $3  }
0xbf: {  	[dreg:$0x1] =	wrdreg $0xFFFFFFFF  }
0xc0: {  	_ =	task.clear_ibuf [dreg:s6], $0x2FFFF;
	_ =	strace $0x9FFFFFFF  }
0xc1: {  	(tm) =	ssettm $0x7FFFFFFF  }
tec
execute0_lowered:
.L_overlay_start_1:
0x0: {  	(tag) =	ssettag $0x1  }
0x1: {  	s5 =	rddreg [dreg:$0x0]  }
0x2: {  	s0 =	rddreg [dreg:$0x1]  }
0x3: {  	s2 =	simm.s32 $0x0;
	s1 =	stileid.u32;
	s3 =	srdreg.scid  }
0x4: {  	s14 =	simm.s32 $0x1100;
	s15 =	simm.s32 $0x1900;
	s16 =	simm.s32 $0x2100  }
0x5: {  	s17 =	simm.s32 $0x2900;
	s18 =	simm.s32 $0x3100;
	s19 =	simm.s32 $0x3900  }
0x6: {  	s20 =	simm.s32 $0x4100;
	s21 =	simm.s32 $0x4900;
	s22 =	simm.s32 $0x50  }
0x7: {  	s23 =	simm.s32 $0x5100;
	s24 =	simm.s32 $0x1;
	s6 =	smul.u32 $0xFA0, s1  }
0x8: {  	s25 =	simm.s32 $0x2;
	s26 =	simm.s32 $0x0;
	s7 =	smul.u32 $0x9C400, s1  }
0x9: {  	s8 =	smul.u32 $0x4E200, s1;
	s9 =	sand.u32 $0x1, s3;
	s3 =	sadd.s32 $0x14F5E00, s5  }
0xa: {  	[smem:$0x7FF] =	sst s2;
	s4 =	sadd.s32 $0x156B800, s5;
	s11 =	smul.u32 $0x27100, s9  }
0xb: {  	_ =	strace $0x8000004D;
	s10 =	ssub.s32 $0x2, s9;
	s13 =	smul.u32 $0x4E200, s9  }
0xc: {  	s9 =	smul.u32 $0x7D0, s9;
	s12 =	sshrl.u32 s10, $0x1;
	s6 =	sadd.s32 s6, s5  }
0xd: {  	s7 =	sadd.s32 s7, s5;
	s8 =	sadd.s32 s8, s5;
	s10 =	ssub.s32 s10, s12  }
0xe: {  	s8 =	sadd.s32 s11, s8;
	s7 =	sadd.s32 s13, s7;
	s9 =	sadd.s32 s9, s6  }
0xf: {  	v2 =	vlaneseq.u32;
	s11 =	simm.s32 $0x80;
	s12 =	simm.s32 $0x100;
	s13 =	simm.s32 $0x900  }
0x10: {  	vm0 =	vmmov $0xffff;
	v1 =	vshrl.u32 v2, $0x3;
	s5 =	smax.u32 s10, $0x1;
	s6 =	sadd.s32 $0x57C00, s8;
	s7 =	sadd.s32 $0x1592A00, s7  }
0x11: {  	v0 =	vand.u32 $0x7, v2;
	v2 =	vor.u32 $0x8, v2;
	v1 =	vmul.u32 $0x8, v1;
	s8 =	sadd.s32 $0x1F000, s9;
	s9 =	sadd.s32 $0xF600, s9;
	s10 =	simm.s32 $0x3  }
.LBB2_1:
0x12: {  	s28 =	smov.u32 s7;
	s29 =	smov.u32 s6;
	s30 =	simm.s32 $0x0  }
.LBB2_2:
0x13: {  	s31 =	sadd.s32 s30, s8  }
0x14: {  	[tilespmem:s2], [sflag:$0x3] =	stream.linear.gather [hbm4b:s31+s2], $0x80, $0x38;
	[tilespmem:$0x7900] =	vst v63  }
0x15: {  	_ =	swait.ge [sflag:s10], $0x80  }
0x16: {  	[sflag:s10] =	ssyncset.done $0x0  }
0x17: {  	s31 =	sadd.s32 s30, s9;
	[sflag:s10] =	ssyncadd.s32 $0xFFFFFF80  }
0x18: {  	[tilespmem:s11], [sflag:$0x3] =	stream.linear.gather [hbm4b:s31+s2], $0x80, $0x38;
	[tilespmem:$0x7900] =	vst v63  }
0x19: {  	_ =	swait.ge [sflag:s10], $0x80  }
0x1a: {  	[sflag:s10] =	ssyncset.done $0x0  }
0x1b: {  	[sflag:s10] =	ssyncadd.s32 $0xFFFFFF80  }
0x1c: {  	v3 =	vld [tilespmem:$0x0];
	_ =	sdelay $0x4  }
0x1d: {  	v4 =	vshll.u32 v3, $0x1  }
0x1e: {  	v3 =	vand.u32 $0x7, v3;
	v4 =	vand.u32 $0xFFFFFFF0, v4  }
0x1f: {  	v3 =	vor.u32 v3, v4  }
0x20: {  	v4 =	vperm.xlane v3, v0;
	_ =	sdelay $0x1  }
0x21: {  	v3 =	vperm.xlane v3, v2;
	v4 =	vadd.s32 v1, v4;
	_ =	sdelay $0x1  }
0x22: {  	v3 =	vadd.s32 v1, v3;
	_ =	sdelay $0x2  }
0x23: {  	[tilespmem:s12], [sflag:$0x1] =	stream.indirect_vreg.gather [hbm4b:s3+s2], $0x80, v4, vm0, $0xb8;
	[tilespmem:$0x7900] =	vst v63  }
0x24: {  	_ = 	snop  }
0x25: {  	[tilespmem:s13], [sflag:$0x1] =	stream.indirect_vreg.gather [hbm4b:s3+s2], $0x80, v3, vm0, $0xb8;
	[tilespmem:$0x7900] =	vst v63  }
0x26: {  	v3 =	vld [tilespmem:$0x10];
	_ =	sdelay $0x4  }
0x27: {  	v60 =	vshll.u32 v3, $0x1  }
0x28: {  	v3 =	vand.u32 $0x7, v3;
	v4 =	vand.u32 $0xFFFFFFF0, v60  }
0x29: {  	v3 =	vor.u32 v3, v4  }
0x2a: {  	v4 =	vperm.xlane v3, v0;
	_ =	sdelay $0x1  }
0x2b: {  	v3 =	vperm.xlane v3, v2;
	v4 =	vadd.s32 v1, v4;
	_ =	sdelay $0x1  }
0x2c: {  	v3 =	vadd.s32 v1, v3;
	_ =	sdelay $0x2  }
0x2d: {  	[tilespmem:s14], [sflag:$0x1] =	stream.indirect_vreg.gather [hbm4b:s3+s2], $0x80, v4, vm0, $0xb8;
	[tilespmem:$0x7900] =	vst v63  }
0x2e: {  	_ = 	snop  }
0x2f: {  	[tilespmem:s15], [sflag:$0x1] =	stream.indirect_vreg.gather [hbm4b:s3+s2], $0x80, v3, vm0, $0xb8;
	[tilespmem:$0x7900] =	vst v63  }
0x30: {  	v3 =	vld [tilespmem:$0x20];
	_ =	sdelay $0x4  }
0x31: {  	v61 =	vshll.u32 v3, $0x1  }
0x32: {  	v3 =	vand.u32 $0x7, v3;
	v4 =	vand.u32 $0xFFFFFFF0, v61  }
0x33: {  	v3 =	vor.u32 v3, v4  }
0x34: {  	v4 =	vperm.xlane v3, v0;
	_ =	sdelay $0x1  }
0x35: {  	v3 =	vperm.xlane v3, v2;
	v4 =	vadd.s32 v1, v4;
	_ =	sdelay $0x1  }
0x36: {  	v3 =	vadd.s32 v1, v3;
	_ =	sdelay $0x2  }
0x37: {  	[tilespmem:s16], [sflag:$0x1] =	stream.indirect_vreg.gather [hbm4b:s3+s2], $0x80, v4, vm0, $0xb8;
	[tilespmem:$0x7900] =	vst v63  }
0x38: {  	_ = 	snop  }
0x39: {  	[tilespmem:s17], [sflag:$0x1] =	stream.indirect_vreg.gather [hbm4b:s3+s2], $0x80, v3, vm0, $0xb8;
	[tilespmem:$0x7900] =	vst v63  }
0x3a: {  	v3 =	vld [tilespmem:$0x30];
	_ =	sdelay $0x4  }
0x3b: {  	v62 =	vshll.u32 v3, $0x1  }
0x3c: {  	v3 =	vand.u32 $0x7, v3;
	v4 =	vand.u32 $0xFFFFFFF0, v62  }
0x3d: {  	v3 =	vor.u32 v3, v4  }
0x3e: {  	v4 =	vperm.xlane v3, v0;
	_ =	sdelay $0x1  }
0x3f: {  	v3 =	vperm.xlane v3, v2;
	v4 =	vadd.s32 v1, v4;
	_ =	sdelay $0x1  }
0x40: {  	v3 =	vadd.s32 v1, v3;
	_ =	sdelay $0x2  }
0x41: {  	[tilespmem:s18], [sflag:$0x1] =	stream.indirect_vreg.gather [hbm4b:s3+s2], $0x80, v4, vm0, $0xb8;
	[tilespmem:$0x7900] =	vst v63  }
0x42: {  	_ = 	snop  }
0x43: {  	[tilespmem:s19], [sflag:$0x1] =	stream.indirect_vreg.gather [hbm4b:s3+s2], $0x80, v3, vm0, $0xb8;
	[tilespmem:$0x7900] =	vst v63  }
0x44: {  	v3 =	vld [tilespmem:$0x40];
	_ =	sdelay $0x4  }
0x45: {  	v63 =	vshll.u32 v3, $0x1  }
0x46: {  	v3 =	vand.u32 $0x7, v3;
	v4 =	vand.u32 $0xFFFFFFF0, v63  }
0x47: {  	v3 =	vor.u32 v3, v4  }
0x48: {  	v4 =	vperm.xlane v3, v0;
	_ =	sdelay $0x1  }
0x49: {  	v3 =	vperm.xlane v3, v2;
	v4 =	vadd.s32 v1, v4;
	_ =	sdelay $0x1  }
0x4a: {  	v3 =	vadd.s32 v1, v3;
	_ =	sdelay $0x2  }
0x4b: {  	[tilespmem:s20], [sflag:$0x1] =	stream.indirect_vreg.gather [hbm4b:s3+s2], $0x80, v4, vm0, $0xb8;
	[tilespmem:$0x7900] =	vst v63  }
0x4c: {  	_ = 	snop  }
0x4d: {  	[tilespmem:s21], [sflag:$0x1] =	stream.indirect_vreg.gather [hbm4b:s3+s2], $0x80, v3, vm0, $0xb8;
	[tilespmem:$0x7900] =	vst v63  }
0x4e: {  	_ = 	snop  }
0x4f: {  	[tilespmem:s23], [sflag:$0x2] =	stream.indirect.gather [hbm4b:s4+s22], $0x80, s11, s22, $0xb8;
	[tilespmem:$0x7900] =	vst v63  }
0x50: {  	_ =	swait.ge [sflag:s24], $0x5000  }
0x51: {  	[sflag:s24] =	ssyncset.done $0x0  }
0x52: {  	[sflag:s24] =	ssyncadd.s32 $0xFFFFB000  }
0x53: {  	_ =	swait.ge [sflag:s25], $0x2800  }
0x54: {  	[sflag:s25] =	ssyncset.done $0x0  }
0x55: {  	[sflag:s25] =	ssyncadd.s32 $0xFFFFD800  }
0x56: {  	[hbm4b:s28+s2] =	stream.linear.scatter [tilespmem:s12], [sflag:$0x3], $0x5000, $0x38;
	[tilespmem:$0x7900] =	vst v63  }
0x57: {  	_ =	swait.ge [sflag:s10], $0x5000  }
0x58: {  	p0 =	sne.s32 s30, $0x7C0;
	[sflag:s10] =	ssyncset.done $0x0  }
.Ltmp0:
0x59: {  	[sflag:s10] =	ssyncadd.s32 $0xFFFFB000;
	(pc) =	sbr.rel @p0 .LBB2_2-.Ltmp0, $4  }
0x5a: {  	[hbm4b:s29+s2] =	stream.linear.scatter [tilespmem:s23], [sflag:$0x3], $0x2800, $0x38;
	[tilespmem:$0x7900] =	vst v63  }
0x5b: {  	_ =	swait.ge [sflag:s10], $0x2800  }
0x5c: {  	s30 =	sadd.s32 $0x10, s30;
	[sflag:s10] =	ssyncset.done $0x0  }
0x5d: {  	s28 =	sadd.s32 $0xA00, s28;
	s29 =	sadd.s32 $0x500, s29;
	[sflag:s10] =	ssyncadd.s32 $0xFFFFD800  }
0x5e: {  	s26 =	sadd.s32 $0x1, s26  }
0x5f: {  	p0 =	sne.s32 s26, s5  }
.Ltmp1:
0x60: {  	_ = 	snop;
	(pc) =	sbr.rel @p0 .LBB2_1-.Ltmp1, $1  }
0x61: {  	_ =	sdelay $0x3  }
0x62: {  	_ =	sfence.sel $0x180000  }
0x63: {  	[bflag:$0x0] =	sbarrier.arrive $0xFFFF  }
0x64: {  	p0 =	sne.s32 s1, $0x0;
	_ =	strace $0x9000004D  }
0x65: {  	s0 =	sadd.s32 @!p0 $0x100000, s0;
	[bflag:$0x2] =	sbarrier.arrive $0xFFFF  }
0x66: {  	[sflag:s0] =	ssyncadd.tile.s32 @!p0 $0x1;
	_ =	shalt  }
.Lfunc_end2:
_tile_overlayer_lowered:
.L_overlay_start_2:
0x67: {  	(tag) =	ssettag $0x2  }
0x68: {  	s0 =	rddreg [dreg:$0x0];
	s2 =	stileid.u32  }
0x69: {  	s1 =	rddreg [dreg:$0x1];
	p0 =	sne.s32 s2, $0x0  }
0x6a: {  	s3 =	rddreg [dreg:$0x2];
	[bflag:$0x3] =	sbarrier.arrive $0xFFFF;
	s2 =	simm.s32 @!p0 $0x1C03  }
0x6b: {  	[timem:s3], [sflag:s2] =	dma.local @!p0 [hbm:s0], s1  }
0x6c: {  	s0 =	simm.s32 @!p0 $0x3  }
0x6d: {  	_ =	swait.ge @!p0 [sflag:s0], s1  }
0x6e: {  	s1 =	ssub.s32 @!p0 $0x0, s1;
	[sflag:s0] =	ssyncset.done @!p0 $0x0  }
0x6f: {  	[sflag:s0] =	ssyncadd.s32 @!p0 s1  }
0x70: {  	[bflag:$0x3] =	sbarrier.arrive $0xFFFF  }
0x71: {  	_ =	shalt  }

// kernel: kernel.23.cloned.1.call-start
scs
__scs_entry_jumppad:
0x0: {  	(pc) =	sbr.rel $0x88, $3  }
0x1: {  	(tag) =	ssettag $0x0;
	lr =	simm.s32 $0x1  }
0x2: {  	[smem:$0x3F87] =	sst lr;
	_ =	strace $0xD0000000  }
0x3: {  	_ = 	snop  }
0x4: {  	_ = 	snop  }
0x5: {  	_ = 	snop  }
0x6: {  	_ = 	snop  }
0x7: {  	_ = 	snop  }
__scs_overlays_trampoline_lowered:
0x8: {  	[smem:$0x3F96] =	sst s0  }
0x9: {  	[smem:$0x3F97] =	sst s1  }
0xa: {  	[smem:$0x3F98] =	sst s2  }
0xb: {  	[smem:$0x3F99] =	sst s3  }
0xc: {  	[smem:$0x3F9A] =	sst s4  }
0xd: {  	[smem:$0x3F9B] =	sst s5  }
0xe: {  	[smem:$0x3F9C] =	sst s6  }
0xf: {  	[smem:$0x3F9D] =	sst s7  }
0x10: {  	[smem:$0x3F9E] =	sst s8  }
0x11: {  	[smem:$0x3F9F] =	sst s9;
	s0 =	simm.s32 @!p0 $0x0  }
0x12: {  	s1 =	sld [smem:$0x3F85];
	s0 =	simm.s32 @p0 $0x1  }
0x13: {  	[smem:$0x3FA0] =	sst s0;
	s0 =	simm.s32 @!p1 $0x0  }
0x14: {  	s2 =	sld [smem:$0x3F84];
	s0 =	simm.s32 @p1 $0x1  }
0x15: {  	[smem:$0x3FA1] =	sst s0;
	s0 =	simm.s32 @!p2 $0x0  }
0x16: {  	s3 =	sld [smem:$0x3FDB];
	s0 =	simm.s32 @p2 $0x1  }
0x17: {  	s4 =	simm.s32 $0x1BF5;
	[smem:$0x3FA3] =	sst s0  }
0x18: {  	s0 =	sld [smem:$0x3F86];
	_ =	swait.ge [sflag:s4], $0x0  }
0x19: {  	s7 =	sld [smem:$0x3F87]  }
0x1a: {  	s8 =	sadd.s32 $0xFFFFE003, lr  }
0x1b: {  	s9 =	sadd.s32 $0xFFFFFEF7, lr;
	s5 =	simm.s32 $0xFFFFFFFF;
	p2 =	slt.u32 s8, $0xFFFFF086  }
0x1c: {  	p1 =	slt.u32 s9, $0xF7A;
	s5 =	simm.s32 @!p2 $0x0  }
0x1d: {  	s5 =	simm.s32 @p1 $0x1;
	p0 =	seq.s32 s7, s2  }
0x1e: {  	s7 =	smul.u32 @!p0 $0xF7A, s2;
	p2 =	seq.s32 @!p0 s5, $0x0  }
0x1f: {  	s9 =	smul.u32 $0xF7A, s1;
	s8 =	simm.s32 @!p0 $0x1BF5;
	p2 =	por !p2, p0  }
0x20: {  	[sflag:s8] =	ssyncset.s32 @!p0 $0xFFFFF086;
	s6 =	sadd.s32 @!p0 s3, s7;
	s7 =	simm.s32 @!p0 $0x108  }
0x21: {  	s3 =	sadd.s32 s3, s9;
	s6 =	sadd.s32 @!p0 $0x88, s6;
	s7 =	simm.s32 @p2 $0x1082  }
0x22: {  	[simem:s7], [sflag:s8] =	dma.local @!p0 [hbm:s6], $0xF7A  }
0x23: {  	s9 =	sor.u32 $0xD0000000, s2;
	s6 =	simm.s32 $0x108;
	_ =	swait.ge @!p0 [sflag:s8], $0x0  }
0x24: {  	s3 =	sadd.s32 $0x88, s3;
	s6 =	simm.s32 @!p1 $0x1082;
	[sflag:s4] =	ssyncset.s32 $0xFFFFF086  }
0x25: {  	[simem:s6], [sflag:s4] =	dma.local [hbm:s3], $0xF7A  }
0x26: {  	[smem:$0x3F87] =	sst s1;
	(tag) =	ssettag s2;
	_ =	strace s9  }
0x27: {  	s1 =	sld [smem:$0x3F97]  }
0x28: {  	s2 =	sld [smem:$0x3F98]  }
0x29: {  	s4 =	sld [smem:$0x3F9A]  }
0x2a: {  	p0 =	seq.s32 s5, $0x0;
	s5 =	sld [smem:$0x3F9B]  }
0x2b: {  	s6 =	sld [smem:$0x3F9C]  }
0x2c: {  	s7 =	sld [smem:$0x3F9D]  }
0x2d: {  	s3 =	simm.s32 $0x108;
	s8 =	sld [smem:$0x3F9E]  }
0x2e: {  	s3 =	simm.s32 @!p0 $0x1082;
	s9 =	sld [smem:$0x3F9F]  }
0x2f: {  	lr =	sadd.s32 s0, s3;
	s0 =	sld [smem:$0x3F96]  }
0x30: {  	s3 =	sld [smem:$0x3F99]  }
0x31: {  	[smem:$0x3FA2] =	sst s10  }
0x32: {  	s10 =	sld [smem:$0x3FA0];
	_ =	sdelay $0x3  }
0x33: {  	p0 =	seq.s32 s10, $0x1;
	s10 =	sld [smem:$0x3FA2];
	_ =	sdelay $0x3  }
0x34: {  	[smem:$0x3FA2] =	sst s10  }
0x35: {  	s10 =	sld [smem:$0x3FA1];
	_ =	sdelay $0x3  }
0x36: {  	p1 =	seq.s32 s10, $0x1;
	s10 =	sld [smem:$0x3FA2];
	_ =	sdelay $0x3  }
0x37: {  	[smem:$0x3FA2] =	sst s10  }
0x38: {  	s10 =	sld [smem:$0x3FA3]  }
0x39: {  	_ = 	snop;
	(pc) =	sbr.ind lr, $3  }
0x3a: {  	_ = 	snop  }
0x3b: {  	_ = 	snop  }
0x3c: {  	p2 =	seq.s32 s10, $0x1;
	s10 =	sld [smem:$0x3FA2]  }
0x3d: {  	_ =	shalt  }
0x3e: {  	_ =	shalt  }
0x3f: {  	_ =	shalt  }
0x40: {  	_ =	shalt  }
0x41: {  	_ =	shalt  }
0x42: {  	_ =	shalt  }
0x43: {  	_ =	shalt  }
0x44: {  	_ =	shalt  }
0x45: {  	_ =	shalt  }
0x46: {  	_ =	shalt  }
0x47: {  	_ =	shalt  }
0x48: {  	_ =	shalt  }
0x49: {  	_ =	shalt  }
0x4a: {  	_ =	shalt  }
0x4b: {  	_ =	shalt  }
0x4c: {  	_ =	shalt  }
0x4d: {  	_ =	shalt  }
0x4e: {  	_ =	shalt  }
0x4f: {  	_ =	shalt  }
0x50: {  	_ =	shalt  }
0x51: {  	_ =	shalt  }
0x52: {  	_ =	shalt  }
0x53: {  	_ =	shalt  }
0x54: {  	_ =	shalt  }
0x55: {  	_ =	shalt  }
0x56: {  	_ =	shalt  }
0x57: {  	_ =	shalt  }
0x58: {  	_ =	shalt  }
0x59: {  	_ =	shalt  }
0x5a: {  	_ =	shalt  }
0x5b: {  	_ =	shalt  }
0x5c: {  	_ =	shalt  }
0x5d: {  	_ =	shalt  }
0x5e: {  	_ =	shalt  }
0x5f: {  	_ =	shalt  }
0x60: {  	_ =	shalt  }
0x61: {  	_ =	shalt  }
0x62: {  	_ =	shalt  }
0x63: {  	_ =	shalt  }
0x64: {  	_ =	shalt  }
0x65: {  	_ =	shalt  }
0x66: {  	_ =	shalt  }
0x67: {  	_ =	shalt  }
0x68: {  	_ =	shalt  }
0x69: {  	_ =	shalt  }
0x6a: {  	_ =	shalt  }
0x6b: {  	_ =	shalt  }
0x6c: {  	_ =	shalt  }
0x6d: {  	_ =	shalt  }
0x6e: {  	_ =	shalt  }
0x6f: {  	_ =	shalt  }
0x70: {  	_ =	shalt  }
0x71: {  	_ =	shalt  }
0x72: {  	_ =	shalt  }
0x73: {  	_ =	shalt  }
0x74: {  	_ =	shalt  }
0x75: {  	_ =	shalt  }
0x76: {  	_ =	shalt  }
0x77: {  	_ =	shalt  }
0x78: {  	_ =	shalt  }
0x79: {  	_ =	shalt  }
0x7a: {  	_ =	shalt  }
0x7b: {  	_ =	shalt  }
0x7c: {  	_ =	shalt  }
0x7d: {  	_ =	shalt  }
0x7e: {  	_ =	shalt  }
0x7f: {  	_ =	shalt  }
0x80: {  	_ =	shalt  }
0x81: {  	_ =	shalt  }
0x82: {  	_ =	shalt  }
0x83: {  	_ =	shalt  }
0x84: {  	_ =	shalt  }
0x85: {  	_ =	shalt  }
0x86: {  	_ =	shalt  }
0x87: {  	_ =	shalt  }
.Lfunc_end0:
.L_simem_size_0:
called_computation.3_lowered:
.L_overlay_start_0:
0x88: {  	s2 =	sld [smem:$0x3FD9]  }
0x89: {  	s3 =	sld [smem:$0x3FFE];
	_ =	sdelay $0x1  }
0x8a: {  	s1 =	srdreg.scid  }
0x8b: {  	s0 =	sand.u32 $0x1, s1  }
0x8c: {  	s16 =	sshll.u32 s0, $0xA;
	s2 =	sadd.s32 s3, s2  }
0x8d: {  	s2 =	sadd.s32 s2, s16  }
0x8e: {  	[smem:$0x3FAE] =	sst s2  }
0x8f: {  	_ = 	snop  }
0x90: {  	(tm) =	ssettm $0x1  }
0x91: {  	s17 =	sld [smem:$0x3FFB];
	_ =	sdelay $0x3  }
0x92: {  	_ =	strace s17  }
0x93: {  	s2 =	sld [smem:$0x3FFC];
	_ =	sdelay $0x3  }
0x94: {  	_ =	strace s2  }
0x95: {  	s2 =	sld [smem:$0x3FFD];
	_ =	sdelay $0x3  }
0x96: {  	_ =	strace s2  }
0x97: {  	_ =	strace $0x8FFFFFFF  }
0x98: {  	s18 =	sld [smem:$0x3FDB];
	_ =	sdelay $0x1  }
0x99: {  	s19 =	simm.s32 $_scs_section_size  }
0x9a: {  	s4 =	simm.s32 $_size__tile_overlayer_lowered;
	s5 =	simm.s32 $_tile_overlayer_lowered  }
0x9b: {  	s22 =	simm.s32 $0x1BFF;
	s21 =	sshll.u32 s5, $0x1;
	s2 =	sadd.s32 s19, s18  }
0x9c: {  	s6 =	simm.s32 $0x0;
	s20 =	sshll.u32 s4, $0x1;
	s4 =	sadd.s32 s21, s2  }
0x9d: {  	[timem:s6], [sflag:s22] =	dma.local [hbm:s4], s20  }
0x9e: {  	_ =	swait.ge [sflag:s22], s20  }
0x9f: {  	s3 =	ssub.s32 $0x0, s20;
	[sflag:s22] =	ssyncset.done $0x0  }
0xa0: {  	[sflag:s22] =	ssyncadd.s32 s3;
	_ =	sdelay $0x1  }
0xa1: {  	s23 =	simm.s32 $0x1B8B  }
0xa2: {  	_ =	swait.ge [sflag:s23], $0x1  }
0xa3: {  	[sflag:s23] =	ssyncset.done $0x0  }
0xa4: {  	s25 =	simm.s32 $0x1B8E;
	s24 =	sld [smem:$0x3FFE];
	[sflag:s23] =	ssyncadd.s32 $0xFFFFFFFF  }
0xa5: {  	s26 =	simm.s32 $execute0_lowered;
	[smem:$0x3FD2] =	sst s25  }
0xa6: {  	s4 =	sshll.u32 s26, $0x1;
	_ =	strace $0x8000004F;
	[dreg:$0x1] =	wrdreg $0xFFFFFFFF  }
0xa7: {  	s28 =	simm.s32 $_size_execute0_lowered;
	s2 =	sadd.s32 s2, s4;
	[dreg:$0x0] =	wrdreg $0x0  }
0xa8: {  	s4 =	sshll.u32 s28, $0x1;
	[dreg:$0x2] =	wrdreg s2  }
0xa9: {  	[dreg:$0x3] =	wrdreg s4  }
0xaa: {  	[dreg:$0x4] =	wrdreg $0xC0  }
0xab: {  	_ =	task [dreg:s6], $0x5FFFF  }
0xac: {  	[dreg:$0x1] =	wrdreg $0xFFFFFFFF  }
0xad: {  	[dreg:$0x0] =	wrdreg $0x60  }
0xae: {  	[dreg:$0x2] =	wrdreg s24  }
0xaf: {  	[dreg:$0x3] =	wrdreg $0x28800  }
0xb0: {  	[dreg:$0x4] =	wrdreg $0x77900  }
0xb1: {  	[dreg:$0x5] =	wrdreg $0x9  }
0xb2: {  	_ =	task.clear_ibuf [dreg:s6], $0x6FFFF;
	_ =	strace $0x9000004F  }
0xb3: {  	s29 =	simm.s32 $0x9;
	_ =	strace $0x80000051  }
0xb4: {  	_ =	swait.ge [sflag:s29], $0x1  }
0xb5: {  	[sflag:s29] =	ssyncadd.s32 $0xFFFFFFFF  }
0xb6: {  	_ =	strace $0x90000051  }
0xb7: {  	_ =	sfence  }
0xb8: {  	s30 =	sld [smem:$0x0];
	_ =	sdelay $0x2  }
0xb9: {  	s31 =	sshll.u32 s1, $0xD;
	s1 =	sshrl.u32 s1, $0x2  }
0xba: {  	s3 =	sand.u32 $0x4000, s31;
	s1 =	sadd.s32 s1, s30  }
0xbb: {  	s0 =	sor.u32 s3, s0;
	s1 =	sshll.u32 s1, $0x11  }
0xbc: {  	s0 =	sor.u32 s1, s0  }
0xbd: {  	s0 =	sadd.s32 $0x8F2B, s0  }
0xbe: {  	[sflag:s0] =	ssyncadd.remote.s32 $0x1  }
0xbf: {  	_ =	sfence.sel $0xFFFF  }
0xc0: {  	[dreg:$0x0] =	wrdreg $0xFFFFFFFF;
	(pc) =	sbr.abs _section_cstart, $3  }
0xc1: {  	[dreg:$0x1] =	wrdreg $0xFFFFFFFF  }
0xc2: {  	_ =	task.clear_ibuf [dreg:s6], $0x2FFFF;
	_ =	strace $0x9FFFFFFF  }
0xc3: {  	(tm) =	ssettm $0x7FFFFFFF  }
tec
execute0_lowered:
.L_overlay_start_1:
0x0: {  	(tag) =	ssettag $0x1  }
0x1: {  	s6 =	rddreg [dreg:$0x0]  }
0x2: {  	s1 =	rddreg [dreg:$0x1]  }
0x3: {  	s2 =	rddreg [dreg:$0x2]  }
0x4: {  	s0 =	rddreg [dreg:$0x3]  }
0x5: {  	s10 =	stileid.u32;
	s3 =	simm.s32 $0x0;
	s5 =	srdreg.scid  }
0x6: {  	s15 =	simm.s32 $0x1;
	s16 =	simm.s32 $0x80;
	s17 =	simm.s32 $0x50  }
0x7: {  	s18 =	simm.s32 $0x0;
	s4 =	smul.u32 $0xFA0, s10;
	[smem:$0x7FF] =	sst s3  }
0x8: {  	s7 =	sand.u32 $0x1, s5;
	s5 =	sadd.s32 $0x14A7A00, s6;
	s13 =	smul.u32 $0x4E200, s10  }
0x9: {  	p0 =	sne.s32 s10, $0x0;
	_ =	strace $0x80000050;
	s8 =	smul.u32 $0x27100, s7  }
0xa: {  	s9 =	ssub.s32 $0x2, s7;
	s14 =	smul.u32 $0x7D0, s7;
	s11 =	sadd.s32 s4, s6  }
0xb: {  	s4 =	sadd.s32 $0x1480800, s6;
	s30 =	sshrl.u32 s9, $0x1;
	s12 =	sadd.s32 s8, s6  }
0xc: {  	s31 =	ssub.s32 s9, s30;
	s11 =	sadd.s32 s14, s11;
	s14 =	simm.s32 $0x4F90  }
0xd: {  	s6 =	sadd.s32 $0x57C00, s12;
	s7 =	sadd.s32 $0x14F5E00, s12;
	s8 =	smax.u32 s31, $0x1  }
0xe: {  	s12 =	sadd.s32 s13, s12;
	s11 =	sadd.s32 $0xF600, s11;
	s13 =	sshrl.u32 @!p0 s2, $0x3  }
0xf: {  	s9 =	sadd.s32 $0x539C00, s12;
	s10 =	sadd.s32 $0xA1BC00, s12;
	s12 =	sshrl.u32 @!p0 s1, $0x3  }
.LBB2_1:
0x10: {  	s19 =	simm.s32 @!p0 $0x1C01;
	s20 =	simm.s32 @!p0 $0x1  }
0x11: {  	[spmem:s12], [sflag:s19] =	dma.local @!p0 [hbm:s4], $0x27100  }
0x12: {  	_ =	swait.ge @!p0 [sflag:s20], $0x27100  }
0x13: {  	[sflag:s20] =	ssyncset.done @!p0 $0x0  }
0x14: {  	[sflag:s20] =	ssyncadd.s32 @!p0 $0xFFFD8F00  }
0x15: {  	[spmem:s13], [sflag:s19] =	dma.local @!p0 [hbm:s5], $0x27100  }
0x16: {  	_ =	swait.ge @!p0 [sflag:s20], $0x27100  }
0x17: {  	[sflag:s20] =	ssyncset.done @!p0 $0x0  }
0x18: {  	[sflag:s20] =	ssyncadd.s32 @!p0 $0xFFFD8F00  }
0x19: {  	s30 =	sadd.s32 $0x0, s9;
	[bflag:$0x0] =	sbarrier.arrive $0xFFFF  }
0x1a: {  	[tilespmem:s14], [sflag:$0x1] =	stream.linear.gather [hbm4b:s30+s3], $0x2800, $0x38;
	[tilespmem:$0x1B010] =	vst v63  }
0x1b: {  	_ =	swait.ge [sflag:s15], $0x2800  }
0x1c: {  	[sflag:s15] =	ssyncset.done $0x0  }
0x1d: {  	[sflag:s15] =	ssyncadd.s32 $0xFFFFD800  }
0x1e: {  	[tilespmem:s3], [sflag:$0x1] =	stream.linear.gather [hbm4b:s11+s3], $0x80, $0x38;
	[tilespmem:$0x1B010] =	vst v63  }
0x1f: {  	_ =	swait.ge [sflag:s15], $0x80  }
0x20: {  	[sflag:s15] =	ssyncset.done $0x0  }
0x21: {  	s31 =	sadd.s32 $0x0, s10;
	[sflag:s15] =	ssyncadd.s32 $0xFFFFFF80  }
0x22: {  	[tilespmem:s16], [sflag:$0x1] =	stream.linear.gather [hbm4b:s31+s3], $0x2800, $0x38;
	[tilespmem:$0x1B010] =	vst v63  }
0x23: {  	_ =	swait.ge [sflag:s15], $0x2800  }
0x24: {  	[sflag:s15] =	ssyncset.done $0x0  }
0x25: {  	[sflag:s15] =	ssyncadd.s32 $0xFFFFD800  }
0x26: {  	[spmem:s1] =	stream.indirect.scatter.add.f32 [tilespmem:s16], [sflag:$0x1], $0x10, s3, s17, $0xb8;
	[tilespmem:$0x1B010] =	vst v63  }
0x27: {  	_ =	swait.ge [sflag:s15], $0x500  }
0x28: {  	[sflag:s15] =	ssyncset.done $0x0  }
0x29: {  	[sflag:s15] =	ssyncadd.s32 $0xFFFFFB00  }
0x2a: {  	[spmem:s2] =	stream.indirect.scatter.add.f32 [tilespmem:s14], [sflag:$0x1], $0x80, s3, s17, $0xb8;
	[tilespmem:$0x1B010] =	vst v63  }
0x2b: {  	s21 =	simm.s32 $0xA00;
	_ =	swait.ge [sflag:s15], $0x2800  }
0x2c: {  	s19 =	simm.s32 $0x500;
	s20 =	sadd.s32 $0x10, s11;
	[sflag:s15] =	ssyncset.done $0x0  }
.LBB2_2:
0x2d: {  	s22 =	sadd.s32 s19, s9  }
0x2e: {  	[sflag:s15] =	ssyncadd.s32 $0xFFFFD800;
	s23 =	smov.u32 s21;
	s24 =	sadd.s32 $0x500, s21  }
0x2f: {  	[tilespmem:s14], [sflag:$0x1] =	stream.linear.gather [hbm4b:s22+s3], $0x2800, $0x38;
	[tilespmem:$0x1B010] =	vst v63  }
0x30: {  	p1 =	sne.s32 s21, $0x26C00;
	_ =	swait.ge [sflag:s15], $0x2800  }
0x31: {  	[sflag:s15] =	ssyncset.done $0x0  }
0x32: {  	[sflag:s15] =	ssyncadd.s32 $0xFFFFD800  }
0x33: {  	[tilespmem:s3], [sflag:$0x1] =	stream.linear.gather [hbm4b:s20+s3], $0x80, $0x38;
	[tilespmem:$0x1B010] =	vst v63  }
0x34: {  	_ =	swait.ge [sflag:s15], $0x80  }
0x35: {  	[sflag:s15] =	ssyncset.done $0x0  }
0x36: {  	s21 =	sadd.s32 s19, s10;
	s19 =	smov.u32 s23;
	[sflag:s15] =	ssyncadd.s32 $0xFFFFFF80  }
0x37: {  	[tilespmem:s16], [sflag:$0x1] =	stream.linear.gather [hbm4b:s21+s3], $0x2800, $0x38;
	[tilespmem:$0x1B010] =	vst v63  }
0x38: {  	_ =	swait.ge [sflag:s15], $0x2800  }
0x39: {  	[sflag:s15] =	ssyncset.done $0x0  }
0x3a: {  	[sflag:s15] =	ssyncadd.s32 $0xFFFFD800  }
0x3b: {  	[spmem:s1] =	stream.indirect.scatter.add.f32 [tilespmem:s16], [sflag:$0x1], $0x10, s3, s17, $0xb8;
	[tilespmem:$0x1B010] =	vst v63  }
0x3c: {  	_ =	swait.ge [sflag:s15], $0x500  }
.Ltmp0:
0x3d: {  	[sflag:s15] =	ssyncset.done $0x0;
	(pc) =	sbr.rel @p1 .LBB2_2-.Ltmp0, $4  }
0x3e: {  	[sflag:s15] =	ssyncadd.s32 $0xFFFFFB00  }
0x3f: {  	[spmem:s2] =	stream.indirect.scatter.add.f32 [tilespmem:s14], [sflag:$0x1], $0x80, s3, s17, $0xb8;
	[tilespmem:$0x1B010] =	vst v63  }
0x40: {  	_ =	swait.ge [sflag:s15], $0x2800  }
0x41: {  	s20 =	sadd.s32 $0x10, s20;
	s21 =	smov.u32 s24;
	[sflag:s15] =	ssyncset.done $0x0  }
0x42: {  	s21 =	sadd.s32 s19, s9;
	[sflag:s15] =	ssyncadd.s32 $0xFFFFD800  }
0x43: {  	[tilespmem:s14], [sflag:$0x1] =	stream.linear.gather [hbm4b:s21+s3], $0x2800, $0x38;
	[tilespmem:$0x1B010] =	vst v63  }
0x44: {  	_ =	swait.ge [sflag:s15], $0x2800  }
0x45: {  	[sflag:s15] =	ssyncset.done $0x0  }
0x46: {  	[sflag:s15] =	ssyncadd.s32 $0xFFFFD800  }
0x47: {  	[tilespmem:s3], [sflag:$0x1] =	stream.linear.gather [hbm4b:s20+s3], $0x80, $0x38;
	[tilespmem:$0x1B010] =	vst v63  }
0x48: {  	_ =	swait.ge [sflag:s15], $0x80  }
0x49: {  	[sflag:s15] =	ssyncset.done $0x0  }
0x4a: {  	s31 =	sadd.s32 s19, s10;
	[sflag:s15] =	ssyncadd.s32 $0xFFFFFF80  }
0x4b: {  	[tilespmem:s16], [sflag:$0x1] =	stream.linear.gather [hbm4b:s31+s3], $0x2800, $0x38;
	[tilespmem:$0x1B010] =	vst v63  }
0x4c: {  	_ =	swait.ge [sflag:s15], $0x2800  }
0x4d: {  	[sflag:s15] =	ssyncset.done $0x0  }
0x4e: {  	[sflag:s15] =	ssyncadd.s32 $0xFFFFD800  }
0x4f: {  	[spmem:s1] =	stream.indirect.scatter.add.f32 [tilespmem:s16], [sflag:$0x1], $0x10, s3, s17, $0xb8;
	[tilespmem:$0x1B010] =	vst v63  }
0x50: {  	_ =	swait.ge [sflag:s15], $0x500  }
0x51: {  	[sflag:s15] =	ssyncset.done $0x0  }
0x52: {  	[sflag:s15] =	ssyncadd.s32 $0xFFFFFB00  }
0x53: {  	[spmem:s2] =	stream.indirect.scatter.add.f32 [tilespmem:s14], [sflag:$0x1], $0x80, s3, s17, $0xb8;
	[tilespmem:$0x1B010] =	vst v63  }
0x54: {  	_ =	swait.ge [sflag:s15], $0x2800  }
0x55: {  	[sflag:s15] =	ssyncset.done $0x0  }
0x56: {  	[sflag:s15] =	ssyncadd.s32 $0xFFFFD800  }
0x57: {  	s19 =	simm.s32 @!p0 $0x1C01;
	s20 =	simm.s32 @!p0 $0x1;
	[bflag:$0x0] =	sbarrier.arrive $0xFFFF  }
0x58: {  	[hbm:s6], [sflag:s19] =	dma.local @!p0 [spmem:s12], $0x27100  }
0x59: {  	s18 =	sadd.s32 $0x1, s18;
	_ =	swait.ge @!p0 [sflag:s20], $0x27100  }
0x5a: {  	p1 =	sne.s32 s18, s8;
	[sflag:s20] =	ssyncset.done @!p0 $0x0  }
.Ltmp1:
0x5b: {  	[sflag:s20] =	ssyncadd.s32 @!p0 $0xFFFD8F00;
	(pc) =	sbr.rel @p1 .LBB2_1-.Ltmp1, $4  }
0x5c: {  	[hbm:s7], [sflag:s19] =	dma.local @!p0 [spmem:s13], $0x27100  }
0x5d: {  	_ =	swait.ge @!p0 [sflag:s20], $0x27100  }
0x5e: {  	[sflag:s20] =	ssyncset.done @!p0 $0x0  }
0x5f: {  	[sflag:s20] =	ssyncadd.s32 @!p0 $0xFFFD8F00  }
0x60: {  	_ =	sfence.sel $0x180000  }
0x61: {  	[bflag:$0x0] =	sbarrier.arrive $0xFFFF  }
0x62: {  	_ =	strace $0x90000050  }
0x63: {  	s0 =	sadd.s32 @!p0 $0x100000, s0;
	[bflag:$0x2] =	sbarrier.arrive $0xFFFF  }
0x64: {  	[sflag:s0] =	ssyncadd.tile.s32 @!p0 $0x1;
	_ =	shalt  }
.Lfunc_end2:
_tile_overlayer_lowered:
.L_overlay_start_2:
0x65: {  	(tag) =	ssettag $0x2  }
0x66: {  	s0 =	rddreg [dreg:$0x0];
	s2 =	stileid.u32  }
0x67: {  	s1 =	rddreg [dreg:$0x1];
	p0 =	sne.s32 s2, $0x0  }
0x68: {  	s3 =	rddreg [dreg:$0x2];
	[bflag:$0x3] =	sbarrier.arrive $0xFFFF;
	s2 =	simm.s32 @!p0 $0x1C01  }
0x69: {  	[timem:s3], [sflag:s2] =	dma.local @!p0 [hbm:s0], s1  }
0x6a: {  	s0 =	simm.s32 @!p0 $0x1  }
0x6b: {  	_ =	swait.ge @!p0 [sflag:s0], s1  }
0x6c: {  	s1 =	ssub.s32 @!p0 $0x0, s1;
	[sflag:s0] =	ssyncset.done @!p0 $0x0  }
0x6d: {  	[sflag:s0] =	ssyncadd.s32 @!p0 s1  }
0x6e: {  	[bflag:$0x3] =	sbarrier.arrive $0xFFFF  }
0x6f: {  	_ =	shalt  }

// kernel: kernel.26.cloned.1.call-start
scs
__scs_entry_jumppad:
0x0: {  	(pc) =	sbr.rel $0x88, $3  }
0x1: {  	(tag) =	ssettag $0x0;
	lr =	simm.s32 $0x1  }
0x2: {  	[smem:$0x3F87] =	sst lr;
	_ =	strace $0xD0000000  }
0x3: {  	_ = 	snop  }
0x4: {  	_ = 	snop  }
0x5: {  	_ = 	snop  }
0x6: {  	_ = 	snop  }
0x7: {  	_ = 	snop  }
__scs_overlays_trampoline_lowered:
0x8: {  	[smem:$0x3F96] =	sst s0  }
0x9: {  	[smem:$0x3F97] =	sst s1  }
0xa: {  	[smem:$0x3F98] =	sst s2  }
0xb: {  	[smem:$0x3F99] =	sst s3  }
0xc: {  	[smem:$0x3F9A] =	sst s4  }
0xd: {  	[smem:$0x3F9B] =	sst s5  }
0xe: {  	[smem:$0x3F9C] =	sst s6  }
0xf: {  	[smem:$0x3F9D] =	sst s7  }
0x10: {  	[smem:$0x3F9E] =	sst s8  }
0x11: {  	[smem:$0x3F9F] =	sst s9;
	s0 =	simm.s32 @!p0 $0x0  }
0x12: {  	s1 =	sld [smem:$0x3F85];
	s0 =	simm.s32 @p0 $0x1  }
0x13: {  	[smem:$0x3FA0] =	sst s0;
	s0 =	simm.s32 @!p1 $0x0  }
0x14: {  	s2 =	sld [smem:$0x3F84];
	s0 =	simm.s32 @p1 $0x1  }
0x15: {  	[smem:$0x3FA1] =	sst s0;
	s0 =	simm.s32 @!p2 $0x0  }
0x16: {  	s3 =	sld [smem:$0x3FDB];
	s0 =	simm.s32 @p2 $0x1  }
0x17: {  	s4 =	simm.s32 $0x1BF5;
	[smem:$0x3FA3] =	sst s0  }
0x18: {  	s0 =	sld [smem:$0x3F86];
	_ =	swait.ge [sflag:s4], $0x0  }
0x19: {  	s7 =	sld [smem:$0x3F87]  }
0x1a: {  	s8 =	sadd.s32 $0xFFFFE003, lr  }
0x1b: {  	s9 =	sadd.s32 $0xFFFFFEF7, lr;
	s5 =	simm.s32 $0xFFFFFFFF;
	p2 =	slt.u32 s8, $0xFFFFF086  }
0x1c: {  	p1 =	slt.u32 s9, $0xF7A;
	s5 =	simm.s32 @!p2 $0x0  }
0x1d: {  	s5 =	simm.s32 @p1 $0x1;
	p0 =	seq.s32 s7, s2  }
0x1e: {  	s7 =	smul.u32 @!p0 $0xF7A, s2;
	p2 =	seq.s32 @!p0 s5, $0x0  }
0x1f: {  	s9 =	smul.u32 $0xF7A, s1;
	s8 =	simm.s32 @!p0 $0x1BF5;
	p2 =	por !p2, p0  }
0x20: {  	[sflag:s8] =	ssyncset.s32 @!p0 $0xFFFFF086;
	s6 =	sadd.s32 @!p0 s3, s7;
	s7 =	simm.s32 @!p0 $0x108  }
0x21: {  	s3 =	sadd.s32 s3, s9;
	s6 =	sadd.s32 @!p0 $0x88, s6;
	s7 =	simm.s32 @p2 $0x1082  }
0x22: {  	[simem:s7], [sflag:s8] =	dma.local @!p0 [hbm:s6], $0xF7A  }
0x23: {  	s9 =	sor.u32 $0xD0000000, s2;
	s6 =	simm.s32 $0x108;
	_ =	swait.ge @!p0 [sflag:s8], $0x0  }
0x24: {  	s3 =	sadd.s32 $0x88, s3;
	s6 =	simm.s32 @!p1 $0x1082;
	[sflag:s4] =	ssyncset.s32 $0xFFFFF086  }
0x25: {  	[simem:s6], [sflag:s4] =	dma.local [hbm:s3], $0xF7A  }
0x26: {  	[smem:$0x3F87] =	sst s1;
	(tag) =	ssettag s2;
	_ =	strace s9  }
0x27: {  	s1 =	sld [smem:$0x3F97]  }
0x28: {  	s2 =	sld [smem:$0x3F98]  }
0x29: {  	s4 =	sld [smem:$0x3F9A]  }
0x2a: {  	p0 =	seq.s32 s5, $0x0;
	s5 =	sld [smem:$0x3F9B]  }
0x2b: {  	s6 =	sld [smem:$0x3F9C]  }
0x2c: {  	s7 =	sld [smem:$0x3F9D]  }
0x2d: {  	s3 =	simm.s32 $0x108;
	s8 =	sld [smem:$0x3F9E]  }
0x2e: {  	s3 =	simm.s32 @!p0 $0x1082;
	s9 =	sld [smem:$0x3F9F]  }
0x2f: {  	lr =	sadd.s32 s0, s3;
	s0 =	sld [smem:$0x3F96]  }
0x30: {  	s3 =	sld [smem:$0x3F99]  }
0x31: {  	[smem:$0x3FA2] =	sst s10  }
0x32: {  	s10 =	sld [smem:$0x3FA0];
	_ =	sdelay $0x3  }
0x33: {  	p0 =	seq.s32 s10, $0x1;
	s10 =	sld [smem:$0x3FA2];
	_ =	sdelay $0x3  }
0x34: {  	[smem:$0x3FA2] =	sst s10  }
0x35: {  	s10 =	sld [smem:$0x3FA1];
	_ =	sdelay $0x3  }
0x36: {  	p1 =	seq.s32 s10, $0x1;
	s10 =	sld [smem:$0x3FA2];
	_ =	sdelay $0x3  }
0x37: {  	[smem:$0x3FA2] =	sst s10  }
0x38: {  	s10 =	sld [smem:$0x3FA3]  }
0x39: {  	_ = 	snop;
	(pc) =	sbr.ind lr, $3  }
0x3a: {  	_ = 	snop  }
0x3b: {  	_ = 	snop  }
0x3c: {  	p2 =	seq.s32 s10, $0x1;
	s10 =	sld [smem:$0x3FA2]  }
0x3d: {  	_ =	shalt  }
0x3e: {  	_ =	shalt  }
0x3f: {  	_ =	shalt  }
0x40: {  	_ =	shalt  }
0x41: {  	_ =	shalt  }
0x42: {  	_ =	shalt  }
0x43: {  	_ =	shalt  }
0x44: {  	_ =	shalt  }
0x45: {  	_ =	shalt  }
0x46: {  	_ =	shalt  }
0x47: {  	_ =	shalt  }
0x48: {  	_ =	shalt  }
0x49: {  	_ =	shalt  }
0x4a: {  	_ =	shalt  }
0x4b: {  	_ =	shalt  }
0x4c: {  	_ =	shalt  }
0x4d: {  	_ =	shalt  }
0x4e: {  	_ =	shalt  }
0x4f: {  	_ =	shalt  }
0x50: {  	_ =	shalt  }
0x51: {  	_ =	shalt  }
0x52: {  	_ =	shalt  }
0x53: {  	_ =	shalt  }
0x54: {  	_ =	shalt  }
0x55: {  	_ =	shalt  }
0x56: {  	_ =	shalt  }
0x57: {  	_ =	shalt  }
0x58: {  	_ =	shalt  }
0x59: {  	_ =	shalt  }
0x5a: {  	_ =	shalt  }
0x5b: {  	_ =	shalt  }
0x5c: {  	_ =	shalt  }
0x5d: {  	_ =	shalt  }
0x5e: {  	_ =	shalt  }
0x5f: {  	_ =	shalt  }
0x60: {  	_ =	shalt  }
0x61: {  	_ =	shalt  }
0x62: {  	_ =	shalt  }
0x63: {  	_ =	shalt  }
0x64: {  	_ =	shalt  }
0x65: {  	_ =	shalt  }
0x66: {  	_ =	shalt  }
0x67: {  	_ =	shalt  }
0x68: {  	_ =	shalt  }
0x69: {  	_ =	shalt  }
0x6a: {  	_ =	shalt  }
0x6b: {  	_ =	shalt  }
0x6c: {  	_ =	shalt  }
0x6d: {  	_ =	shalt  }
0x6e: {  	_ =	shalt  }
0x6f: {  	_ =	shalt  }
0x70: {  	_ =	shalt  }
0x71: {  	_ =	shalt  }
0x72: {  	_ =	shalt  }
0x73: {  	_ =	shalt  }
0x74: {  	_ =	shalt  }
0x75: {  	_ =	shalt  }
0x76: {  	_ =	shalt  }
0x77: {  	_ =	shalt  }
0x78: {  	_ =	shalt  }
0x79: {  	_ =	shalt  }
0x7a: {  	_ =	shalt  }
0x7b: {  	_ =	shalt  }
0x7c: {  	_ =	shalt  }
0x7d: {  	_ =	shalt  }
0x7e: {  	_ =	shalt  }
0x7f: {  	_ =	shalt  }
0x80: {  	_ =	shalt  }
0x81: {  	_ =	shalt  }
0x82: {  	_ =	shalt  }
0x83: {  	_ =	shalt  }
0x84: {  	_ =	shalt  }
0x85: {  	_ =	shalt  }
0x86: {  	_ =	shalt  }
0x87: {  	_ =	shalt  }
.Lfunc_end0:
.L_simem_size_0:
called_computation.4_lowered:
.L_overlay_start_0:
0x88: {  	s2 =	sld [smem:$0x3FD9]  }
0x89: {  	s3 =	sld [smem:$0x3FFE];
	_ =	sdelay $0x1  }
0x8a: {  	s1 =	srdreg.scid  }
0x8b: {  	s0 =	sand.u32 $0x1, s1  }
0x8c: {  	s16 =	sshll.u32 s0, $0xA;
	s2 =	sadd.s32 s3, s2  }
0x8d: {  	s2 =	sadd.s32 s2, s16  }
0x8e: {  	[smem:$0x3FAE] =	sst s2  }
0x8f: {  	_ = 	snop  }
0x90: {  	(tm) =	ssettm $0x1  }
0x91: {  	s17 =	sld [smem:$0x3FFB];
	_ =	sdelay $0x3  }
0x92: {  	_ =	strace s17  }
0x93: {  	s2 =	sld [smem:$0x3FFC];
	_ =	sdelay $0x3  }
0x94: {  	_ =	strace s2  }
0x95: {  	s2 =	sld [smem:$0x3FFD];
	_ =	sdelay $0x3  }
0x96: {  	_ =	strace s2  }
0x97: {  	_ =	strace $0x8FFFFFFF  }
0x98: {  	s18 =	sld [smem:$0x3FDB];
	_ =	sdelay $0x1  }
0x99: {  	s19 =	simm.s32 $_scs_section_size  }
0x9a: {  	s4 =	simm.s32 $_size__tile_overlayer_lowered;
	s5 =	simm.s32 $_tile_overlayer_lowered  }
0x9b: {  	s22 =	simm.s32 $0x1BFF;
	s21 =	sshll.u32 s5, $0x1;
	s2 =	sadd.s32 s19, s18  }
0x9c: {  	s6 =	simm.s32 $0x0;
	s20 =	sshll.u32 s4, $0x1;
	s4 =	sadd.s32 s21, s2  }
0x9d: {  	[timem:s6], [sflag:s22] =	dma.local [hbm:s4], s20  }
0x9e: {  	_ =	swait.ge [sflag:s22], s20  }
0x9f: {  	s3 =	ssub.s32 $0x0, s20;
	[sflag:s22] =	ssyncset.done $0x0  }
0xa0: {  	[sflag:s22] =	ssyncadd.s32 s3;
	_ =	sdelay $0x1  }
0xa1: {  	s23 =	simm.s32 $0x1B8B  }
0xa2: {  	_ =	swait.ge [sflag:s23], $0x1  }
0xa3: {  	[sflag:s23] =	ssyncset.done $0x0  }
0xa4: {  	s25 =	simm.s32 $0x1B8E;
	s24 =	sld [smem:$0x3FFE];
	[sflag:s23] =	ssyncadd.s32 $0xFFFFFFFF  }
0xa5: {  	s26 =	simm.s32 $execute0_lowered;
	[smem:$0x3FD2] =	sst s25  }
0xa6: {  	s4 =	sshll.u32 s26, $0x1;
	_ =	strace $0x80000052;
	[dreg:$0x1] =	wrdreg $0xFFFFFFFF  }
0xa7: {  	s28 =	simm.s32 $_size_execute0_lowered;
	s2 =	sadd.s32 s2, s4;
	[dreg:$0x0] =	wrdreg $0x0  }
0xa8: {  	s4 =	sshll.u32 s28, $0x1;
	[dreg:$0x2] =	wrdreg s2  }
0xa9: {  	[dreg:$0x3] =	wrdreg s4  }
0xaa: {  	[dreg:$0x4] =	wrdreg $0xC0  }
0xab: {  	_ =	task [dreg:s6], $0x5FFFF  }
0xac: {  	[dreg:$0x1] =	wrdreg $0xFFFFFFFF  }
0xad: {  	[dreg:$0x0] =	wrdreg $0x60  }
0xae: {  	[dreg:$0x2] =	wrdreg s24  }
0xaf: {  	[dreg:$0x3] =	wrdreg $0x9  }
0xb0: {  	_ =	task.clear_ibuf [dreg:s6], $0x4FFFF;
	_ =	strace $0x90000052  }
0xb1: {  	s29 =	simm.s32 $0x9;
	_ =	strace $0x80000054  }
0xb2: {  	_ =	swait.ge [sflag:s29], $0x1  }
0xb3: {  	[sflag:s29] =	ssyncadd.s32 $0xFFFFFFFF  }
0xb4: {  	_ =	strace $0x90000054  }
0xb5: {  	_ =	sfence  }
0xb6: {  	s30 =	sld [smem:$0x0];
	_ =	sdelay $0x2  }
0xb7: {  	s31 =	sshll.u32 s1, $0xD;
	s1 =	sshrl.u32 s1, $0x2  }
0xb8: {  	s3 =	sand.u32 $0x4000, s31;
	s1 =	sadd.s32 s1, s30  }
0xb9: {  	s0 =	sor.u32 s3, s0;
	s1 =	sshll.u32 s1, $0x11  }
0xba: {  	s0 =	sor.u32 s1, s0  }
0xbb: {  	s0 =	sadd.s32 $0x8F2B, s0  }
0xbc: {  	[sflag:s0] =	ssyncadd.remote.s32 $0x1  }
0xbd: {  	_ =	sfence.sel $0xFFFF  }
0xbe: {  	[dreg:$0x0] =	wrdreg $0xFFFFFFFF;
	(pc) =	sbr.abs _section_cstart, $3  }
0xbf: {  	[dreg:$0x1] =	wrdreg $0xFFFFFFFF  }
0xc0: {  	_ =	task.clear_ibuf [dreg:s6], $0x2FFFF;
	_ =	strace $0x9FFFFFFF  }
0xc1: {  	(tm) =	ssettm $0x7FFFFFFF  }
tec
execute0_lowered:
.L_overlay_start_1:
0x0: {  	(tag) =	ssettag $0x1  }
0x1: {  	s5 =	rddreg [dreg:$0x0]  }
0x2: {  	s0 =	rddreg [dreg:$0x1]  }
0x3: {  	s2 =	simm.s32 $0x0;
	s1 =	stileid.u32;
	s3 =	srdreg.scid  }
0x4: {  	s14 =	simm.s32 $0x1100;
	s15 =	simm.s32 $0x1900;
	s16 =	simm.s32 $0x2100  }
0x5: {  	s17 =	simm.s32 $0x2900;
	s18 =	simm.s32 $0x3100;
	s19 =	simm.s32 $0x3900  }
0x6: {  	s20 =	simm.s32 $0x4100;
	s21 =	simm.s32 $0x4900;
	s22 =	simm.s32 $0x50  }
0x7: {  	s23 =	simm.s32 $0x5100;
	s24 =	simm.s32 $0x1;
	s6 =	smul.u32 $0xFA0, s1  }
0x8: {  	s25 =	simm.s32 $0x2;
	s26 =	simm.s32 $0x0;
	s7 =	smul.u32 $0x9C400, s1  }
0x9: {  	s8 =	smul.u32 $0x4E200, s1;
	s9 =	sand.u32 $0x1, s3;
	s3 =	sadd.s32 $0x14CEC00, s5  }
0xa: {  	[smem:$0x7FF] =	sst s2;
	s4 =	sadd.s32 $0x151CE00, s5;
	s11 =	smul.u32 $0x27100, s9  }
0xb: {  	_ =	strace $0x80000053;
	s10 =	ssub.s32 $0x2, s9;
	s13 =	smul.u32 $0x4E200, s9  }
0xc: {  	s9 =	smul.u32 $0x7D0, s9;
	s12 =	sshrl.u32 s10, $0x1;
	s6 =	sadd.s32 s6, s5  }
0xd: {  	s7 =	sadd.s32 s7, s5;
	s8 =	sadd.s32 s8, s5;
	s10 =	ssub.s32 s10, s12  }
0xe: {  	s8 =	sadd.s32 s11, s8;
	s7 =	sadd.s32 s13, s7;
	s9 =	sadd.s32 s9, s6  }
0xf: {  	v2 =	vlaneseq.u32;
	s11 =	simm.s32 $0x80;
	s12 =	simm.s32 $0x100;
	s13 =	simm.s32 $0x900  }
0x10: {  	vm0 =	vmmov $0xffff;
	v1 =	vshrl.u32 v2, $0x3;
	s5 =	smax.u32 s10, $0x1;
	s6 =	sadd.s32 $0x57C00, s8;
	s7 =	sadd.s32 $0x156B800, s7  }
0x11: {  	v0 =	vand.u32 $0x7, v2;
	v2 =	vor.u32 $0x8, v2;
	v1 =	vmul.u32 $0x8, v1;
	s8 =	sadd.s32 $0x1F000, s9;
	s9 =	sadd.s32 $0xF600, s9;
	s10 =	simm.s32 $0x3  }
.LBB2_1:
0x12: {  	s28 =	smov.u32 s7;
	s29 =	smov.u32 s6;
	s30 =	simm.s32 $0x0  }
.LBB2_2:
0x13: {  	s31 =	sadd.s32 s30, s8  }
0x14: {  	[tilespmem:s2], [sflag:$0x3] =	stream.linear.gather [hbm4b:s31+s2], $0x80, $0x38;
	[tilespmem:$0x7900] =	vst v63  }
0x15: {  	_ =	swait.ge [sflag:s10], $0x80  }
0x16: {  	[sflag:s10] =	ssyncset.done $0x0  }
0x17: {  	s31 =	sadd.s32 s30, s9;
	[sflag:s10] =	ssyncadd.s32 $0xFFFFFF80  }
0x18: {  	[tilespmem:s11], [sflag:$0x3] =	stream.linear.gather [hbm4b:s31+s2], $0x80, $0x38;
	[tilespmem:$0x7900] =	vst v63  }
0x19: {  	_ =	swait.ge [sflag:s10], $0x80  }
0x1a: {  	[sflag:s10] =	ssyncset.done $0x0  }
0x1b: {  	[sflag:s10] =	ssyncadd.s32 $0xFFFFFF80  }
0x1c: {  	v3 =	vld [tilespmem:$0x0];
	_ =	sdelay $0x4  }
0x1d: {  	v4 =	vshll.u32 v3, $0x1  }
0x1e: {  	v3 =	vand.u32 $0x7, v3;
	v4 =	vand.u32 $0xFFFFFFF0, v4  }
0x1f: {  	v3 =	vor.u32 v3, v4  }
0x20: {  	v4 =	vperm.xlane v3, v0;
	_ =	sdelay $0x1  }
0x21: {  	v3 =	vperm.xlane v3, v2;
	v4 =	vadd.s32 v1, v4;
	_ =	sdelay $0x1  }
0x22: {  	v3 =	vadd.s32 v1, v3;
	_ =	sdelay $0x2  }
0x23: {  	[tilespmem:s12], [sflag:$0x1] =	stream.indirect_vreg.gather [hbm4b:s3+s2], $0x80, v4, vm0, $0xb8;
	[tilespmem:$0x7900] =	vst v63  }
0x24: {  	_ = 	snop  }
0x25: {  	[tilespmem:s13], [sflag:$0x1] =	stream.indirect_vreg.gather [hbm4b:s3+s2], $0x80, v3, vm0, $0xb8;
	[tilespmem:$0x7900] =	vst v63  }
0x26: {  	v3 =	vld [tilespmem:$0x10];
	_ =	sdelay $0x4  }
0x27: {  	v60 =	vshll.u32 v3, $0x1  }
0x28: {  	v3 =	vand.u32 $0x7, v3;
	v4 =	vand.u32 $0xFFFFFFF0, v60  }
0x29: {  	v3 =	vor.u32 v3, v4  }
0x2a: {  	v4 =	vperm.xlane v3, v0;
	_ =	sdelay $0x1  }
0x2b: {  	v3 =	vperm.xlane v3, v2;
	v4 =	vadd.s32 v1, v4;
	_ =	sdelay $0x1  }
0x2c: {  	v3 =	vadd.s32 v1, v3;
	_ =	sdelay $0x2  }
0x2d: {  	[tilespmem:s14], [sflag:$0x1] =	stream.indirect_vreg.gather [hbm4b:s3+s2], $0x80, v4, vm0, $0xb8;
	[tilespmem:$0x7900] =	vst v63  }
0x2e: {  	_ = 	snop  }
0x2f: {  	[tilespmem:s15], [sflag:$0x1] =	stream.indirect_vreg.gather [hbm4b:s3+s2], $0x80, v3, vm0, $0xb8;
	[tilespmem:$0x7900] =	vst v63  }
0x30: {  	v3 =	vld [tilespmem:$0x20];
	_ =	sdelay $0x4  }
0x31: {  	v61 =	vshll.u32 v3, $0x1  }
0x32: {  	v3 =	vand.u32 $0x7, v3;
	v4 =	vand.u32 $0xFFFFFFF0, v61  }
0x33: {  	v3 =	vor.u32 v3, v4  }
0x34: {  	v4 =	vperm.xlane v3, v0;
	_ =	sdelay $0x1  }
0x35: {  	v3 =	vperm.xlane v3, v2;
	v4 =	vadd.s32 v1, v4;
	_ =	sdelay $0x1  }
0x36: {  	v3 =	vadd.s32 v1, v3;
	_ =	sdelay $0x2  }
0x37: {  	[tilespmem:s16], [sflag:$0x1] =	stream.indirect_vreg.gather [hbm4b:s3+s2], $0x80, v4, vm0, $0xb8;
	[tilespmem:$0x7900] =	vst v63  }
0x38: {  	_ = 	snop  }
0x39: {  	[tilespmem:s17], [sflag:$0x1] =	stream.indirect_vreg.gather [hbm4b:s3+s2], $0x80, v3, vm0, $0xb8;
	[tilespmem:$0x7900] =	vst v63  }
0x3a: {  	v3 =	vld [tilespmem:$0x30];
	_ =	sdelay $0x4  }
0x3b: {  	v62 =	vshll.u32 v3, $0x1  }
0x3c: {  	v3 =	vand.u32 $0x7, v3;
	v4 =	vand.u32 $0xFFFFFFF0, v62  }
0x3d: {  	v3 =	vor.u32 v3, v4  }
0x3e: {  	v4 =	vperm.xlane v3, v0;
	_ =	sdelay $0x1  }
0x3f: {  	v3 =	vperm.xlane v3, v2;
	v4 =	vadd.s32 v1, v4;
	_ =	sdelay $0x1  }
0x40: {  	v3 =	vadd.s32 v1, v3;
	_ =	sdelay $0x2  }
0x41: {  	[tilespmem:s18], [sflag:$0x1] =	stream.indirect_vreg.gather [hbm4b:s3+s2], $0x80, v4, vm0, $0xb8;
	[tilespmem:$0x7900] =	vst v63  }
0x42: {  	_ = 	snop  }
0x43: {  	[tilespmem:s19], [sflag:$0x1] =	stream.indirect_vreg.gather [hbm4b:s3+s2], $0x80, v3, vm0, $0xb8;
	[tilespmem:$0x7900] =	vst v63  }
0x44: {  	v3 =	vld [tilespmem:$0x40];
	_ =	sdelay $0x4  }
0x45: {  	v63 =	vshll.u32 v3, $0x1  }
0x46: {  	v3 =	vand.u32 $0x7, v3;
	v4 =	vand.u32 $0xFFFFFFF0, v63  }
0x47: {  	v3 =	vor.u32 v3, v4  }
0x48: {  	v4 =	vperm.xlane v3, v0;
	_ =	sdelay $0x1  }
0x49: {  	v3 =	vperm.xlane v3, v2;
	v4 =	vadd.s32 v1, v4;
	_ =	sdelay $0x1  }
0x4a: {  	v3 =	vadd.s32 v1, v3;
	_ =	sdelay $0x2  }
0x4b: {  	[tilespmem:s20], [sflag:$0x1] =	stream.indirect_vreg.gather [hbm4b:s3+s2], $0x80, v4, vm0, $0xb8;
	[tilespmem:$0x7900] =	vst v63  }
0x4c: {  	_ = 	snop  }
0x4d: {  	[tilespmem:s21], [sflag:$0x1] =	stream.indirect_vreg.gather [hbm4b:s3+s2], $0x80, v3, vm0, $0xb8;
	[tilespmem:$0x7900] =	vst v63  }
0x4e: {  	_ = 	snop  }
0x4f: {  	[tilespmem:s23], [sflag:$0x2] =	stream.indirect.gather [hbm4b:s4+s22], $0x80, s11, s22, $0xb8;
	[tilespmem:$0x7900] =	vst v63  }
0x50: {  	_ =	swait.ge [sflag:s24], $0x5000  }
0x51: {  	[sflag:s24] =	ssyncset.done $0x0  }
0x52: {  	[sflag:s24] =	ssyncadd.s32 $0xFFFFB000  }
0x53: {  	_ =	swait.ge [sflag:s25], $0x2800  }
0x54: {  	[sflag:s25] =	ssyncset.done $0x0  }
0x55: {  	[sflag:s25] =	ssyncadd.s32 $0xFFFFD800  }
0x56: {  	[hbm4b:s28+s2] =	stream.linear.scatter [tilespmem:s12], [sflag:$0x3], $0x5000, $0x38;
	[tilespmem:$0x7900] =	vst v63  }
0x57: {  	_ =	swait.ge [sflag:s10], $0x5000  }
0x58: {  	p0 =	sne.s32 s30, $0x7C0;
	[sflag:s10] =	ssyncset.done $0x0  }
.Ltmp0:
0x59: {  	[sflag:s10] =	ssyncadd.s32 $0xFFFFB000;
	(pc) =	sbr.rel @p0 .LBB2_2-.Ltmp0, $4  }
0x5a: {  	[hbm4b:s29+s2] =	stream.linear.scatter [tilespmem:s23], [sflag:$0x3], $0x2800, $0x38;
	[tilespmem:$0x7900] =	vst v63  }
0x5b: {  	_ =	swait.ge [sflag:s10], $0x2800  }
0x5c: {  	s30 =	sadd.s32 $0x10, s30;
	[sflag:s10] =	ssyncset.done $0x0  }
0x5d: {  	s28 =	sadd.s32 $0xA00, s28;
	s29 =	sadd.s32 $0x500, s29;
	[sflag:s10] =	ssyncadd.s32 $0xFFFFD800  }
0x5e: {  	s26 =	sadd.s32 $0x1, s26  }
0x5f: {  	p0 =	sne.s32 s26, s5  }
.Ltmp1:
0x60: {  	_ = 	snop;
	(pc) =	sbr.rel @p0 .LBB2_1-.Ltmp1, $1  }
0x61: {  	_ =	sdelay $0x3  }
0x62: {  	_ =	sfence.sel $0x180000  }
0x63: {  	[bflag:$0x0] =	sbarrier.arrive $0xFFFF  }
0x64: {  	p0 =	sne.s32 s1, $0x0;
	_ =	strace $0x90000053  }
0x65: {  	s0 =	sadd.s32 @!p0 $0x100000, s0;
	[bflag:$0x2] =	sbarrier.arrive $0xFFFF  }
0x66: {  	[sflag:s0] =	ssyncadd.tile.s32 @!p0 $0x1;
	_ =	shalt  }
.Lfunc_end2:
_tile_overlayer_lowered:
.L_overlay_start_2:
0x67: {  	(tag) =	ssettag $0x2  }
0x68: {  	s0 =	rddreg [dreg:$0x0];
	s2 =	stileid.u32  }
0x69: {  	s1 =	rddreg [dreg:$0x1];
	p0 =	sne.s32 s2, $0x0  }
0x6a: {  	s3 =	rddreg [dreg:$0x2];
	[bflag:$0x3] =	sbarrier.arrive $0xFFFF;
	s2 =	simm.s32 @!p0 $0x1C03  }
0x6b: {  	[timem:s3], [sflag:s2] =	dma.local @!p0 [hbm:s0], s1  }
0x6c: {  	s0 =	simm.s32 @!p0 $0x3  }
0x6d: {  	_ =	swait.ge @!p0 [sflag:s0], s1  }
0x6e: {  	s1 =	ssub.s32 @!p0 $0x0, s1;
	[sflag:s0] =	ssyncset.done @!p0 $0x0  }
0x6f: {  	[sflag:s0] =	ssyncadd.s32 @!p0 s1  }
0x70: {  	[bflag:$0x3] =	sbarrier.arrive $0xFFFF  }
0x71: {  	_ =	shalt  }

// kernel: kernel.29.cloned.1.call-start
scs
__scs_entry_jumppad:
0x0: {  	(pc) =	sbr.rel $0x88, $3  }
0x1: {  	(tag) =	ssettag $0x0;
	lr =	simm.s32 $0x1  }
0x2: {  	[smem:$0x3F87] =	sst lr;
	_ =	strace $0xD0000000  }
0x3: {  	_ = 	snop  }
0x4: {  	_ = 	snop  }
0x5: {  	_ = 	snop  }
0x6: {  	_ = 	snop  }
0x7: {  	_ = 	snop  }
__scs_overlays_trampoline_lowered:
0x8: {  	[smem:$0x3F96] =	sst s0  }
0x9: {  	[smem:$0x3F97] =	sst s1  }
0xa: {  	[smem:$0x3F98] =	sst s2  }
0xb: {  	[smem:$0x3F99] =	sst s3  }
0xc: {  	[smem:$0x3F9A] =	sst s4  }
0xd: {  	[smem:$0x3F9B] =	sst s5  }
0xe: {  	[smem:$0x3F9C] =	sst s6  }
0xf: {  	[smem:$0x3F9D] =	sst s7  }
0x10: {  	[smem:$0x3F9E] =	sst s8  }
0x11: {  	[smem:$0x3F9F] =	sst s9;
	s0 =	simm.s32 @!p0 $0x0  }
0x12: {  	s1 =	sld [smem:$0x3F85];
	s0 =	simm.s32 @p0 $0x1  }
0x13: {  	[smem:$0x3FA0] =	sst s0;
	s0 =	simm.s32 @!p1 $0x0  }
0x14: {  	s2 =	sld [smem:$0x3F84];
	s0 =	simm.s32 @p1 $0x1  }
0x15: {  	[smem:$0x3FA1] =	sst s0;
	s0 =	simm.s32 @!p2 $0x0  }
0x16: {  	s3 =	sld [smem:$0x3FDB];
	s0 =	simm.s32 @p2 $0x1  }
0x17: {  	s4 =	simm.s32 $0x1BF5;
	[smem:$0x3FA3] =	sst s0  }
0x18: {  	s0 =	sld [smem:$0x3F86];
	_ =	swait.ge [sflag:s4], $0x0  }
0x19: {  	s7 =	sld [smem:$0x3F87]  }
0x1a: {  	s8 =	sadd.s32 $0xFFFFE003, lr  }
0x1b: {  	s9 =	sadd.s32 $0xFFFFFEF7, lr;
	s5 =	simm.s32 $0xFFFFFFFF;
	p2 =	slt.u32 s8, $0xFFFFF086  }
0x1c: {  	p1 =	slt.u32 s9, $0xF7A;
	s5 =	simm.s32 @!p2 $0x0  }
0x1d: {  	s5 =	simm.s32 @p1 $0x1;
	p0 =	seq.s32 s7, s2  }
0x1e: {  	s7 =	smul.u32 @!p0 $0xF7A, s2;
	p2 =	seq.s32 @!p0 s5, $0x0  }
0x1f: {  	s9 =	smul.u32 $0xF7A, s1;
	s8 =	simm.s32 @!p0 $0x1BF5;
	p2 =	por !p2, p0  }
0x20: {  	[sflag:s8] =	ssyncset.s32 @!p0 $0xFFFFF086;
	s6 =	sadd.s32 @!p0 s3, s7;
	s7 =	simm.s32 @!p0 $0x108  }
0x21: {  	s3 =	sadd.s32 s3, s9;
	s6 =	sadd.s32 @!p0 $0x88, s6;
	s7 =	simm.s32 @p2 $0x1082  }
0x22: {  	[simem:s7], [sflag:s8] =	dma.local @!p0 [hbm:s6], $0xF7A  }
0x23: {  	s9 =	sor.u32 $0xD0000000, s2;
	s6 =	simm.s32 $0x108;
	_ =	swait.ge @!p0 [sflag:s8], $0x0  }
0x24: {  	s3 =	sadd.s32 $0x88, s3;
	s6 =	simm.s32 @!p1 $0x1082;
	[sflag:s4] =	ssyncset.s32 $0xFFFFF086  }
0x25: {  	[simem:s6], [sflag:s4] =	dma.local [hbm:s3], $0xF7A  }
0x26: {  	[smem:$0x3F87] =	sst s1;
	(tag) =	ssettag s2;
	_ =	strace s9  }
0x27: {  	s1 =	sld [smem:$0x3F97]  }
0x28: {  	s2 =	sld [smem:$0x3F98]  }
0x29: {  	s4 =	sld [smem:$0x3F9A]  }
0x2a: {  	p0 =	seq.s32 s5, $0x0;
	s5 =	sld [smem:$0x3F9B]  }
0x2b: {  	s6 =	sld [smem:$0x3F9C]  }
0x2c: {  	s7 =	sld [smem:$0x3F9D]  }
0x2d: {  	s3 =	simm.s32 $0x108;
	s8 =	sld [smem:$0x3F9E]  }
0x2e: {  	s3 =	simm.s32 @!p0 $0x1082;
	s9 =	sld [smem:$0x3F9F]  }
0x2f: {  	lr =	sadd.s32 s0, s3;
	s0 =	sld [smem:$0x3F96]  }
0x30: {  	s3 =	sld [smem:$0x3F99]  }
0x31: {  	[smem:$0x3FA2] =	sst s10  }
0x32: {  	s10 =	sld [smem:$0x3FA0];
	_ =	sdelay $0x3  }
0x33: {  	p0 =	seq.s32 s10, $0x1;
	s10 =	sld [smem:$0x3FA2];
	_ =	sdelay $0x3  }
0x34: {  	[smem:$0x3FA2] =	sst s10  }
0x35: {  	s10 =	sld [smem:$0x3FA1];
	_ =	sdelay $0x3  }
0x36: {  	p1 =	seq.s32 s10, $0x1;
	s10 =	sld [smem:$0x3FA2];
	_ =	sdelay $0x3  }
0x37: {  	[smem:$0x3FA2] =	sst s10  }
0x38: {  	s10 =	sld [smem:$0x3FA3]  }
0x39: {  	_ = 	snop;
	(pc) =	sbr.ind lr, $3  }
0x3a: {  	_ = 	snop  }
0x3b: {  	_ = 	snop  }
0x3c: {  	p2 =	seq.s32 s10, $0x1;
	s10 =	sld [smem:$0x3FA2]  }
0x3d: {  	_ =	shalt  }
0x3e: {  	_ =	shalt  }
0x3f: {  	_ =	shalt  }
0x40: {  	_ =	shalt  }
0x41: {  	_ =	shalt  }
0x42: {  	_ =	shalt  }
0x43: {  	_ =	shalt  }
0x44: {  	_ =	shalt  }
0x45: {  	_ =	shalt  }
0x46: {  	_ =	shalt  }
0x47: {  	_ =	shalt  }
0x48: {  	_ =	shalt  }
0x49: {  	_ =	shalt  }
0x4a: {  	_ =	shalt  }
0x4b: {  	_ =	shalt  }
0x4c: {  	_ =	shalt  }
0x4d: {  	_ =	shalt  }
0x4e: {  	_ =	shalt  }
0x4f: {  	_ =	shalt  }
0x50: {  	_ =	shalt  }
0x51: {  	_ =	shalt  }
0x52: {  	_ =	shalt  }
0x53: {  	_ =	shalt  }
0x54: {  	_ =	shalt  }
0x55: {  	_ =	shalt  }
0x56: {  	_ =	shalt  }
0x57: {  	_ =	shalt  }
0x58: {  	_ =	shalt  }
0x59: {  	_ =	shalt  }
0x5a: {  	_ =	shalt  }
0x5b: {  	_ =	shalt  }
0x5c: {  	_ =	shalt  }
0x5d: {  	_ =	shalt  }
0x5e: {  	_ =	shalt  }
0x5f: {  	_ =	shalt  }
0x60: {  	_ =	shalt  }
0x61: {  	_ =	shalt  }
0x62: {  	_ =	shalt  }
0x63: {  	_ =	shalt  }
0x64: {  	_ =	shalt  }
0x65: {  	_ =	shalt  }
0x66: {  	_ =	shalt  }
0x67: {  	_ =	shalt  }
0x68: {  	_ =	shalt  }
0x69: {  	_ =	shalt  }
0x6a: {  	_ =	shalt  }
0x6b: {  	_ =	shalt  }
0x6c: {  	_ =	shalt  }
0x6d: {  	_ =	shalt  }
0x6e: {  	_ =	shalt  }
0x6f: {  	_ =	shalt  }
0x70: {  	_ =	shalt  }
0x71: {  	_ =	shalt  }
0x72: {  	_ =	shalt  }
0x73: {  	_ =	shalt  }
0x74: {  	_ =	shalt  }
0x75: {  	_ =	shalt  }
0x76: {  	_ =	shalt  }
0x77: {  	_ =	shalt  }
0x78: {  	_ =	shalt  }
0x79: {  	_ =	shalt  }
0x7a: {  	_ =	shalt  }
0x7b: {  	_ =	shalt  }
0x7c: {  	_ =	shalt  }
0x7d: {  	_ =	shalt  }
0x7e: {  	_ =	shalt  }
0x7f: {  	_ =	shalt  }
0x80: {  	_ =	shalt  }
0x81: {  	_ =	shalt  }
0x82: {  	_ =	shalt  }
0x83: {  	_ =	shalt  }
0x84: {  	_ =	shalt  }
0x85: {  	_ =	shalt  }
0x86: {  	_ =	shalt  }
0x87: {  	_ =	shalt  }
.Lfunc_end0:
.L_simem_size_0:
called_computation.5_lowered:
.L_overlay_start_0:
0x88: {  	s2 =	sld [smem:$0x3FD9]  }
0x89: {  	s3 =	sld [smem:$0x3FFE];
	_ =	sdelay $0x1  }
0x8a: {  	s1 =	srdreg.scid  }
0x8b: {  	s0 =	sand.u32 $0x1, s1  }
0x8c: {  	s16 =	sshll.u32 s0, $0xA;
	s2 =	sadd.s32 s3, s2  }
0x8d: {  	s2 =	sadd.s32 s2, s16  }
0x8e: {  	[smem:$0x3FAE] =	sst s2  }
0x8f: {  	_ = 	snop  }
0x90: {  	(tm) =	ssettm $0x1  }
0x91: {  	s17 =	sld [smem:$0x3FFB];
	_ =	sdelay $0x3  }
0x92: {  	_ =	strace s17  }
0x93: {  	s2 =	sld [smem:$0x3FFC];
	_ =	sdelay $0x3  }
0x94: {  	_ =	strace s2  }
0x95: {  	s2 =	sld [smem:$0x3FFD];
	_ =	sdelay $0x3  }
0x96: {  	_ =	strace s2  }
0x97: {  	_ =	strace $0x8FFFFFFF  }
0x98: {  	s18 =	sld [smem:$0x3FDB];
	_ =	sdelay $0x1  }
0x99: {  	s19 =	simm.s32 $_scs_section_size  }
0x9a: {  	s4 =	simm.s32 $_size__tile_overlayer_lowered;
	s5 =	simm.s32 $_tile_overlayer_lowered  }
0x9b: {  	s22 =	simm.s32 $0x1BFF;
	s21 =	sshll.u32 s5, $0x1;
	s2 =	sadd.s32 s19, s18  }
0x9c: {  	s6 =	simm.s32 $0x0;
	s20 =	sshll.u32 s4, $0x1;
	s4 =	sadd.s32 s21, s2  }
0x9d: {  	[timem:s6], [sflag:s22] =	dma.local [hbm:s4], s20  }
0x9e: {  	_ =	swait.ge [sflag:s22], s20  }
0x9f: {  	s3 =	ssub.s32 $0x0, s20;
	[sflag:s22] =	ssyncset.done $0x0  }
0xa0: {  	[sflag:s22] =	ssyncadd.s32 s3;
	_ =	sdelay $0x1  }
0xa1: {  	s23 =	simm.s32 $0x1B8B  }
0xa2: {  	_ =	swait.ge [sflag:s23], $0x1  }
0xa3: {  	[sflag:s23] =	ssyncset.done $0x0  }
0xa4: {  	s25 =	simm.s32 $0x1B8E;
	s24 =	sld [smem:$0x3FFE];
	[sflag:s23] =	ssyncadd.s32 $0xFFFFFFFF  }
0xa5: {  	s26 =	simm.s32 $execute0_lowered;
	[smem:$0x3FD2] =	sst s25  }
0xa6: {  	s4 =	sshll.u32 s26, $0x1;
	_ =	strace $0x80000055;
	[dreg:$0x1] =	wrdreg $0xFFFFFFFF  }
0xa7: {  	s28 =	simm.s32 $_size_execute0_lowered;
	s2 =	sadd.s32 s2, s4;
	[dreg:$0x0] =	wrdreg $0x0  }
0xa8: {  	s4 =	sshll.u32 s28, $0x1;
	[dreg:$0x2] =	wrdreg s2  }
0xa9: {  	[dreg:$0x3] =	wrdreg s4  }
0xaa: {  	[dreg:$0x4] =	wrdreg $0xC0  }
0xab: {  	_ =	task [dreg:s6], $0x5FFFF  }
0xac: {  	[dreg:$0x1] =	wrdreg $0xFFFFFFFF  }
0xad: {  	[dreg:$0x0] =	wrdreg $0x60  }
0xae: {  	[dreg:$0x2] =	wrdreg s24  }
0xaf: {  	[dreg:$0x3] =	wrdreg $0x28800  }
0xb0: {  	[dreg:$0x4] =	wrdreg $0x77900  }
0xb1: {  	[dreg:$0x5] =	wrdreg $0x9  }
0xb2: {  	_ =	task.clear_ibuf [dreg:s6], $0x6FFFF;
	_ =	strace $0x90000055  }
0xb3: {  	s29 =	simm.s32 $0x9;
	_ =	strace $0x80000057  }
0xb4: {  	_ =	swait.ge [sflag:s29], $0x1  }
0xb5: {  	[sflag:s29] =	ssyncadd.s32 $0xFFFFFFFF  }
0xb6: {  	_ =	strace $0x90000057  }
0xb7: {  	_ =	sfence  }
0xb8: {  	s30 =	sld [smem:$0x0];
	_ =	sdelay $0x2  }
0xb9: {  	s31 =	sshll.u32 s1, $0xD;
	s1 =	sshrl.u32 s1, $0x2  }
0xba: {  	s3 =	sand.u32 $0x4000, s31;
	s1 =	sadd.s32 s1, s30  }
0xbb: {  	s0 =	sor.u32 s3, s0;
	s1 =	sshll.u32 s1, $0x11  }
0xbc: {  	s0 =	sor.u32 s1, s0  }
0xbd: {  	s0 =	sadd.s32 $0x8F2B, s0  }
0xbe: {  	[sflag:s0] =	ssyncadd.remote.s32 $0x1  }
0xbf: {  	_ =	sfence.sel $0xFFFF  }
0xc0: {  	[dreg:$0x0] =	wrdreg $0xFFFFFFFF;
	(pc) =	sbr.abs _section_cstart, $3  }
0xc1: {  	[dreg:$0x1] =	wrdreg $0xFFFFFFFF  }
0xc2: {  	_ =	task.clear_ibuf [dreg:s6], $0x2FFFF;
	_ =	strace $0x9FFFFFFF  }
0xc3: {  	(tm) =	ssettm $0x7FFFFFFF  }
tec
execute0_lowered:
.L_overlay_start_1:
0x0: {  	(tag) =	ssettag $0x1  }
0x1: {  	s6 =	rddreg [dreg:$0x0]  }
0x2: {  	s1 =	rddreg [dreg:$0x1]  }
0x3: {  	s2 =	rddreg [dreg:$0x2]  }
0x4: {  	s0 =	rddreg [dreg:$0x3]  }
0x5: {  	s10 =	stileid.u32;
	s3 =	simm.s32 $0x0;
	s5 =	srdreg.scid  }
0x6: {  	s15 =	simm.s32 $0x1;
	s16 =	simm.s32 $0x80;
	s17 =	simm.s32 $0x50  }
0x7: {  	s18 =	simm.s32 $0x0;
	s4 =	smul.u32 $0xFA0, s10;
	[smem:$0x7FF] =	sst s3  }
0x8: {  	s7 =	sand.u32 $0x1, s5;
	s5 =	sadd.s32 $0x14A7A00, s6;
	s13 =	smul.u32 $0x4E200, s10  }
0x9: {  	p0 =	sne.s32 s10, $0x0;
	_ =	strace $0x80000056;
	s8 =	smul.u32 $0x27100, s7  }
0xa: {  	s9 =	ssub.s32 $0x2, s7;
	s14 =	smul.u32 $0x7D0, s7;
	s11 =	sadd.s32 s4, s6  }
0xb: {  	s4 =	sadd.s32 $0x1480800, s6;
	s30 =	sshrl.u32 s9, $0x1;
	s12 =	sadd.s32 s8, s6  }
0xc: {  	s31 =	ssub.s32 s9, s30;
	s11 =	sadd.s32 s14, s11;
	s14 =	simm.s32 $0x4F90  }
0xd: {  	s6 =	sadd.s32 $0x151CE00, s12;
	s7 =	sadd.s32 $0x14CEC00, s12;
	s8 =	smax.u32 s31, $0x1  }
0xe: {  	s12 =	sadd.s32 s13, s12;
	s11 =	sadd.s32 $0xF600, s11;
	s13 =	sshrl.u32 @!p0 s2, $0x3  }
0xf: {  	s9 =	sadd.s32 $0x539C00, s12;
	s10 =	sadd.s32 $0xA1BC00, s12;
	s12 =	sshrl.u32 @!p0 s1, $0x3  }
.LBB2_1:
0x10: {  	s19 =	simm.s32 @!p0 $0x1C01;
	s20 =	simm.s32 @!p0 $0x1  }
0x11: {  	[spmem:s12], [sflag:s19] =	dma.local @!p0 [hbm:s4], $0x27100  }
0x12: {  	_ =	swait.ge @!p0 [sflag:s20], $0x27100  }
0x13: {  	[sflag:s20] =	ssyncset.done @!p0 $0x0  }
0x14: {  	[sflag:s20] =	ssyncadd.s32 @!p0 $0xFFFD8F00  }
0x15: {  	[spmem:s13], [sflag:s19] =	dma.local @!p0 [hbm:s5], $0x27100  }
0x16: {  	_ =	swait.ge @!p0 [sflag:s20], $0x27100  }
0x17: {  	[sflag:s20] =	ssyncset.done @!p0 $0x0  }
0x18: {  	[sflag:s20] =	ssyncadd.s32 @!p0 $0xFFFD8F00  }
0x19: {  	s30 =	sadd.s32 $0x0, s9;
	[bflag:$0x0] =	sbarrier.arrive $0xFFFF  }
0x1a: {  	[tilespmem:s14], [sflag:$0x1] =	stream.linear.gather [hbm4b:s30+s3], $0x2800, $0x38;
	[tilespmem:$0x1B010] =	vst v63  }
0x1b: {  	_ =	swait.ge [sflag:s15], $0x2800  }
0x1c: {  	[sflag:s15] =	ssyncset.done $0x0  }
0x1d: {  	[sflag:s15] =	ssyncadd.s32 $0xFFFFD800  }
0x1e: {  	[tilespmem:s3], [sflag:$0x1] =	stream.linear.gather [hbm4b:s11+s3], $0x80, $0x38;
	[tilespmem:$0x1B010] =	vst v63  }
0x1f: {  	_ =	swait.ge [sflag:s15], $0x80  }
0x20: {  	[sflag:s15] =	ssyncset.done $0x0  }
0x21: {  	s31 =	sadd.s32 $0x0, s10;
	[sflag:s15] =	ssyncadd.s32 $0xFFFFFF80  }
0x22: {  	[tilespmem:s16], [sflag:$0x1] =	stream.linear.gather [hbm4b:s31+s3], $0x2800, $0x38;
	[tilespmem:$0x1B010] =	vst v63  }
0x23: {  	_ =	swait.ge [sflag:s15], $0x2800  }
0x24: {  	[sflag:s15] =	ssyncset.done $0x0  }
0x25: {  	[sflag:s15] =	ssyncadd.s32 $0xFFFFD800  }
0x26: {  	[spmem:s1] =	stream.indirect.scatter.add.f32 [tilespmem:s16], [sflag:$0x1], $0x10, s3, s17, $0xb8;
	[tilespmem:$0x1B010] =	vst v63  }
0x27: {  	_ =	swait.ge [sflag:s15], $0x500  }
0x28: {  	[sflag:s15] =	ssyncset.done $0x0  }
0x29: {  	[sflag:s15] =	ssyncadd.s32 $0xFFFFFB00  }
0x2a: {  	[spmem:s2] =	stream.indirect.scatter.add.f32 [tilespmem:s14], [sflag:$0x1], $0x80, s3, s17, $0xb8;
	[tilespmem:$0x1B010] =	vst v63  }
0x2b: {  	s21 =	simm.s32 $0xA00;
	_ =	swait.ge [sflag:s15], $0x2800  }
0x2c: {  	s19 =	simm.s32 $0x500;
	s20 =	sadd.s32 $0x10, s11;
	[sflag:s15] =	ssyncset.done $0x0  }
.LBB2_2:
0x2d: {  	s22 =	sadd.s32 s19, s9  }
0x2e: {  	[sflag:s15] =	ssyncadd.s32 $0xFFFFD800;
	s23 =	smov.u32 s21;
	s24 =	sadd.s32 $0x500, s21  }
0x2f: {  	[tilespmem:s14], [sflag:$0x1] =	stream.linear.gather [hbm4b:s22+s3], $0x2800, $0x38;
	[tilespmem:$0x1B010] =	vst v63  }
0x30: {  	p1 =	sne.s32 s21, $0x26C00;
	_ =	swait.ge [sflag:s15], $0x2800  }
0x31: {  	[sflag:s15] =	ssyncset.done $0x0  }
0x32: {  	[sflag:s15] =	ssyncadd.s32 $0xFFFFD800  }
0x33: {  	[tilespmem:s3], [sflag:$0x1] =	stream.linear.gather [hbm4b:s20+s3], $0x80, $0x38;
	[tilespmem:$0x1B010] =	vst v63  }
0x34: {  	_ =	swait.ge [sflag:s15], $0x80  }
0x35: {  	[sflag:s15] =	ssyncset.done $0x0  }
0x36: {  	s21 =	sadd.s32 s19, s10;
	s19 =	smov.u32 s23;
	[sflag:s15] =	ssyncadd.s32 $0xFFFFFF80  }
0x37: {  	[tilespmem:s16], [sflag:$0x1] =	stream.linear.gather [hbm4b:s21+s3], $0x2800, $0x38;
	[tilespmem:$0x1B010] =	vst v63  }
0x38: {  	_ =	swait.ge [sflag:s15], $0x2800  }
0x39: {  	[sflag:s15] =	ssyncset.done $0x0  }
0x3a: {  	[sflag:s15] =	ssyncadd.s32 $0xFFFFD800  }
0x3b: {  	[spmem:s1] =	stream.indirect.scatter.add.f32 [tilespmem:s16], [sflag:$0x1], $0x10, s3, s17, $0xb8;
	[tilespmem:$0x1B010] =	vst v63  }
0x3c: {  	_ =	swait.ge [sflag:s15], $0x500  }
.Ltmp0:
0x3d: {  	[sflag:s15] =	ssyncset.done $0x0;
	(pc) =	sbr.rel @p1 .LBB2_2-.Ltmp0, $4  }
0x3e: {  	[sflag:s15] =	ssyncadd.s32 $0xFFFFFB00  }
0x3f: {  	[spmem:s2] =	stream.indirect.scatter.add.f32 [tilespmem:s14], [sflag:$0x1], $0x80, s3, s17, $0xb8;
	[tilespmem:$0x1B010] =	vst v63  }
0x40: {  	_ =	swait.ge [sflag:s15], $0x2800  }
0x41: {  	s20 =	sadd.s32 $0x10, s20;
	s21 =	smov.u32 s24;
	[sflag:s15] =	ssyncset.done $0x0  }
0x42: {  	s21 =	sadd.s32 s19, s9;
	[sflag:s15] =	ssyncadd.s32 $0xFFFFD800  }
0x43: {  	[tilespmem:s14], [sflag:$0x1] =	stream.linear.gather [hbm4b:s21+s3], $0x2800, $0x38;
	[tilespmem:$0x1B010] =	vst v63  }
0x44: {  	_ =	swait.ge [sflag:s15], $0x2800  }
0x45: {  	[sflag:s15] =	ssyncset.done $0x0  }
0x46: {  	[sflag:s15] =	ssyncadd.s32 $0xFFFFD800  }
0x47: {  	[tilespmem:s3], [sflag:$0x1] =	stream.linear.gather [hbm4b:s20+s3], $0x80, $0x38;
	[tilespmem:$0x1B010] =	vst v63  }
0x48: {  	_ =	swait.ge [sflag:s15], $0x80  }
0x49: {  	[sflag:s15] =	ssyncset.done $0x0  }
0x4a: {  	s31 =	sadd.s32 s19, s10;
	[sflag:s15] =	ssyncadd.s32 $0xFFFFFF80  }
0x4b: {  	[tilespmem:s16], [sflag:$0x1] =	stream.linear.gather [hbm4b:s31+s3], $0x2800, $0x38;
	[tilespmem:$0x1B010] =	vst v63  }
0x4c: {  	_ =	swait.ge [sflag:s15], $0x2800  }
0x4d: {  	[sflag:s15] =	ssyncset.done $0x0  }
0x4e: {  	[sflag:s15] =	ssyncadd.s32 $0xFFFFD800  }
0x4f: {  	[spmem:s1] =	stream.indirect.scatter.add.f32 [tilespmem:s16], [sflag:$0x1], $0x10, s3, s17, $0xb8;
	[tilespmem:$0x1B010] =	vst v63  }
0x50: {  	_ =	swait.ge [sflag:s15], $0x500  }
0x51: {  	[sflag:s15] =	ssyncset.done $0x0  }
0x52: {  	[sflag:s15] =	ssyncadd.s32 $0xFFFFFB00  }
0x53: {  	[spmem:s2] =	stream.indirect.scatter.add.f32 [tilespmem:s14], [sflag:$0x1], $0x80, s3, s17, $0xb8;
	[tilespmem:$0x1B010] =	vst v63  }
0x54: {  	_ =	swait.ge [sflag:s15], $0x2800  }
0x55: {  	[sflag:s15] =	ssyncset.done $0x0  }
0x56: {  	[sflag:s15] =	ssyncadd.s32 $0xFFFFD800  }
0x57: {  	s19 =	simm.s32 @!p0 $0x1C01;
	s20 =	simm.s32 @!p0 $0x1;
	[bflag:$0x0] =	sbarrier.arrive $0xFFFF  }
0x58: {  	[hbm:s6], [sflag:s19] =	dma.local @!p0 [spmem:s12], $0x27100  }
0x59: {  	s18 =	sadd.s32 $0x1, s18;
	_ =	swait.ge @!p0 [sflag:s20], $0x27100  }
0x5a: {  	p1 =	sne.s32 s18, s8;
	[sflag:s20] =	ssyncset.done @!p0 $0x0  }
.Ltmp1:
0x5b: {  	[sflag:s20] =	ssyncadd.s32 @!p0 $0xFFFD8F00;
	(pc) =	sbr.rel @p1 .LBB2_1-.Ltmp1, $4  }
0x5c: {  	[hbm:s7], [sflag:s19] =	dma.local @!p0 [spmem:s13], $0x27100  }
0x5d: {  	_ =	swait.ge @!p0 [sflag:s20], $0x27100  }
0x5e: {  	[sflag:s20] =	ssyncset.done @!p0 $0x0  }
0x5f: {  	[sflag:s20] =	ssyncadd.s32 @!p0 $0xFFFD8F00  }
0x60: {  	_ =	sfence.sel $0x180000  }
0x61: {  	[bflag:$0x0] =	sbarrier.arrive $0xFFFF  }
0x62: {  	_ =	strace $0x90000056  }
0x63: {  	s0 =	sadd.s32 @!p0 $0x100000, s0;
	[bflag:$0x2] =	sbarrier.arrive $0xFFFF  }
0x64: {  	[sflag:s0] =	ssyncadd.tile.s32 @!p0 $0x1;
	_ =	shalt  }
.Lfunc_end2:
_tile_overlayer_lowered:
.L_overlay_start_2:
0x65: {  	(tag) =	ssettag $0x2  }
0x66: {  	s0 =	rddreg [dreg:$0x0];
	s2 =	stileid.u32  }
0x67: {  	s1 =	rddreg [dreg:$0x1];
	p0 =	sne.s32 s2, $0x0  }
0x68: {  	s3 =	rddreg [dreg:$0x2];
	[bflag:$0x3] =	sbarrier.arrive $0xFFFF;
	s2 =	simm.s32 @!p0 $0x1C01  }
0x69: {  	[timem:s3], [sflag:s2] =	dma.local @!p0 [hbm:s0], s1  }
0x6a: {  	s0 =	simm.s32 @!p0 $0x1  }
0x6b: {  	_ =	swait.ge @!p0 [sflag:s0], s1  }
0x6c: {  	s1 =	ssub.s32 @!p0 $0x0, s1;
	[sflag:s0] =	ssyncset.done @!p0 $0x0  }
0x6d: {  	[sflag:s0] =	ssyncadd.s32 @!p0 s1  }
0x6e: {  	[bflag:$0x3] =	sbarrier.arrive $0xFFFF  }
0x6f: {  	_ =	shalt  }

// kernel: kernel.32.cloned.1.call-start
scs
__scs_entry_jumppad:
0x0: {  	(pc) =	sbr.rel $0x88, $3  }
0x1: {  	(tag) =	ssettag $0x0;
	lr =	simm.s32 $0x1  }
0x2: {  	[smem:$0x3F87] =	sst lr;
	_ =	strace $0xD0000000  }
0x3: {  	_ = 	snop  }
0x4: {  	_ = 	snop  }
0x5: {  	_ = 	snop  }
0x6: {  	_ = 	snop  }
0x7: {  	_ = 	snop  }
__scs_overlays_trampoline_lowered:
0x8: {  	[smem:$0x3F96] =	sst s0  }
0x9: {  	[smem:$0x3F97] =	sst s1  }
0xa: {  	[smem:$0x3F98] =	sst s2  }
0xb: {  	[smem:$0x3F99] =	sst s3  }
0xc: {  	[smem:$0x3F9A] =	sst s4  }
0xd: {  	[smem:$0x3F9B] =	sst s5  }
0xe: {  	[smem:$0x3F9C] =	sst s6  }
0xf: {  	[smem:$0x3F9D] =	sst s7  }
0x10: {  	[smem:$0x3F9E] =	sst s8  }
0x11: {  	[smem:$0x3F9F] =	sst s9;
	s0 =	simm.s32 @!p0 $0x0  }
0x12: {  	s1 =	sld [smem:$0x3F85];
	s0 =	simm.s32 @p0 $0x1  }
0x13: {  	[smem:$0x3FA0] =	sst s0;
	s0 =	simm.s32 @!p1 $0x0  }
0x14: {  	s2 =	sld [smem:$0x3F84];
	s0 =	simm.s32 @p1 $0x1  }
0x15: {  	[smem:$0x3FA1] =	sst s0;
	s0 =	simm.s32 @!p2 $0x0  }
0x16: {  	s3 =	sld [smem:$0x3FDB];
	s0 =	simm.s32 @p2 $0x1  }
0x17: {  	s4 =	simm.s32 $0x1BF5;
	[smem:$0x3FA3] =	sst s0  }
0x18: {  	s0 =	sld [smem:$0x3F86];
	_ =	swait.ge [sflag:s4], $0x0  }
0x19: {  	s7 =	sld [smem:$0x3F87]  }
0x1a: {  	s8 =	sadd.s32 $0xFFFFE003, lr  }
0x1b: {  	s9 =	sadd.s32 $0xFFFFFEF7, lr;
	s5 =	simm.s32 $0xFFFFFFFF;
	p2 =	slt.u32 s8, $0xFFFFF086  }
0x1c: {  	p1 =	slt.u32 s9, $0xF7A;
	s5 =	simm.s32 @!p2 $0x0  }
0x1d: {  	s5 =	simm.s32 @p1 $0x1;
	p0 =	seq.s32 s7, s2  }
0x1e: {  	s7 =	smul.u32 @!p0 $0xF7A, s2;
	p2 =	seq.s32 @!p0 s5, $0x0  }
0x1f: {  	s9 =	smul.u32 $0xF7A, s1;
	s8 =	simm.s32 @!p0 $0x1BF5;
	p2 =	por !p2, p0  }
0x20: {  	[sflag:s8] =	ssyncset.s32 @!p0 $0xFFFFF086;
	s6 =	sadd.s32 @!p0 s3, s7;
	s7 =	simm.s32 @!p0 $0x108  }
0x21: {  	s3 =	sadd.s32 s3, s9;
	s6 =	sadd.s32 @!p0 $0x88, s6;
	s7 =	simm.s32 @p2 $0x1082  }
0x22: {  	[simem:s7], [sflag:s8] =	dma.local @!p0 [hbm:s6], $0xF7A  }
0x23: {  	s9 =	sor.u32 $0xD0000000, s2;
	s6 =	simm.s32 $0x108;
	_ =	swait.ge @!p0 [sflag:s8], $0x0  }
0x24: {  	s3 =	sadd.s32 $0x88, s3;
	s6 =	simm.s32 @!p1 $0x1082;
	[sflag:s4] =	ssyncset.s32 $0xFFFFF086  }
0x25: {  	[simem:s6], [sflag:s4] =	dma.local [hbm:s3], $0xF7A  }
0x26: {  	[smem:$0x3F87] =	sst s1;
	(tag) =	ssettag s2;
	_ =	strace s9  }
0x27: {  	s1 =	sld [smem:$0x3F97]  }
0x28: {  	s2 =	sld [smem:$0x3F98]  }
0x29: {  	s4 =	sld [smem:$0x3F9A]  }
0x2a: {  	p0 =	seq.s32 s5, $0x0;
	s5 =	sld [smem:$0x3F9B]  }
0x2b: {  	s6 =	sld [smem:$0x3F9C]  }
0x2c: {  	s7 =	sld [smem:$0x3F9D]  }
0x2d: {  	s3 =	simm.s32 $0x108;
	s8 =	sld [smem:$0x3F9E]  }
0x2e: {  	s3 =	simm.s32 @!p0 $0x1082;
	s9 =	sld [smem:$0x3F9F]  }
0x2f: {  	lr =	sadd.s32 s0, s3;
	s0 =	sld [smem:$0x3F96]  }
0x30: {  	s3 =	sld [smem:$0x3F99]  }
0x31: {  	[smem:$0x3FA2] =	sst s10  }
0x32: {  	s10 =	sld [smem:$0x3FA0];
	_ =	sdelay $0x3  }
0x33: {  	p0 =	seq.s32 s10, $0x1;
	s10 =	sld [smem:$0x3FA2];
	_ =	sdelay $0x3  }
0x34: {  	[smem:$0x3FA2] =	sst s10  }
0x35: {  	s10 =	sld [smem:$0x3FA1];
	_ =	sdelay $0x3  }
0x36: {  	p1 =	seq.s32 s10, $0x1;
	s10 =	sld [smem:$0x3FA2];
	_ =	sdelay $0x3  }
0x37: {  	[smem:$0x3FA2] =	sst s10  }
0x38: {  	s10 =	sld [smem:$0x3FA3]  }
0x39: {  	_ = 	snop;
	(pc) =	sbr.ind lr, $3  }
0x3a: {  	_ = 	snop  }
0x3b: {  	_ = 	snop  }
0x3c: {  	p2 =	seq.s32 s10, $0x1;
	s10 =	sld [smem:$0x3FA2]  }
0x3d: {  	_ =	shalt  }
0x3e: {  	_ =	shalt  }
0x3f: {  	_ =	shalt  }
0x40: {  	_ =	shalt  }
0x41: {  	_ =	shalt  }
0x42: {  	_ =	shalt  }
0x43: {  	_ =	shalt  }
0x44: {  	_ =	shalt  }
0x45: {  	_ =	shalt  }
0x46: {  	_ =	shalt  }
0x47: {  	_ =	shalt  }
0x48: {  	_ =	shalt  }
0x49: {  	_ =	shalt  }
0x4a: {  	_ =	shalt  }
0x4b: {  	_ =	shalt  }
0x4c: {  	_ =	shalt  }
0x4d: {  	_ =	shalt  }
0x4e: {  	_ =	shalt  }
0x4f: {  	_ =	shalt  }
0x50: {  	_ =	shalt  }
0x51: {  	_ =	shalt  }
0x52: {  	_ =	shalt  }
0x53: {  	_ =	shalt  }
0x54: {  	_ =	shalt  }
0x55: {  	_ =	shalt  }
0x56: {  	_ =	shalt  }
0x57: {  	_ =	shalt  }
0x58: {  	_ =	shalt  }
0x59: {  	_ =	shalt  }
0x5a: {  	_ =	shalt  }
0x5b: {  	_ =	shalt  }
0x5c: {  	_ =	shalt  }
0x5d: {  	_ =	shalt  }
0x5e: {  	_ =	shalt  }
0x5f: {  	_ =	shalt  }
0x60: {  	_ =	shalt  }
0x61: {  	_ =	shalt  }
0x62: {  	_ =	shalt  }
0x63: {  	_ =	shalt  }
0x64: {  	_ =	shalt  }
0x65: {  	_ =	shalt  }
0x66: {  	_ =	shalt  }
0x67: {  	_ =	shalt  }
0x68: {  	_ =	shalt  }
0x69: {  	_ =	shalt  }
0x6a: {  	_ =	shalt  }
0x6b: {  	_ =	shalt  }
0x6c: {  	_ =	shalt  }
0x6d: {  	_ =	shalt  }
0x6e: {  	_ =	shalt  }
0x6f: {  	_ =	shalt  }
0x70: {  	_ =	shalt  }
0x71: {  	_ =	shalt  }
0x72: {  	_ =	shalt  }
0x73: {  	_ =	shalt  }
0x74: {  	_ =	shalt  }
0x75: {  	_ =	shalt  }
0x76: {  	_ =	shalt  }
0x77: {  	_ =	shalt  }
0x78: {  	_ =	shalt  }
0x79: {  	_ =	shalt  }
0x7a: {  	_ =	shalt  }
0x7b: {  	_ =	shalt  }
0x7c: {  	_ =	shalt  }
0x7d: {  	_ =	shalt  }
0x7e: {  	_ =	shalt  }
0x7f: {  	_ =	shalt  }
0x80: {  	_ =	shalt  }
0x81: {  	_ =	shalt  }
0x82: {  	_ =	shalt  }
0x83: {  	_ =	shalt  }
0x84: {  	_ =	shalt  }
0x85: {  	_ =	shalt  }
0x86: {  	_ =	shalt  }
0x87: {  	_ =	shalt  }
.Lfunc_end0:
.L_simem_size_0:
called_computation.6_lowered:
.L_overlay_start_0:
0x88: {  	s2 =	sld [smem:$0x3FD9]  }
0x89: {  	s3 =	sld [smem:$0x3FFE];
	_ =	sdelay $0x1  }
0x8a: {  	s1 =	srdreg.scid  }
0x8b: {  	s0 =	sand.u32 $0x1, s1  }
0x8c: {  	s16 =	sshll.u32 s0, $0xA;
	s2 =	sadd.s32 s3, s2  }
0x8d: {  	s2 =	sadd.s32 s2, s16  }
0x8e: {  	[smem:$0x3FAE] =	sst s2  }
0x8f: {  	_ = 	snop  }
0x90: {  	(tm) =	ssettm $0x1  }
0x91: {  	s17 =	sld [smem:$0x3FFB];
	_ =	sdelay $0x3  }
0x92: {  	_ =	strace s17  }
0x93: {  	s2 =	sld [smem:$0x3FFC];
	_ =	sdelay $0x3  }
0x94: {  	_ =	strace s2  }
0x95: {  	s2 =	sld [smem:$0x3FFD];
	_ =	sdelay $0x3  }
0x96: {  	_ =	strace s2  }
0x97: {  	_ =	strace $0x8FFFFFFF  }
0x98: {  	s18 =	sld [smem:$0x3FDB];
	_ =	sdelay $0x1  }
0x99: {  	s19 =	simm.s32 $_scs_section_size  }
0x9a: {  	s4 =	simm.s32 $_size__tile_overlayer_lowered;
	s5 =	simm.s32 $_tile_overlayer_lowered  }
0x9b: {  	s22 =	simm.s32 $0x1BFF;
	s21 =	sshll.u32 s5, $0x1;
	s2 =	sadd.s32 s19, s18  }
0x9c: {  	s6 =	simm.s32 $0x0;
	s20 =	sshll.u32 s4, $0x1;
	s4 =	sadd.s32 s21, s2  }
0x9d: {  	[timem:s6], [sflag:s22] =	dma.local [hbm:s4], s20  }
0x9e: {  	_ =	swait.ge [sflag:s22], s20  }
0x9f: {  	s3 =	ssub.s32 $0x0, s20;
	[sflag:s22] =	ssyncset.done $0x0  }
0xa0: {  	[sflag:s22] =	ssyncadd.s32 s3;
	_ =	sdelay $0x1  }
0xa1: {  	s23 =	simm.s32 $0x1B8B  }
0xa2: {  	_ =	swait.ge [sflag:s23], $0x1  }
0xa3: {  	[sflag:s23] =	ssyncset.done $0x0  }
0xa4: {  	s25 =	simm.s32 $0x1B8E;
	s24 =	sld [smem:$0x3FFE];
	[sflag:s23] =	ssyncadd.s32 $0xFFFFFFFF  }
0xa5: {  	s26 =	simm.s32 $execute0_lowered;
	[smem:$0x3FD2] =	sst s25  }
0xa6: {  	s4 =	sshll.u32 s26, $0x1;
	_ =	strace $0x80000058;
	[dreg:$0x1] =	wrdreg $0xFFFFFFFF  }
0xa7: {  	s28 =	simm.s32 $_size_execute0_lowered;
	s2 =	sadd.s32 s2, s4;
	[dreg:$0x0] =	wrdreg $0x0  }
0xa8: {  	s4 =	sshll.u32 s28, $0x1;
	[dreg:$0x2] =	wrdreg s2  }
0xa9: {  	[dreg:$0x3] =	wrdreg s4  }
0xaa: {  	[dreg:$0x4] =	wrdreg $0xC0  }
0xab: {  	_ =	task [dreg:s6], $0x5FFFF  }
0xac: {  	[dreg:$0x1] =	wrdreg $0xFFFFFFFF  }
0xad: {  	[dreg:$0x0] =	wrdreg $0x60  }
0xae: {  	[dreg:$0x2] =	wrdreg s24  }
0xaf: {  	[dreg:$0x3] =	wrdreg $0x9  }
0xb0: {  	_ =	task.clear_ibuf [dreg:s6], $0x4FFFF;
	_ =	strace $0x90000058  }
0xb1: {  	s29 =	simm.s32 $0x9;
	_ =	strace $0x8000005A  }
0xb2: {  	_ =	swait.ge [sflag:s29], $0x1  }
0xb3: {  	[sflag:s29] =	ssyncadd.s32 $0xFFFFFFFF  }
0xb4: {  	_ =	strace $0x9000005A  }
0xb5: {  	_ =	sfence  }
0xb6: {  	s30 =	sld [smem:$0x0];
	_ =	sdelay $0x2  }
0xb7: {  	s31 =	sshll.u32 s1, $0xD;
	s1 =	sshrl.u32 s1, $0x2  }
0xb8: {  	s3 =	sand.u32 $0x4000, s31;
	s1 =	sadd.s32 s1, s30  }
0xb9: {  	s0 =	sor.u32 s3, s0;
	s1 =	sshll.u32 s1, $0x11  }
0xba: {  	s0 =	sor.u32 s1, s0  }
0xbb: {  	s0 =	sadd.s32 $0x8F2B, s0  }
0xbc: {  	[sflag:s0] =	ssyncadd.remote.s32 $0x1  }
0xbd: {  	_ =	sfence.sel $0xFFFF  }
0xbe: {  	[dreg:$0x0] =	wrdreg $0xFFFFFFFF;
	(pc) =	sbr.abs _section_cstart, $3  }
0xbf: {  	[dreg:$0x1] =	wrdreg $0xFFFFFFFF  }
0xc0: {  	_ =	task.clear_ibuf [dreg:s6], $0x2FFFF;
	_ =	strace $0x9FFFFFFF  }
0xc1: {  	(tm) =	ssettm $0x7FFFFFFF  }
tec
execute0_lowered:
.L_overlay_start_1:
0x0: {  	(tag) =	ssettag $0x1  }
0x1: {  	s5 =	rddreg [dreg:$0x0]  }
0x2: {  	s0 =	rddreg [dreg:$0x1]  }
0x3: {  	s2 =	simm.s32 $0x0;
	s1 =	stileid.u32;
	s3 =	srdreg.scid  }
0x4: {  	s14 =	simm.s32 $0x1100;
	s15 =	simm.s32 $0x1900;
	s16 =	simm.s32 $0x2100  }
0x5: {  	s17 =	simm.s32 $0x2900;
	s18 =	simm.s32 $0x3100;
	s19 =	simm.s32 $0x3900  }
0x6: {  	s20 =	simm.s32 $0x4100;
	s21 =	simm.s32 $0x4900;
	s22 =	simm.s32 $0x50  }
0x7: {  	s23 =	simm.s32 $0x5100;
	s24 =	simm.s32 $0x1;
	s6 =	smul.u32 $0xFA0, s1  }
0x8: {  	s25 =	simm.s32 $0x2;
	s26 =	simm.s32 $0x0;
	s7 =	smul.u32 $0x9C400, s1  }
0x9: {  	[smem:$0x7FF] =	sst s2;
	s8 =	smul.u32 $0x4E200, s1;
	s9 =	sand.u32 $0x1, s3  }
0xa: {  	s3 =	sadd.s32 $0x14A7A00, s5;
	s4 =	sadd.s32 $0x30800, s5;
	s11 =	smul.u32 $0x27100, s9  }
0xb: {  	_ =	strace $0x80000059;
	s10 =	ssub.s32 $0x2, s9;
	s13 =	smul.u32 $0x4E200, s9  }
0xc: {  	s9 =	smul.u32 $0x7D0, s9;
	s12 =	sshrl.u32 s10, $0x1;
	s6 =	sadd.s32 s6, s5  }
0xd: {  	s7 =	sadd.s32 s7, s5;
	s8 =	sadd.s32 s8, s5;
	s10 =	ssub.s32 s10, s12  }
0xe: {  	s8 =	sadd.s32 s11, s8;
	s7 =	sadd.s32 s13, s7;
	s9 =	sadd.s32 s9, s6  }
0xf: {  	v2 =	vlaneseq.u32;
	s11 =	simm.s32 $0x80;
	s12 =	simm.s32 $0x100;
	s13 =	simm.s32 $0x900  }
0x10: {  	vm0 =	vmmov $0xffff;
	v1 =	vshrl.u32 v2, $0x3;
	s5 =	smax.u32 s10, $0x1;
	s6 =	sadd.s32 $0x57A00, s8;
	s7 =	sadd.s32 $0x14F5C00, s7  }
0x11: {  	v0 =	vand.u32 $0x7, v2;
	v2 =	vor.u32 $0x8, v2;
	v1 =	vmul.u32 $0x8, v1;
	s8 =	sadd.s32 $0x1F000, s9;
	s9 =	sadd.s32 $0xF600, s9;
	s10 =	simm.s32 $0x3  }
.LBB2_1:
0x12: {  	s28 =	smov.u32 s7;
	s29 =	smov.u32 s6;
	s30 =	simm.s32 $0x0  }
.LBB2_2:
0x13: {  	s31 =	sadd.s32 s30, s8  }
0x14: {  	[tilespmem:s2], [sflag:$0x3] =	stream.linear.gather [hbm4b:s31+s2], $0x80, $0x38;
	[tilespmem:$0x7900] =	vst v63  }
0x15: {  	_ =	swait.ge [sflag:s10], $0x80  }
0x16: {  	[sflag:s10] =	ssyncset.done $0x0  }
0x17: {  	s31 =	sadd.s32 s30, s9;
	[sflag:s10] =	ssyncadd.s32 $0xFFFFFF80  }
0x18: {  	[tilespmem:s11], [sflag:$0x3] =	stream.linear.gather [hbm4b:s31+s2], $0x80, $0x38;
	[tilespmem:$0x7900] =	vst v63  }
0x19: {  	_ =	swait.ge [sflag:s10], $0x80  }
0x1a: {  	[sflag:s10] =	ssyncset.done $0x0  }
0x1b: {  	[sflag:s10] =	ssyncadd.s32 $0xFFFFFF80  }
0x1c: {  	v3 =	vld [tilespmem:$0x0];
	_ =	sdelay $0x4  }
0x1d: {  	v4 =	vshll.u32 v3, $0x1  }
0x1e: {  	v3 =	vand.u32 $0x7, v3;
	v4 =	vand.u32 $0xFFFFFFF0, v4  }
0x1f: {  	v3 =	vor.u32 v3, v4  }
0x20: {  	v4 =	vperm.xlane v3, v0;
	_ =	sdelay $0x1  }
0x21: {  	v3 =	vperm.xlane v3, v2;
	v4 =	vadd.s32 v1, v4;
	_ =	sdelay $0x1  }
0x22: {  	v3 =	vadd.s32 v1, v3;
	_ =	sdelay $0x2  }
0x23: {  	[tilespmem:s12], [sflag:$0x1] =	stream.indirect_vreg.gather [hbm4b:s3+s2], $0x80, v4, vm0, $0xb8;
	[tilespmem:$0x7900] =	vst v63  }
0x24: {  	_ = 	snop  }
0x25: {  	[tilespmem:s13], [sflag:$0x1] =	stream.indirect_vreg.gather [hbm4b:s3+s2], $0x80, v3, vm0, $0xb8;
	[tilespmem:$0x7900] =	vst v63  }
0x26: {  	v3 =	vld [tilespmem:$0x10];
	_ =	sdelay $0x4  }
0x27: {  	v60 =	vshll.u32 v3, $0x1  }
0x28: {  	v3 =	vand.u32 $0x7, v3;
	v4 =	vand.u32 $0xFFFFFFF0, v60  }
0x29: {  	v3 =	vor.u32 v3, v4  }
0x2a: {  	v4 =	vperm.xlane v3, v0;
	_ =	sdelay $0x1  }
0x2b: {  	v3 =	vperm.xlane v3, v2;
	v4 =	vadd.s32 v1, v4;
	_ =	sdelay $0x1  }
0x2c: {  	v3 =	vadd.s32 v1, v3;
	_ =	sdelay $0x2  }
0x2d: {  	[tilespmem:s14], [sflag:$0x1] =	stream.indirect_vreg.gather [hbm4b:s3+s2], $0x80, v4, vm0, $0xb8;
	[tilespmem:$0x7900] =	vst v63  }
0x2e: {  	_ = 	snop  }
0x2f: {  	[tilespmem:s15], [sflag:$0x1] =	stream.indirect_vreg.gather [hbm4b:s3+s2], $0x80, v3, vm0, $0xb8;
	[tilespmem:$0x7900] =	vst v63  }
0x30: {  	v3 =	vld [tilespmem:$0x20];
	_ =	sdelay $0x4  }
0x31: {  	v61 =	vshll.u32 v3, $0x1  }
0x32: {  	v3 =	vand.u32 $0x7, v3;
	v4 =	vand.u32 $0xFFFFFFF0, v61  }
0x33: {  	v3 =	vor.u32 v3, v4  }
0x34: {  	v4 =	vperm.xlane v3, v0;
	_ =	sdelay $0x1  }
0x35: {  	v3 =	vperm.xlane v3, v2;
	v4 =	vadd.s32 v1, v4;
	_ =	sdelay $0x1  }
0x36: {  	v3 =	vadd.s32 v1, v3;
	_ =	sdelay $0x2  }
0x37: {  	[tilespmem:s16], [sflag:$0x1] =	stream.indirect_vreg.gather [hbm4b:s3+s2], $0x80, v4, vm0, $0xb8;
	[tilespmem:$0x7900] =	vst v63  }
0x38: {  	_ = 	snop  }
0x39: {  	[tilespmem:s17], [sflag:$0x1] =	stream.indirect_vreg.gather [hbm4b:s3+s2], $0x80, v3, vm0, $0xb8;
	[tilespmem:$0x7900] =	vst v63  }
0x3a: {  	v3 =	vld [tilespmem:$0x30];
	_ =	sdelay $0x4  }
0x3b: {  	v62 =	vshll.u32 v3, $0x1  }
0x3c: {  	v3 =	vand.u32 $0x7, v3;
	v4 =	vand.u32 $0xFFFFFFF0, v62  }
0x3d: {  	v3 =	vor.u32 v3, v4  }
0x3e: {  	v4 =	vperm.xlane v3, v0;
	_ =	sdelay $0x1  }
0x3f: {  	v3 =	vperm.xlane v3, v2;
	v4 =	vadd.s32 v1, v4;
	_ =	sdelay $0x1  }
0x40: {  	v3 =	vadd.s32 v1, v3;
	_ =	sdelay $0x2  }
0x41: {  	[tilespmem:s18], [sflag:$0x1] =	stream.indirect_vreg.gather [hbm4b:s3+s2], $0x80, v4, vm0, $0xb8;
	[tilespmem:$0x7900] =	vst v63  }
0x42: {  	_ = 	snop  }
0x43: {  	[tilespmem:s19], [sflag:$0x1] =	stream.indirect_vreg.gather [hbm4b:s3+s2], $0x80, v3, vm0, $0xb8;
	[tilespmem:$0x7900] =	vst v63  }
0x44: {  	v3 =	vld [tilespmem:$0x40];
	_ =	sdelay $0x4  }
0x45: {  	v63 =	vshll.u32 v3, $0x1  }
0x46: {  	v3 =	vand.u32 $0x7, v3;
	v4 =	vand.u32 $0xFFFFFFF0, v63  }
0x47: {  	v3 =	vor.u32 v3, v4  }
0x48: {  	v4 =	vperm.xlane v3, v0;
	_ =	sdelay $0x1  }
0x49: {  	v3 =	vperm.xlane v3, v2;
	v4 =	vadd.s32 v1, v4;
	_ =	sdelay $0x1  }
0x4a: {  	v3 =	vadd.s32 v1, v3;
	_ =	sdelay $0x2  }
0x4b: {  	[tilespmem:s20], [sflag:$0x1] =	stream.indirect_vreg.gather [hbm4b:s3+s2], $0x80, v4, vm0, $0xb8;
	[tilespmem:$0x7900] =	vst v63  }
0x4c: {  	_ = 	snop  }
0x4d: {  	[tilespmem:s21], [sflag:$0x1] =	stream.indirect_vreg.gather [hbm4b:s3+s2], $0x80, v3, vm0, $0xb8;
	[tilespmem:$0x7900] =	vst v63  }
0x4e: {  	_ = 	snop  }
0x4f: {  	[tilespmem:s23], [sflag:$0x2] =	stream.indirect.gather [hbm4b:s4+s22], $0x80, s11, s22, $0xb8;
	[tilespmem:$0x7900] =	vst v63  }
0x50: {  	_ =	swait.ge [sflag:s24], $0x5000  }
0x51: {  	[sflag:s24] =	ssyncset.done $0x0  }
0x52: {  	[sflag:s24] =	ssyncadd.s32 $0xFFFFB000  }
0x53: {  	_ =	swait.ge [sflag:s25], $0x2800  }
0x54: {  	[sflag:s25] =	ssyncset.done $0x0  }
0x55: {  	[sflag:s25] =	ssyncadd.s32 $0xFFFFD800  }
0x56: {  	[hbm4b:s28+s2] =	stream.linear.scatter [tilespmem:s12], [sflag:$0x3], $0x5000, $0x38;
	[tilespmem:$0x7900] =	vst v63  }
0x57: {  	_ =	swait.ge [sflag:s10], $0x5000  }
0x58: {  	p0 =	sne.s32 s30, $0x7C0;
	[sflag:s10] =	ssyncset.done $0x0  }
.Ltmp0:
0x59: {  	[sflag:s10] =	ssyncadd.s32 $0xFFFFB000;
	(pc) =	sbr.rel @p0 .LBB2_2-.Ltmp0, $4  }
0x5a: {  	[hbm4b:s29+s2] =	stream.linear.scatter [tilespmem:s23], [sflag:$0x3], $0x2800, $0x38;
	[tilespmem:$0x7900] =	vst v63  }
0x5b: {  	_ =	swait.ge [sflag:s10], $0x2800  }
0x5c: {  	s30 =	sadd.s32 $0x10, s30;
	[sflag:s10] =	ssyncset.done $0x0  }
0x5d: {  	s28 =	sadd.s32 $0xA00, s28;
	s29 =	sadd.s32 $0x500, s29;
	[sflag:s10] =	ssyncadd.s32 $0xFFFFD800  }
0x5e: {  	s26 =	sadd.s32 $0x1, s26  }
0x5f: {  	p0 =	sne.s32 s26, s5  }
.Ltmp1:
0x60: {  	_ = 	snop;
	(pc) =	sbr.rel @p0 .LBB2_1-.Ltmp1, $1  }
0x61: {  	_ =	sdelay $0x3  }
0x62: {  	_ =	sfence.sel $0x180000  }
0x63: {  	[bflag:$0x0] =	sbarrier.arrive $0xFFFF  }
0x64: {  	p0 =	sne.s32 s1, $0x0;
	_ =	strace $0x90000059  }
0x65: {  	s0 =	sadd.s32 @!p0 $0x100000, s0;
	[bflag:$0x2] =	sbarrier.arrive $0xFFFF  }
0x66: {  	[sflag:s0] =	ssyncadd.tile.s32 @!p0 $0x1;
	_ =	shalt  }
.Lfunc_end2:
_tile_overlayer_lowered:
.L_overlay_start_2:
0x67: {  	(tag) =	ssettag $0x2  }
0x68: {  	s0 =	rddreg [dreg:$0x0];
	s2 =	stileid.u32  }
0x69: {  	s1 =	rddreg [dreg:$0x1];
	p0 =	sne.s32 s2, $0x0  }
0x6a: {  	s3 =	rddreg [dreg:$0x2];
	[bflag:$0x3] =	sbarrier.arrive $0xFFFF;
	s2 =	simm.s32 @!p0 $0x1C03  }
0x6b: {  	[timem:s3], [sflag:s2] =	dma.local @!p0 [hbm:s0], s1  }
0x6c: {  	s0 =	simm.s32 @!p0 $0x3  }
0x6d: {  	_ =	swait.ge @!p0 [sflag:s0], s1  }
0x6e: {  	s1 =	ssub.s32 @!p0 $0x0, s1;
	[sflag:s0] =	ssyncset.done @!p0 $0x0  }
0x6f: {  	[sflag:s0] =	ssyncadd.s32 @!p0 s1  }
0x70: {  	[bflag:$0x3] =	sbarrier.arrive $0xFFFF  }
0x71: {  	_ =	shalt  }

// kernel: kernel.35.cloned.1.call-start
scs
__scs_entry_jumppad:
0x0: {  	(pc) =	sbr.rel $0x88, $3  }
0x1: {  	(tag) =	ssettag $0x0;
	lr =	simm.s32 $0x1  }
0x2: {  	[smem:$0x3F87] =	sst lr;
	_ =	strace $0xD0000000  }
0x3: {  	_ = 	snop  }
0x4: {  	_ = 	snop  }
0x5: {  	_ = 	snop  }
0x6: {  	_ = 	snop  }
0x7: {  	_ = 	snop  }
__scs_overlays_trampoline_lowered:
0x8: {  	[smem:$0x3F96] =	sst s0  }
0x9: {  	[smem:$0x3F97] =	sst s1  }
0xa: {  	[smem:$0x3F98] =	sst s2  }
0xb: {  	[smem:$0x3F99] =	sst s3  }
0xc: {  	[smem:$0x3F9A] =	sst s4  }
0xd: {  	[smem:$0x3F9B] =	sst s5  }
0xe: {  	[smem:$0x3F9C] =	sst s6  }
0xf: {  	[smem:$0x3F9D] =	sst s7  }
0x10: {  	[smem:$0x3F9E] =	sst s8  }
0x11: {  	[smem:$0x3F9F] =	sst s9;
	s0 =	simm.s32 @!p0 $0x0  }
0x12: {  	s1 =	sld [smem:$0x3F85];
	s0 =	simm.s32 @p0 $0x1  }
0x13: {  	[smem:$0x3FA0] =	sst s0;
	s0 =	simm.s32 @!p1 $0x0  }
0x14: {  	s2 =	sld [smem:$0x3F84];
	s0 =	simm.s32 @p1 $0x1  }
0x15: {  	[smem:$0x3FA1] =	sst s0;
	s0 =	simm.s32 @!p2 $0x0  }
0x16: {  	s3 =	sld [smem:$0x3FDB];
	s0 =	simm.s32 @p2 $0x1  }
0x17: {  	s4 =	simm.s32 $0x1BF5;
	[smem:$0x3FA3] =	sst s0  }
0x18: {  	s0 =	sld [smem:$0x3F86];
	_ =	swait.ge [sflag:s4], $0x0  }
0x19: {  	s7 =	sld [smem:$0x3F87]  }
0x1a: {  	s8 =	sadd.s32 $0xFFFFE003, lr  }
0x1b: {  	s9 =	sadd.s32 $0xFFFFFEF7, lr;
	s5 =	simm.s32 $0xFFFFFFFF;
	p2 =	slt.u32 s8, $0xFFFFF086  }
0x1c: {  	p1 =	slt.u32 s9, $0xF7A;
	s5 =	simm.s32 @!p2 $0x0  }
0x1d: {  	s5 =	simm.s32 @p1 $0x1;
	p0 =	seq.s32 s7, s2  }
0x1e: {  	s7 =	smul.u32 @!p0 $0xF7A, s2;
	p2 =	seq.s32 @!p0 s5, $0x0  }
0x1f: {  	s9 =	smul.u32 $0xF7A, s1;
	s8 =	simm.s32 @!p0 $0x1BF5;
	p2 =	por !p2, p0  }
0x20: {  	[sflag:s8] =	ssyncset.s32 @!p0 $0xFFFFF086;
	s6 =	sadd.s32 @!p0 s3, s7;
	s7 =	simm.s32 @!p0 $0x108  }
0x21: {  	s3 =	sadd.s32 s3, s9;
	s6 =	sadd.s32 @!p0 $0x88, s6;
	s7 =	simm.s32 @p2 $0x1082  }
0x22: {  	[simem:s7], [sflag:s8] =	dma.local @!p0 [hbm:s6], $0xF7A  }
0x23: {  	s9 =	sor.u32 $0xD0000000, s2;
	s6 =	simm.s32 $0x108;
	_ =	swait.ge @!p0 [sflag:s8], $0x0  }
0x24: {  	s3 =	sadd.s32 $0x88, s3;
	s6 =	simm.s32 @!p1 $0x1082;
	[sflag:s4] =	ssyncset.s32 $0xFFFFF086  }
0x25: {  	[simem:s6], [sflag:s4] =	dma.local [hbm:s3], $0xF7A  }
0x26: {  	[smem:$0x3F87] =	sst s1;
	(tag) =	ssettag s2;
	_ =	strace s9  }
0x27: {  	s1 =	sld [smem:$0x3F97]  }
0x28: {  	s2 =	sld [smem:$0x3F98]  }
0x29: {  	s4 =	sld [smem:$0x3F9A]  }
0x2a: {  	p0 =	seq.s32 s5, $0x0;
	s5 =	sld [smem:$0x3F9B]  }
0x2b: {  	s6 =	sld [smem:$0x3F9C]  }
0x2c: {  	s7 =	sld [smem:$0x3F9D]  }
0x2d: {  	s3 =	simm.s32 $0x108;
	s8 =	sld [smem:$0x3F9E]  }
0x2e: {  	s3 =	simm.s32 @!p0 $0x1082;
	s9 =	sld [smem:$0x3F9F]  }
0x2f: {  	lr =	sadd.s32 s0, s3;
	s0 =	sld [smem:$0x3F96]  }
0x30: {  	s3 =	sld [smem:$0x3F99]  }
0x31: {  	[smem:$0x3FA2] =	sst s10  }
0x32: {  	s10 =	sld [smem:$0x3FA0];
	_ =	sdelay $0x3  }
0x33: {  	p0 =	seq.s32 s10, $0x1;
	s10 =	sld [smem:$0x3FA2];
	_ =	sdelay $0x3  }
0x34: {  	[smem:$0x3FA2] =	sst s10  }
0x35: {  	s10 =	sld [smem:$0x3FA1];
	_ =	sdelay $0x3  }
0x36: {  	p1 =	seq.s32 s10, $0x1;
	s10 =	sld [smem:$0x3FA2];
	_ =	sdelay $0x3  }
0x37: {  	[smem:$0x3FA2] =	sst s10  }
0x38: {  	s10 =	sld [smem:$0x3FA3]  }
0x39: {  	_ = 	snop;
	(pc) =	sbr.ind lr, $3  }
0x3a: {  	_ = 	snop  }
0x3b: {  	_ = 	snop  }
0x3c: {  	p2 =	seq.s32 s10, $0x1;
	s10 =	sld [smem:$0x3FA2]  }
0x3d: {  	_ =	shalt  }
0x3e: {  	_ =	shalt  }
0x3f: {  	_ =	shalt  }
0x40: {  	_ =	shalt  }
0x41: {  	_ =	shalt  }
0x42: {  	_ =	shalt  }
0x43: {  	_ =	shalt  }
0x44: {  	_ =	shalt  }
0x45: {  	_ =	shalt  }
0x46: {  	_ =	shalt  }
0x47: {  	_ =	shalt  }
0x48: {  	_ =	shalt  }
0x49: {  	_ =	shalt  }
0x4a: {  	_ =	shalt  }
0x4b: {  	_ =	shalt  }
0x4c: {  	_ =	shalt  }
0x4d: {  	_ =	shalt  }
0x4e: {  	_ =	shalt  }
0x4f: {  	_ =	shalt  }
0x50: {  	_ =	shalt  }
0x51: {  	_ =	shalt  }
0x52: {  	_ =	shalt  }
0x53: {  	_ =	shalt  }
0x54: {  	_ =	shalt  }
0x55: {  	_ =	shalt  }
0x56: {  	_ =	shalt  }
0x57: {  	_ =	shalt  }
0x58: {  	_ =	shalt  }
0x59: {  	_ =	shalt  }
0x5a: {  	_ =	shalt  }
0x5b: {  	_ =	shalt  }
0x5c: {  	_ =	shalt  }
0x5d: {  	_ =	shalt  }
0x5e: {  	_ =	shalt  }
0x5f: {  	_ =	shalt  }
0x60: {  	_ =	shalt  }
0x61: {  	_ =	shalt  }
0x62: {  	_ =	shalt  }
0x63: {  	_ =	shalt  }
0x64: {  	_ =	shalt  }
0x65: {  	_ =	shalt  }
0x66: {  	_ =	shalt  }
0x67: {  	_ =	shalt  }
0x68: {  	_ =	shalt  }
0x69: {  	_ =	shalt  }
0x6a: {  	_ =	shalt  }
0x6b: {  	_ =	shalt  }
0x6c: {  	_ =	shalt  }
0x6d: {  	_ =	shalt  }
0x6e: {  	_ =	shalt  }
0x6f: {  	_ =	shalt  }
0x70: {  	_ =	shalt  }
0x71: {  	_ =	shalt  }
0x72: {  	_ =	shalt  }
0x73: {  	_ =	shalt  }
0x74: {  	_ =	shalt  }
0x75: {  	_ =	shalt  }
0x76: {  	_ =	shalt  }
0x77: {  	_ =	shalt  }
0x78: {  	_ =	shalt  }
0x79: {  	_ =	shalt  }
0x7a: {  	_ =	shalt  }
0x7b: {  	_ =	shalt  }
0x7c: {  	_ =	shalt  }
0x7d: {  	_ =	shalt  }
0x7e: {  	_ =	shalt  }
0x7f: {  	_ =	shalt  }
0x80: {  	_ =	shalt  }
0x81: {  	_ =	shalt  }
0x82: {  	_ =	shalt  }
0x83: {  	_ =	shalt  }
0x84: {  	_ =	shalt  }
0x85: {  	_ =	shalt  }
0x86: {  	_ =	shalt  }
0x87: {  	_ =	shalt  }
.Lfunc_end0:
.L_simem_size_0:
called_computation.7_lowered:
.L_overlay_start_0:
0x88: {  	s2 =	sld [smem:$0x3FD9]  }
0x89: {  	s3 =	sld [smem:$0x3FFE];
	_ =	sdelay $0x1  }
0x8a: {  	s1 =	srdreg.scid  }
0x8b: {  	s0 =	sand.u32 $0x1, s1  }
0x8c: {  	s16 =	sshll.u32 s0, $0xA;
	s2 =	sadd.s32 s3, s2  }
0x8d: {  	s2 =	sadd.s32 s2, s16  }
0x8e: {  	[smem:$0x3FAE] =	sst s2  }
0x8f: {  	_ = 	snop  }
0x90: {  	(tm) =	ssettm $0x1  }
0x91: {  	s17 =	sld [smem:$0x3FFB];
	_ =	sdelay $0x3  }
0x92: {  	_ =	strace s17  }
0x93: {  	s2 =	sld [smem:$0x3FFC];
	_ =	sdelay $0x3  }
0x94: {  	_ =	strace s2  }
0x95: {  	s2 =	sld [smem:$0x3FFD];
	_ =	sdelay $0x3  }
0x96: {  	_ =	strace s2  }
0x97: {  	_ =	strace $0x8FFFFFFF  }
0x98: {  	s18 =	sld [smem:$0x3FDB];
	_ =	sdelay $0x1  }
0x99: {  	s19 =	simm.s32 $_scs_section_size  }
0x9a: {  	s4 =	simm.s32 $_size__tile_overlayer_lowered;
	s5 =	simm.s32 $_tile_overlayer_lowered  }
0x9b: {  	s22 =	simm.s32 $0x1BFF;
	s21 =	sshll.u32 s5, $0x1;
	s2 =	sadd.s32 s19, s18  }
0x9c: {  	s6 =	simm.s32 $0x0;
	s20 =	sshll.u32 s4, $0x1;
	s4 =	sadd.s32 s21, s2  }
0x9d: {  	[timem:s6], [sflag:s22] =	dma.local [hbm:s4], s20  }
0x9e: {  	_ =	swait.ge [sflag:s22], s20  }
0x9f: {  	s3 =	ssub.s32 $0x0, s20;
	[sflag:s22] =	ssyncset.done $0x0  }
0xa0: {  	[sflag:s22] =	ssyncadd.s32 s3;
	_ =	sdelay $0x1  }
0xa1: {  	s23 =	simm.s32 $0x1B8B  }
0xa2: {  	_ =	swait.ge [sflag:s23], $0x1  }
0xa3: {  	[sflag:s23] =	ssyncset.done $0x0  }
0xa4: {  	s25 =	simm.s32 $0x1B8E;
	s24 =	sld [smem:$0x3FFE];
	[sflag:s23] =	ssyncadd.s32 $0xFFFFFFFF  }
0xa5: {  	s26 =	simm.s32 $execute0_lowered;
	[smem:$0x3FD2] =	sst s25  }
0xa6: {  	s4 =	sshll.u32 s26, $0x1;
	_ =	strace $0x8000005B;
	[dreg:$0x1] =	wrdreg $0xFFFFFFFF  }
0xa7: {  	s28 =	simm.s32 $_size_execute0_lowered;
	s2 =	sadd.s32 s2, s4;
	[dreg:$0x0] =	wrdreg $0x0  }
0xa8: {  	s4 =	sshll.u32 s28, $0x1;
	[dreg:$0x2] =	wrdreg s2  }
0xa9: {  	[dreg:$0x3] =	wrdreg s4  }
0xaa: {  	[dreg:$0x4] =	wrdreg $0xC0  }
0xab: {  	_ =	task [dreg:s6], $0x5FFFF  }
0xac: {  	[dreg:$0x1] =	wrdreg $0xFFFFFFFF  }
0xad: {  	[dreg:$0x0] =	wrdreg $0x60  }
0xae: {  	[dreg:$0x2] =	wrdreg s24  }
0xaf: {  	[dreg:$0x3] =	wrdreg $0x28800  }
0xb0: {  	[dreg:$0x4] =	wrdreg $0x9  }
0xb1: {  	_ =	task.clear_ibuf [dreg:s6], $0x5FFFF;
	_ =	strace $0x9000005B  }
0xb2: {  	s29 =	simm.s32 $0x9;
	_ =	strace $0x8000005D  }
0xb3: {  	_ =	swait.ge [sflag:s29], $0x1  }
0xb4: {  	[sflag:s29] =	ssyncadd.s32 $0xFFFFFFFF  }
0xb5: {  	_ =	strace $0x9000005D  }
0xb6: {  	_ =	sfence  }
0xb7: {  	s30 =	sld [smem:$0x0];
	_ =	sdelay $0x2  }
0xb8: {  	s31 =	sshll.u32 s1, $0xD;
	s1 =	sshrl.u32 s1, $0x2  }
0xb9: {  	s3 =	sand.u32 $0x4000, s31;
	s1 =	sadd.s32 s1, s30  }
0xba: {  	s0 =	sor.u32 s3, s0;
	s1 =	sshll.u32 s1, $0x11  }
0xbb: {  	s0 =	sor.u32 s1, s0  }
0xbc: {  	s0 =	sadd.s32 $0x8F2B, s0  }
0xbd: {  	[sflag:s0] =	ssyncadd.remote.s32 $0x1  }
0xbe: {  	_ =	sfence.sel $0xFFFF  }
0xbf: {  	[dreg:$0x0] =	wrdreg $0xFFFFFFFF;
	(pc) =	sbr.abs _section_cstart, $3  }
0xc0: {  	[dreg:$0x1] =	wrdreg $0xFFFFFFFF  }
0xc1: {  	_ =	task.clear_ibuf [dreg:s6], $0x2FFFF;
	_ =	strace $0x9FFFFFFF  }
0xc2: {  	(tm) =	ssettm $0x7FFFFFFF  }
0xc3: {  	_ =	shalt  }
tec
execute0_lowered:
.L_overlay_start_1:
0x0: {  	(tag) =	ssettag $0x1  }
0x1: {  	s4 =	rddreg [dreg:$0x0]  }
0x2: {  	s1 =	rddreg [dreg:$0x1]  }
0x3: {  	s0 =	rddreg [dreg:$0x2];
	s7 =	stileid.u32  }
0x4: {  	s2 =	simm.s32 $0x0;
	s5 =	srdreg.scid;
	s3 =	smul.u32 $0xFA0, s7  }
0x5: {  	s12 =	simm.s32 $0x0;
	s5 =	sand.u32 $0x1, s5;
	s11 =	smul.u32 $0x4E200, s7  }
0x6: {  	[smem:$0x7FF] =	sst s2;
	p0 =	sne.s32 s7, $0x0;
	s6 =	smul.u32 $0x27100, s5  }
0x7: {  	_ =	strace $0x8000005C;
	s9 =	ssub.s32 $0x2, s5;
	s31 =	smul.u32 $0x7D0, s5  }
0x8: {  	s8 =	sadd.s32 s3, s4;
	s3 =	sadd.s32 $0x1480800, s4;
	s10 =	sshrl.u32 s9, $0x1  }
0x9: {  	s6 =	sadd.s32 s6, s4;
	s9 =	ssub.s32 s9, s10;
	s8 =	sadd.s32 s31, s8  }
0xa: {  	s10 =	simm.s32 $0x80;
	s4 =	sadd.s32 $0x1F000, s6;
	s5 =	smax.u32 s9, $0x1  }
0xb: {  	s6 =	sadd.s32 s11, s6;
	s7 =	sadd.s32 $0xF600, s8;
	s8 =	sshrl.u32 @!p0 s1, $0x3  }
0xc: {  	s9 =	simm.s32 $0x1;
	s11 =	simm.s32 $0x50;
	s6 =	sadd.s32 $0x539A00, s6  }
.LBB2_1:
0xd: {  	s13 =	simm.s32 @!p0 $0x1C01  }
0xe: {  	[spmem:s8], [sflag:s13] =	dma.local @!p0 [hbm:s3], $0x27100  }
0xf: {  	s13 =	simm.s32 @!p0 $0x1  }
0x10: {  	_ =	swait.ge @!p0 [sflag:s13], $0x27100  }
0x11: {  	[sflag:s13] =	ssyncset.done @!p0 $0x0  }
0x12: {  	[sflag:s13] =	ssyncadd.s32 @!p0 $0xFFFD8F00  }
0x13: {  	s31 =	sadd.s32 $0x0, s7;
	[bflag:$0x0] =	sbarrier.arrive $0xFFFF  }
0x14: {  	[tilespmem:s2], [sflag:$0x1] =	stream.linear.gather [hbm4b:s31+s2], $0x80, $0x38;
	[tilespmem:$0x4F90] =	vst v63  }
0x15: {  	_ =	swait.ge [sflag:s9], $0x80  }
0x16: {  	[sflag:s9] =	ssyncset.done $0x0  }
0x17: {  	[sflag:s9] =	ssyncadd.s32 $0xFFFFFF80  }
0x18: {  	[tilespmem:s10], [sflag:$0x1] =	stream.linear.gather [hbm4b:s6+s2], $0x2800, $0x38;
	[tilespmem:$0x4F90] =	vst v63  }
0x19: {  	_ =	swait.ge [sflag:s9], $0x2800  }
0x1a: {  	[sflag:s9] =	ssyncset.done $0x0  }
0x1b: {  	[sflag:s9] =	ssyncadd.s32 $0xFFFFD800  }
0x1c: {  	[spmem:s1] =	stream.indirect.scatter.add.f32 [tilespmem:s10], [sflag:$0x1], $0x10, s2, s11, $0xb8;
	[tilespmem:$0x4F90] =	vst v63  }
0x1d: {  	s14 =	simm.s32 $0x10;
	_ =	swait.ge [sflag:s9], $0x500  }
0x1e: {  	s15 =	simm.s32 $0x20;
	s13 =	sadd.s32 $0x500, s6;
	[sflag:s9] =	ssyncset.done $0x0  }
.LBB2_2:
0x1f: {  	s16 =	sadd.s32 s14, s7  }
0x20: {  	[sflag:s9] =	ssyncadd.s32 $0xFFFFFB00;
	s14 =	smov.u32 s15;
	s17 =	sadd.s32 $0x10, s15  }
0x21: {  	[tilespmem:s2], [sflag:$0x1] =	stream.linear.gather [hbm4b:s16+s2], $0x80, $0x38;
	[tilespmem:$0x4F90] =	vst v63  }
0x22: {  	p1 =	sne.s32 s15, $0x7C0;
	_ =	swait.ge [sflag:s9], $0x80  }
0x23: {  	[sflag:s9] =	ssyncset.done $0x0  }
0x24: {  	[sflag:s9] =	ssyncadd.s32 $0xFFFFFF80  }
0x25: {  	[tilespmem:s10], [sflag:$0x1] =	stream.linear.gather [hbm4b:s13+s2], $0x2800, $0x38;
	[tilespmem:$0x4F90] =	vst v63  }
0x26: {  	_ =	swait.ge [sflag:s9], $0x2800  }
.Ltmp0:
0x27: {  	[sflag:s9] =	ssyncset.done $0x0;
	(pc) =	sbr.rel @p1 .LBB2_2-.Ltmp0, $4  }
0x28: {  	[sflag:s9] =	ssyncadd.s32 $0xFFFFD800  }
0x29: {  	[spmem:s1] =	stream.indirect.scatter.add.f32 [tilespmem:s10], [sflag:$0x1], $0x10, s2, s11, $0xb8;
	[tilespmem:$0x4F90] =	vst v63  }
0x2a: {  	_ =	swait.ge [sflag:s9], $0x500  }
0x2b: {  	s15 =	smov.u32 s17;
	s13 =	sadd.s32 $0x500, s13;
	[sflag:s9] =	ssyncset.done $0x0  }
0x2c: {  	s14 =	sadd.s32 s14, s7;
	[sflag:s9] =	ssyncadd.s32 $0xFFFFFB00  }
0x2d: {  	[tilespmem:s2], [sflag:$0x1] =	stream.linear.gather [hbm4b:s14+s2], $0x80, $0x38;
	[tilespmem:$0x4F90] =	vst v63  }
0x2e: {  	_ =	swait.ge [sflag:s9], $0x80  }
0x2f: {  	[sflag:s9] =	ssyncset.done $0x0  }
0x30: {  	[sflag:s9] =	ssyncadd.s32 $0xFFFFFF80  }
0x31: {  	[tilespmem:s10], [sflag:$0x1] =	stream.linear.gather [hbm4b:s13+s2], $0x2800, $0x38;
	[tilespmem:$0x4F90] =	vst v63  }
0x32: {  	_ =	swait.ge [sflag:s9], $0x2800  }
0x33: {  	[sflag:s9] =	ssyncset.done $0x0  }
0x34: {  	[sflag:s9] =	ssyncadd.s32 $0xFFFFD800  }
0x35: {  	[spmem:s1] =	stream.indirect.scatter.add.f32 [tilespmem:s10], [sflag:$0x1], $0x10, s2, s11, $0xb8;
	[tilespmem:$0x4F90] =	vst v63  }
0x36: {  	_ =	swait.ge [sflag:s9], $0x500  }
0x37: {  	[sflag:s9] =	ssyncset.done $0x0  }
0x38: {  	s12 =	sadd.s32 $0x1, s12;
	[sflag:s9] =	ssyncadd.s32 $0xFFFFFB00  }
0x39: {  	p1 =	sne.s32 s12, s5;
	s13 =	simm.s32 @!p0 $0x1C01;
	[bflag:$0x0] =	sbarrier.arrive $0xFFFF  }
0x3a: {  	[hbm:s4], [sflag:s13] =	dma.local @!p0 [spmem:s8], $0x27100  }
.Ltmp1:
0x3b: {  	_ = 	snop;
	(pc) =	sbr.rel @p1 .LBB2_1-.Ltmp1, $4  }
0x3c: {  	s13 =	simm.s32 @!p0 $0x1  }
0x3d: {  	_ =	swait.ge @!p0 [sflag:s13], $0x27100  }
0x3e: {  	[sflag:s13] =	ssyncset.done @!p0 $0x0  }
0x3f: {  	[sflag:s13] =	ssyncadd.s32 @!p0 $0xFFFD8F00  }
0x40: {  	_ =	sfence.sel $0x180000  }
0x41: {  	[bflag:$0x0] =	sbarrier.arrive $0xFFFF  }
0x42: {  	_ =	strace $0x9000005C  }
0x43: {  	s0 =	sadd.s32 @!p0 $0x100000, s0;
	[bflag:$0x2] =	sbarrier.arrive $0xFFFF  }
0x44: {  	[sflag:s0] =	ssyncadd.tile.s32 @!p0 $0x1;
	_ =	shalt  }
.Lfunc_end2:
_tile_overlayer_lowered:
.L_overlay_start_2:
0x45: {  	(tag) =	ssettag $0x2  }
0x46: {  	s0 =	rddreg [dreg:$0x0];
	s2 =	stileid.u32  }
0x47: {  	s1 =	rddreg [dreg:$0x1];
	p0 =	sne.s32 s2, $0x0  }
0x48: {  	s3 =	rddreg [dreg:$0x2];
	[bflag:$0x3] =	sbarrier.arrive $0xFFFF;
	s2 =	simm.s32 @!p0 $0x1C01  }
0x49: {  	[timem:s3], [sflag:s2] =	dma.local @!p0 [hbm:s0], s1  }
0x4a: {  	s0 =	simm.s32 @!p0 $0x1  }
0x4b: {  	_ =	swait.ge @!p0 [sflag:s0], s1  }
0x4c: {  	s1 =	ssub.s32 @!p0 $0x0, s1;
	[sflag:s0] =	ssyncset.done @!p0 $0x0  }
0x4d: {  	[sflag:s0] =	ssyncadd.s32 @!p0 s1  }
0x4e: {  	[bflag:$0x3] =	sbarrier.arrive $0xFFFF  }
0x4f: {  	_ =	shalt  }

</sc_bundles>
